<compile_context>
chip_gen: v7x
topology: tpu7x:2x2x1
jax: 0.10.2.dev20260603
libtpu: 0.0.44.dev20260713+nightly
codegen_flags: <defaults>
</compile_context>

<pallas_src>
import functools

import jax
import jax.numpy as jnp
from jax import lax
from jax.experimental import pallas as pl
from jax.experimental.pallas import tpu as pltpu
from jax.experimental.pallas import tpu_sc as plsc

N = 10000
E = 320000
D = 128
B = 4096
NC, NS = 2, 16
NW = NC * NS
EC = 128
CW = 80
CW0 = 144
CW1 = 2 * CW - CW0
IG = 16
EP = NW * CW * EC
ACC_N = NS * 640
RPT = ACC_N // NS
TAIL = N - (NS - 1) * RPT
SINK = N

_mesh = plsc.VectorSubcoreMesh(
    core_axis_name="c", subcore_axis_name="s", num_cores=NC, num_subcores=NS)


def _hop_body(with_deg, h_hbm, src_hbm, dst_hbm, part_hbm, deg_hbm,
              src_idx, dst_idx, rows0, rows1, ones, degv, acc, dega,
              sem0, sem1):
    c = lax.axis_index("c")
    s = lax.axis_index("s")

    def _zrows(i, carry):
        rows0[i // (D // 16), pl.ds((i % (D // 16)) * 16, 16)] = (
            jnp.zeros((16,), jnp.float32))
        return carry
    lax.fori_loop(0, EC * (D // 16), _zrows, 0)

    def _zones(i, carry):
        ones[pl.ds(i * 16, 16)] = jnp.ones((16,), jnp.float32)
        return carry
    lax.fori_loop(0, EC // 16, _zones, 0)

    def _zacc(i, carry):
        pltpu.sync_copy(rows0, acc.at[pl.ds(s * RPT + i * EC, EC)])
        if with_deg:
            pltpu.sync_copy(rows0.at[0], dega.at[pl.ds(s * RPT + i * EC, EC)])
        return carry
    lax.fori_loop(0, RPT // EC, _zacc, 0)

    plsc.subcore_barrier()

    base = jnp.where(c == 0, s * CW0, NS * CW0 + s * CW1)
    ng = jnp.where(c == 0, CW0 // IG, CW1 // IG)

    def _group(g, carry):
        pltpu.sync_copy(src_hbm.at[pl.ds(base + g * IG, IG)], src_idx)
        pltpu.sync_copy(dst_hbm.at[pl.ds(base + g * IG, IG)], dst_idx)
        pltpu.async_copy(h_hbm.at[src_idx.at[0]], rows0, sem0).wait()

        def _edge_pair(k, carry2):
            j0 = 2 * k
            d1 = pltpu.async_copy(h_hbm.at[src_idx.at[j0 + 1]], rows1, sem1)
            if with_deg:
                pltpu.sync_copy(ones, dega.at[dst_idx.at[j0]], add=True)
            pltpu.sync_copy(rows0, acc.at[dst_idx.at[j0]], add=True)
            d1.wait()

            @pl.when(k < IG // 2 - 1)
            def _():
                pltpu.async_copy(h_hbm.at[src_idx.at[j0 + 2]], rows0, sem0)
            if with_deg:
                pltpu.sync_copy(ones, dega.at[dst_idx.at[j0 + 1]], add=True)
            pltpu.sync_copy(rows1, acc.at[dst_idx.at[j0 + 1]], add=True)

            @pl.when(k < IG // 2 - 1)
            def _():
                pltpu.make_async_copy(
                    h_hbm.at[src_idx.at[0]], rows0, sem0).wait()
            return carry2
        lax.fori_loop(0, IG // 2, _edge_pair, 0)
        return carry
    lax.fori_loop(0, ng, _group, 0)

    plsc.subcore_barrier()

    @pl.when(s < NS - 1)
    def _():
        pltpu.sync_copy(acc.at[pl.ds(s * RPT, RPT)],
                        part_hbm.at[c].at[pl.ds(s * RPT, RPT)])
        if with_deg:
            pltpu.sync_copy(dega.at[pl.ds(s * RPT, RPT)], degv)
            pltpu.sync_copy(degv, deg_hbm.at[pl.ds(c * N + s * RPT, RPT)])

    @pl.when(s == NS - 1)
    def _():
        pltpu.sync_copy(acc.at[pl.ds((NS - 1) * RPT, TAIL)],
                        part_hbm.at[c].at[pl.ds((NS - 1) * RPT, TAIL)])
        if with_deg:
            pltpu.sync_copy(dega.at[pl.ds((NS - 1) * RPT, TAIL)],
                            degv.at[pl.ds(0, TAIL)])
            pltpu.sync_copy(degv.at[pl.ds(0, TAIL)],
                            deg_hbm.at[pl.ds(c * N + (NS - 1) * RPT, TAIL)])


def _make_hop(with_deg):
    return pl.kernel(
        functools.partial(_hop_body, with_deg),
        out_type=(jax.ShapeDtypeStruct((NC, N, D), jnp.float32),
                  jax.ShapeDtypeStruct((NC * N,), jnp.float32)),
        mesh=_mesh,
        scratch_types=[
            pltpu.VMEM((IG, EC), jnp.int32),
            pltpu.VMEM((IG, EC), jnp.int32),
            pltpu.VMEM((EC, D), jnp.float32),
            pltpu.VMEM((EC, D), jnp.float32),
            pltpu.VMEM((EC,), jnp.float32),
            pltpu.VMEM((RPT,), jnp.float32),
            pltpu.VMEM_SHARED((ACC_N, D), jnp.float32),
            pltpu.VMEM_SHARED((ACC_N,), jnp.float32),
            pltpu.SemaphoreType.DMA,
            pltpu.SemaphoreType.DMA,
        ],
    )


_hop_deg = _make_hop(True)
_hop_nodeg = _make_hop(False)


def _combine_body(p_ref, d_ref, o_ref):
    d = d_ref[0, :] + d_ref[1, :]
    r = 1.0 / jnp.maximum(d, 1.0)
    o_ref[...] = (p_ref[0] + p_ref[1]) * r[:, None]


_combine = pl.pallas_call(
    _combine_body,
    out_shape=jax.ShapeDtypeStruct((N, D), jnp.float32),
)


def _query_body(h2_hbm, emb_hbm, ids_hbm, q0_hbm, q1_hbm, idv, r0, r1, sem):
    c = lax.axis_index("c")
    s = lax.axis_index("s")
    w = s * NC + c
    pltpu.sync_copy(ids_hbm.at[w], idv)
    pltpu.async_copy(h2_hbm.at[idv], r0, sem).wait()
    pltpu.sync_copy(r0, q0_hbm.at[pl.ds(w * (B // NW), B // NW)])
    pltpu.async_copy(emb_hbm.at[idv], r1, sem).wait()
    pltpu.sync_copy(r1, q1_hbm.at[pl.ds(w * (B // NW), B // NW)])


_query = pl.kernel(
    _query_body,
    out_type=(jax.ShapeDtypeStruct((B, D), jnp.float32),
              jax.ShapeDtypeStruct((B, D), jnp.float32)),
    mesh=_mesh,
    scratch_types=[
        pltpu.VMEM((B // NW,), jnp.int32),
        pltpu.VMEM((B // NW, D), jnp.float32),
        pltpu.VMEM((B // NW, D), jnp.float32),
        pltpu.SemaphoreType.DMA,
    ],
)


def _final_body(q0_ref, q1_ref, w_ref, b_ref, o_ref):
    f0 = jnp.dot(q0_ref[...], w_ref[...], preferred_element_type=jnp.float32)
    f1 = jnp.dot(q1_ref[...], b_ref[...], preferred_element_type=jnp.float32)
    o_ref[...] = jnp.maximum(f0 + f1, 0.0)


_final = pl.pallas_call(
    _final_body,
    out_shape=jax.ShapeDtypeStruct((B, D), jnp.float32),
)


def kernel(node_ids, edge_index, embed_table, weight, bias):
    src = edge_index[0]
    dst = edge_index[1]
    pad = EP - E
    srcp = jnp.concatenate(
        [src, jnp.zeros((pad,), jnp.int32)]).reshape(NW * CW, EC)
    dstp = jnp.concatenate(
        [dst, jnp.full((pad,), SINK, jnp.int32)]).reshape(NW * CW, EC)

    part1, deg1 = _hop_deg(embed_table, srcp, dstp)
    degs = deg1.reshape(NC, N)
    h1 = _combine(part1, degs)
    part2, _ = _hop_nodeg(h1, srcp, dstp)
    h2 = _combine(part2, degs)

    ids = node_ids.reshape(NW, B // NW)
    q0, q1 = _query(h2, embed_table, ids)
    return _final(q0, q1, weight, bias.reshape(D, 1))

# --- scband reference (transcript-rebuilt; emitter-appended) ---
"""Pipeline reference for scband-graph-model-72060961292957 (READ-ONLY COPY).

The authoritative reference and input builder live on the scoring server;
editing this copy changes nothing except your own understanding.
"""

import jax, jax.numpy as jnp
import numpy as np

N_NODES = 10000
N_EDGES = 320000
D = 128
K_HOP = 2
BATCH = 4096

def setup_inputs(seed: int = 0) -> dict:
    key = jax.random.key(seed)
    k1, k2, k3, k4, k5 = jax.random.split(key, 5)
    node_ids = jax.random.randint(k1, (BATCH,), 0, N_NODES, dtype=jnp.int32)
    edge_index = jax.random.randint(k2, (2, N_EDGES), 0, N_NODES, dtype=jnp.int32)
    embed_table = jax.random.normal(k3, (N_NODES, D), dtype=jnp.float32)
    weight = jax.random.normal(k4, (D, D), dtype=jnp.float32) * 0.05
    bias = jax.random.normal(k5, (D,), dtype=jnp.float32) * 0.05
    return {"node_ids": node_ids, "edge_index": edge_index, "embed_table": embed_table, "weight": weight, "bias": bias}

def reference(node_ids, edge_index, embed_table, weight, bias):
    src = edge_index[0]
    dst = edge_index[1]
    # k-hop mean-aggregation over the full graph (GraphAggregator)
    deg = jax.ops.segment_sum(jnp.ones((N_EDGES,), dtype=jnp.float32), dst, num_segments=N_NODES)
    deg = jnp.maximum(deg, 1.0)
    h = embed_table
    for _ in range(K_HOP):
        msgs = h[src]                                   # gather neighbor states
        h = jax.ops.segment_sum(msgs, dst, num_segments=N_NODES) / deg[:, None]
    # features[0]: aggregated neighborhood embedding of the query nodes
    feat0 = jnp.take(h, node_ids, axis=0) @ weight      # [B, out_features]
    # features[1]: raw embedding of the query nodes, projected by bias vector
    feat1 = jnp.take(embed_table, node_ids, axis=0) @ bias  # [B]
    # _linear_transform: sum + relu (dropout is identity with p=0.0)
    return jax.nn.relu(feat0 + feat1[:, None])

if __name__ == "__main__":
    import jax
    _d = setup_inputs()
    print(jax.jit(kernel)(*tuple(_d.values())))

</pallas_src>

<mosaic_0001>
#map = affine_map<(d0, d1) -> (0, 0)>
#map1 = affine_map<(d0, d1) -> (0, 0, 0)>
#map2 = affine_map<(d0, d1) -> (0)>
module attributes {stable_mosaic.version = 14 : i64} {
  func.func @_hop_body(%arg0: i32, %arg1: i32, %arg2: memref<10000x128xf32, #tpu.memory_space<hbm>>, %arg3: memref<2560x128xi32, #tpu.memory_space<hbm>>, %arg4: memref<2560x128xi32, #tpu.memory_space<hbm>>, %arg5: memref<2x10000x128xf32, #tpu.memory_space<hbm>>, %arg6: memref<20000xf32, #tpu.memory_space<hbm>>, %arg7: memref<16x128xi32, #tpu.memory_space<vmem>>, %arg8: memref<16x128xi32, #tpu.memory_space<vmem>>, %arg9: memref<128x128xf32, #tpu.memory_space<vmem>>, %arg10: memref<128x128xf32, #tpu.memory_space<vmem>>, %arg11: memref<128xf32, #tpu.memory_space<vmem>>, %arg12: memref<640xf32, #tpu.memory_space<vmem>>, %arg13: memref<10240x128xf32, #tpu.memory_space<vmem_shared>>, %arg14: memref<10240xf32, #tpu.memory_space<vmem_shared>>, %arg15: memref<!tpu.dma_semaphore, #tpu.memory_space<semaphore_mem>>, %arg16: memref<!tpu.dma_semaphore, #tpu.memory_space<semaphore_mem>>) attributes {dimension_semantics = [#tpu.dimension_semantics<core_parallel>, #tpu.dimension_semantics<subcore_parallel>], iteration_bounds = array<i64: 2, 16>, scalar_prefetch = 0 : i64, scratch_operands = 10 : i64, tpu.core_type = #tpu.core_type<sc_vector_subcore>, window_params = [{transform_indices = #map}, {transform_indices = #map}, {transform_indices = #map}, {transform_indices = #map1}, {transform_indices = #map2}]} {
    %scan3A = arith.constant 0 : i32
    %scan3A_0 = arith.constant 0 : i32
    %scan3A_1 = arith.constant 1024 : i32
    %scan3A_2 = arith.addi %scan3A_0, %scan3A_1 : i32
    %scan3A_3 = arith.constant 1 : i32
    scf.for %scan3A_43 = %scan3A_0 to %scan3A_2 step %scan3A_3  : i32 {
      %broadcast_in_dim3A = arith.constant 0.000000e+00 : f32
      %broadcast_in_dim3A_44 = vector.broadcast %broadcast_in_dim3A : f32 to vector<16xf32>
      %jit3A_45 = arith.constant 8 : i32
      %div3A = arith.divsi %scan3A_43, %jit3A_45 : i32
      %sign3A = arith.constant 0 : i32
      %sign3A_46 = arith.cmpi sgt, %scan3A_43, %sign3A : i32
      %sign3A_47 = arith.extui %sign3A_46 : i1 to i32
      %sign3A_48 = arith.constant 0 : i32
      %sign3A_49 = arith.cmpi slt, %scan3A_43, %sign3A_48 : i32
      %sign3A_50 = arith.extui %sign3A_49 : i1 to i32
      %sign3A_51 = arith.subi %sign3A_47, %sign3A_50 : i32
      %sign3A_52 = arith.constant 0 : i32
      %sign3A_53 = arith.cmpi sgt, %jit3A_45, %sign3A_52 : i32
      %sign3A_54 = arith.extui %sign3A_53 : i1 to i32
      %sign3A_55 = arith.constant 0 : i32
      %sign3A_56 = arith.cmpi slt, %jit3A_45, %sign3A_55 : i32
      %sign3A_57 = arith.extui %sign3A_56 : i1 to i32
      %sign3A_58 = arith.subi %sign3A_54, %sign3A_57 : i32
      %ne3A = arith.cmpi ne, %sign3A_51, %sign3A_58 : i32
      %rem3A = arith.remsi %scan3A_43, %jit3A_45 : i32
      %ne3A_59 = arith.constant 0 : i32
      %ne3A_60 = arith.cmpi ne, %rem3A, %ne3A_59 : i32
      %and3A = arith.andi %ne3A, %ne3A_60 : i1
      %sub3A = arith.constant 1 : i32
      %sub3A_61 = arith.subi %div3A, %sub3A : i32
      %select_n3A_62 = arith.select %and3A, %sub3A_61, %div3A : i32
      %jit3A_63 = arith.constant 8 : i32
      %eq3A_64 = arith.constant 0 : i32
      %eq3A_65 = arith.cmpi eq, %jit3A_63, %eq3A_64 : i32
      %jit3A_66 = arith.constant 1 : i32
      %select_n3A_67 = arith.select %eq3A_65, %jit3A_66, %jit3A_63 : i32
      %rem3A_68 = arith.remsi %scan3A_43, %select_n3A_67 : i32
      %ne3A_69 = arith.constant 0 : i32
      %ne3A_70 = arith.cmpi ne, %rem3A_68, %ne3A_69 : i32
      %lt3A_71 = arith.constant 0 : i32
      %lt3A_72 = arith.cmpi slt, %rem3A_68, %lt3A_71 : i32
      %lt3A_73 = arith.constant 0 : i32
      %lt3A_74 = arith.cmpi slt, %select_n3A_67, %lt3A_73 : i32
      %ne3A_75 = arith.xori %lt3A_72, %lt3A_74 : i1
      %and3A_76 = arith.andi %ne3A_75, %ne3A_70 : i1
      %add3A_77 = arith.addi %rem3A_68, %select_n3A_67 : i32
      %select_n3A_78 = arith.select %and3A_76, %add3A_77, %rem3A_68 : i32
      %mul3A_79 = arith.constant 16 : i32
      %mul3A_80 = arith.muli %select_n3A_78, %mul3A_79 : i32
      %swap3A = arith.index_cast %select_n3A_62 : i32 to index
      %swap3A_81 = arith.index_cast %mul3A_80 : i32 to index
      %swap3A_82 = tpu.vector_load %arg9[%swap3A, %swap3A_81] {strides = array<i32>} : memref<128x128xf32, #tpu.memory_space<vmem>>, vector<1x16xf32>,
      %swap3A_83 = vector.shape_cast %swap3A_82 : vector<1x16xf32> to vector<16xf32>
      %swap3A_84 = vector.shape_cast %broadcast_in_dim3A_44 : vector<16xf32> to vector<1x16xf32>
      tpu.vector_store %arg9[%swap3A, %swap3A_81], %swap3A_84 {strides = array<i32>} : memref<128x128xf32, #tpu.memory_space<vmem>>, vector<1x16xf32>,
    }
    %scan3A_4 = arith.constant 1024 : i32
    %scan3A_5 = arith.constant 0 : i32
    %scan3A_6 = arith.constant 0 : i32
    %scan3A_7 = arith.constant 8 : i32
    %scan3A_8 = arith.addi %scan3A_6, %scan3A_7 : i32
    %scan3A_9 = arith.constant 1 : i32
    scf.for %scan3A_43 = %scan3A_6 to %scan3A_8 step %scan3A_9  : i32 {
      %broadcast_in_dim3A = arith.constant 1.000000e+00 : f32
      %broadcast_in_dim3A_44 = vector.broadcast %broadcast_in_dim3A : f32 to vector<16xf32>
      %mul3A_45 = arith.constant 16 : i32
      %mul3A_46 = arith.muli %scan3A_43, %mul3A_45 : i32
      %swap3A = arith.index_cast %mul3A_46 : i32 to index
      %swap3A_47 = tpu.vector_load %arg11[%swap3A] {strides = array<i32>} : memref<128xf32, #tpu.memory_space<vmem>>, vector<16xf32>,
      %swap3A_48 = vector.shape_cast %swap3A_47 : vector<16xf32> to vector<16xf32>
      %swap3A_49 = vector.shape_cast %broadcast_in_dim3A_44 : vector<16xf32> to vector<16xf32>
      tpu.vector_store %arg11[%swap3A], %swap3A_49 {strides = array<i32>} : memref<128xf32, #tpu.memory_space<vmem>>, vector<16xf32>,
    }
    %scan3A_10 = arith.constant 8 : i32
    %scan3A_11 = arith.constant 0 : i32
    %scan3A_12 = arith.constant 0 : i32
    %scan3A_13 = arith.constant 5 : i32
    %scan3A_14 = arith.addi %scan3A_12, %scan3A_13 : i32
    %scan3A_15 = arith.constant 1 : i32
    scf.for %scan3A_43 = %scan3A_12 to %scan3A_14 step %scan3A_15  : i32 {
      %mul3A_44 = arith.constant 640 : i32
      %mul3A_45 = arith.muli %arg1, %mul3A_44 : i32
      %mul3A_46 = arith.constant 128 : i32
      %mul3A_47 = arith.muli %scan3A_43, %mul3A_46 : i32
      %add3A_48 = arith.addi %mul3A_45, %mul3A_47 : i32
      "tpu.region"() ({
        %run_scoped3A = tpu.sem_alloc : memref<!tpu.dma_semaphore, #tpu.memory_space<semaphore_mem>>
        %dma_start3A = arith.constant 0 : i32
        %dma_start3A_49 = tpu.memref_slice %arg13[%add3A_48, %dma_start3A] : memref<10240x128xf32, #tpu.memory_space<vmem_shared>> -> memref<128x128xf32, #tpu.memory_space<vmem_shared>>
        %dma_start3A_50 = arith.constant 0 : i32
        %dma_start3A_51 = tpu.memref_slice %arg13[%add3A_48, %dma_start3A_50] : memref<10240x128xf32, #tpu.memory_space<vmem_shared>> -> memref<128x128xf32, #tpu.memory_space<vmem_shared>>
        tpu.enqueue_dma source(%arg9 : memref<128x128xf32, #tpu.memory_space<vmem>>) target(%dma_start3A_51 : memref<128x128xf32, #tpu.memory_space<vmem_shared>>) target_semaphore(%run_scoped3A : memref<!tpu.dma_semaphore, #tpu.memory_space<semaphore_mem>>)
        %dma_wait3A = arith.constant 0 : i32
        %dma_wait3A_52 = tpu.memref_slice %arg13[%add3A_48, %dma_wait3A] : memref<10240x128xf32, #tpu.memory_space<vmem_shared>> -> memref<128x128xf32, #tpu.memory_space<vmem_shared>>
        %dma_wait3A_53 = arith.constant 0 : i32
        %dma_wait3A_54 = tpu.memref_slice %arg13[%add3A_48, %dma_wait3A_53] : memref<10240x128xf32, #tpu.memory_space<vmem_shared>> -> memref<128x128xf32, #tpu.memory_space<vmem_shared>>
        tpu.wait_dma2 semaphore(%run_scoped3A : memref<!tpu.dma_semaphore, #tpu.memory_space<semaphore_mem>>) src(%arg9 : memref<128x128xf32, #tpu.memory_space<vmem>>) dst(%dma_wait3A_54 : memref<128x128xf32, #tpu.memory_space<vmem_shared>>)
        tpu.yield
      }) : () -> ()
    }
    %scan3A_16 = arith.constant 5 : i32
    %barrier3A = arith.constant 0 : index
    tpu.barrier barrier_id(%barrier3A)
    %eq3A = arith.constant 0 : i32
    %eq3A_17 = arith.cmpi eq, %arg0, %eq3A : i32
    %mul3A = arith.constant 144 : i32
    %mul3A_18 = arith.muli %arg1, %mul3A : i32
    %mul3A_19 = arith.constant 16 : i32
    %mul3A_20 = arith.muli %arg1, %mul3A_19 : i32
    %add3A = arith.constant 2304 : i32
    %add3A_21 = arith.addi %add3A, %mul3A_20 : i32
    %select_n3A = arith.select %eq3A_17, %mul3A_18, %add3A_21 : i32
    %eq3A_22 = arith.constant 0 : i32
    %eq3A_23 = arith.cmpi eq, %arg0, %eq3A_22 : i32
    %jit3A = arith.constant 9 : i32
    %jit3A_24 = arith.constant 1 : i32
    %select_n3A_25 = arith.select %eq3A_23, %jit3A, %jit3A_24 : i32
    %while3A = arith.constant 0 : i32
    %while3A_26 = arith.constant 0 : i32
    %while3A_27 = arith.subi %select_n3A_25, %while3A_26 : i32
    %while3A_28 = arith.addi %while3A_26, %while3A_27 : i32
    %while3A_29 = arith.constant 1 : i32
    %while3A_30 = arith.divsi %while3A_27, %while3A_29 : i32
    %while3A_31 = arith.muli %while3A_30, %while3A_29 : i32
    %while3A_32 = arith.addi %while3A_26, %while3A_31 : i32
    %while3A_33 = arith.constant 1 : i32
    scf.for %while3A_43 = %while3A_26 to %while3A_32 step %while3A_33  : i32 {
      %mul3A_44 = arith.constant 16 : i32
      %mul3A_45 = arith.muli %while3A_43, %mul3A_44 : i32
      %add3A_46 = arith.addi %select_n3A, %mul3A_45 : i32
      "tpu.region"() ({
        %run_scoped3A = tpu.sem_alloc : memref<!tpu.dma_semaphore, #tpu.memory_space<semaphore_mem>>
        %dma_start3A_68 = arith.constant 0 : i32
        %dma_start3A_69 = tpu.memref_slice %arg3[%add3A_46, %dma_start3A_68] : memref<2560x128xi32, #tpu.memory_space<hbm>> -> memref<16x128xi32, #tpu.memory_space<hbm>>
        %dma_start3A_70 = arith.constant 0 : i32
        %dma_start3A_71 = tpu.memref_slice %arg3[%add3A_46, %dma_start3A_70] : memref<2560x128xi32, #tpu.memory_space<hbm>> -> memref<16x128xi32, #tpu.memory_space<hbm>>
        tpu.enqueue_dma source(%dma_start3A_71 : memref<16x128xi32, #tpu.memory_space<hbm>>) target(%arg7 : memref<16x128xi32, #tpu.memory_space<vmem>>) target_semaphore(%run_scoped3A : memref<!tpu.dma_semaphore, #tpu.memory_space<semaphore_mem>>)
        %dma_wait3A_72 = arith.constant 0 : i32
        %dma_wait3A_73 = tpu.memref_slice %arg3[%add3A_46, %dma_wait3A_72] : memref<2560x128xi32, #tpu.memory_space<hbm>> -> memref<16x128xi32, #tpu.memory_space<hbm>>
        %dma_wait3A_74 = arith.constant 0 : i32
        %dma_wait3A_75 = tpu.memref_slice %arg3[%add3A_46, %dma_wait3A_74] : memref<2560x128xi32, #tpu.memory_space<hbm>> -> memref<16x128xi32, #tpu.memory_space<hbm>>
        tpu.wait_dma2 semaphore(%run_scoped3A : memref<!tpu.dma_semaphore, #tpu.memory_space<semaphore_mem>>) src(%dma_wait3A_75 : memref<16x128xi32, #tpu.memory_space<hbm>>) dst(%arg7 : memref<16x128xi32, #tpu.memory_space<vmem>>)
        tpu.yield
      }) : () -> ()
      %mul3A_47 = arith.constant 16 : i32
      %mul3A_48 = arith.muli %while3A_43, %mul3A_47 : i32
      %add3A_49 = arith.addi %select_n3A, %mul3A_48 : i32
      "tpu.region"() ({
        %run_scoped3A = tpu.sem_alloc : memref<!tpu.dma_semaphore, #tpu.memory_space<semaphore_mem>>
        %dma_start3A_68 = arith.constant 0 : i32
        %dma_start3A_69 = tpu.memref_slice %arg4[%add3A_49, %dma_start3A_68] : memref<2560x128xi32, #tpu.memory_space<hbm>> -> memref<16x128xi32, #tpu.memory_space<hbm>>
        %dma_start3A_70 = arith.constant 0 : i32
        %dma_start3A_71 = tpu.memref_slice %arg4[%add3A_49, %dma_start3A_70] : memref<2560x128xi32, #tpu.memory_space<hbm>> -> memref<16x128xi32, #tpu.memory_space<hbm>>
        tpu.enqueue_dma source(%dma_start3A_71 : memref<16x128xi32, #tpu.memory_space<hbm>>) target(%arg8 : memref<16x128xi32, #tpu.memory_space<vmem>>) target_semaphore(%run_scoped3A : memref<!tpu.dma_semaphore, #tpu.memory_space<semaphore_mem>>)
        %dma_wait3A_72 = arith.constant 0 : i32
        %dma_wait3A_73 = tpu.memref_slice %arg4[%add3A_49, %dma_wait3A_72] : memref<2560x128xi32, #tpu.memory_space<hbm>> -> memref<16x128xi32, #tpu.memory_space<hbm>>
        %dma_wait3A_74 = arith.constant 0 : i32
        %dma_wait3A_75 = tpu.memref_slice %arg4[%add3A_49, %dma_wait3A_74] : memref<2560x128xi32, #tpu.memory_space<hbm>> -> memref<16x128xi32, #tpu.memory_space<hbm>>
        tpu.wait_dma2 semaphore(%run_scoped3A : memref<!tpu.dma_semaphore, #tpu.memory_space<semaphore_mem>>) src(%dma_wait3A_75 : memref<16x128xi32, #tpu.memory_space<hbm>>) dst(%arg8 : memref<16x128xi32, #tpu.memory_space<vmem>>)
        tpu.yield
      }) : () -> ()
      %dma_start3A = arith.constant 0 : i32
      %dma_start3A_50 = arith.constant 0 : i32
      %dma_start3A_51 = tpu.memref_slice %arg7[%dma_start3A, %dma_start3A_50] : memref<16x128xi32, #tpu.memory_space<vmem>> -> memref<1x128xi32, #tpu.memory_space<vmem>>
      %dma_start3A_52 = tpu.memref_squeeze %dma_start3A_51 : memref<1x128xi32, #tpu.memory_space<vmem>> -> memref<128xi32, #tpu.memory_space<vmem>>
      %dma_start3A_53 = arith.constant 0 : i32
      %dma_start3A_54 = arith.constant 0 : i32
      %dma_start3A_55 = tpu.memref_slice %arg2[%dma_start3A_53, %dma_start3A_54] : memref<10000x128xf32, #tpu.memory_space<hbm>> -> memref<10000x128xf32, #tpu.memory_space<hbm>>
      tpu.enqueue_indirect_dma source(%dma_start3A_55 : memref<10000x128xf32, #tpu.memory_space<hbm>>) target(%arg9 : memref<128x128xf32, #tpu.memory_space<vmem>>) offsets(%dma_start3A_52 : memref<128xi32, #tpu.memory_space<vmem>>) semaphore(%arg15 : memref<!tpu.dma_semaphore, #tpu.memory_space<semaphore_mem>>)
      %dma_wait3A = arith.constant 0 : i32
      %dma_wait3A_56 = arith.constant 0 : i32
      %dma_wait3A_57 = tpu.memref_slice %arg7[%dma_wait3A, %dma_wait3A_56] : memref<16x128xi32, #tpu.memory_space<vmem>> -> memref<1x128xi32, #tpu.memory_space<vmem>>
      %dma_wait3A_58 = tpu.memref_squeeze %dma_wait3A_57 : memref<1x128xi32, #tpu.memory_space<vmem>> -> memref<128xi32, #tpu.memory_space<vmem>>
      %dma_wait3A_59 = arith.constant 0 : i32
      %dma_wait3A_60 = arith.constant 0 : i32
      %dma_wait3A_61 = tpu.memref_slice %arg2[%dma_wait3A_59, %dma_wait3A_60] : memref<10000x128xf32, #tpu.memory_space<hbm>> -> memref<10000x128xf32, #tpu.memory_space<hbm>>
      tpu.wait_indirect_dma semaphore(%arg15 : memref<!tpu.dma_semaphore, #tpu.memory_space<semaphore_mem>>) src(%dma_wait3A_61 : memref<10000x128xf32, #tpu.memory_space<hbm>>) dst(%arg9 : memref<128x128xf32, #tpu.memory_space<vmem>>)
      %scan3A_62 = arith.constant 0 : i32
      %scan3A_63 = arith.constant 0 : i32
      %scan3A_64 = arith.constant 8 : i32
      %scan3A_65 = arith.addi %scan3A_63, %scan3A_64 : i32
      %scan3A_66 = arith.constant 1 : i32
      scf.for %scan3A_68 = %scan3A_63 to %scan3A_65 step %scan3A_66  : i32 {
        %mul3A_69 = arith.constant 2 : i32
        %mul3A_70 = arith.muli %mul3A_69, %scan3A_68 : i32
        %add3A_71 = arith.constant 1 : i32
        %add3A_72 = arith.addi %mul3A_70, %add3A_71 : i32
        %dma_start3A_73 = arith.constant 0 : i32
        %dma_start3A_74 = tpu.memref_slice %arg7[%add3A_72, %dma_start3A_73] : memref<16x128xi32, #tpu.memory_space<vmem>> -> memref<1x128xi32, #tpu.memory_space<vmem>>
        %dma_start3A_75 = tpu.memref_squeeze %dma_start3A_74 : memref<1x128xi32, #tpu.memory_space<vmem>> -> memref<128xi32, #tpu.memory_space<vmem>>
        %dma_start3A_76 = arith.constant 0 : i32
        %dma_start3A_77 = arith.constant 0 : i32
        %dma_start3A_78 = tpu.memref_slice %arg2[%dma_start3A_76, %dma_start3A_77] : memref<10000x128xf32, #tpu.memory_space<hbm>> -> memref<10000x128xf32, #tpu.memory_space<hbm>>
        tpu.enqueue_indirect_dma source(%dma_start3A_78 : memref<10000x128xf32, #tpu.memory_space<hbm>>) target(%arg10 : memref<128x128xf32, #tpu.memory_space<vmem>>) offsets(%dma_start3A_75 : memref<128xi32, #tpu.memory_space<vmem>>) semaphore(%arg16 : memref<!tpu.dma_semaphore, #tpu.memory_space<semaphore_mem>>)
        "tpu.region"() ({
          %run_scoped3A = tpu.sem_alloc : memref<!tpu.dma_semaphore, #tpu.memory_space<semaphore_mem>>
          %dma_start3A_97 = arith.constant 0 : i32
          %dma_start3A_98 = tpu.memref_slice %arg8[%mul3A_70, %dma_start3A_97] : memref<16x128xi32, #tpu.memory_space<vmem>> -> memref<1x128xi32, #tpu.memory_space<vmem>>
          %dma_start3A_99 = tpu.memref_squeeze %dma_start3A_98 : memref<1x128xi32, #tpu.memory_space<vmem>> -> memref<128xi32, #tpu.memory_space<vmem>>
          %dma_start3A_100 = arith.constant 0 : i32
          %dma_start3A_101 = arith.constant 0 : i32
          %dma_start3A_102 = tpu.memref_slice %arg13[%dma_start3A_100, %dma_start3A_101] : memref<10240x128xf32, #tpu.memory_space<vmem_shared>> -> memref<10240x128xf32, #tpu.memory_space<vmem_shared>>
          tpu.enqueue_indirect_dma source(%arg9 : memref<128x128xf32, #tpu.memory_space<vmem>>) target(%dma_start3A_102 : memref<10240x128xf32, #tpu.memory_space<vmem_shared>>) offsets(%dma_start3A_99 : memref<128xi32, #tpu.memory_space<vmem>>) semaphore(%run_scoped3A : memref<!tpu.dma_semaphore, #tpu.memory_space<semaphore_mem>>) {add = true}
          %dma_wait3A_103 = arith.constant 0 : i32
          %dma_wait3A_104 = tpu.memref_slice %arg8[%mul3A_70, %dma_wait3A_103] : memref<16x128xi32, #tpu.memory_space<vmem>> -> memref<1x128xi32, #tpu.memory_space<vmem>>
          %dma_wait3A_105 = tpu.memref_squeeze %dma_wait3A_104 : memref<1x128xi32, #tpu.memory_space<vmem>> -> memref<128xi32, #tpu.memory_space<vmem>>
          %dma_wait3A_106 = arith.constant 0 : i32
          %dma_wait3A_107 = arith.constant 0 : i32
          %dma_wait3A_108 = tpu.memref_slice %arg13[%dma_wait3A_106, %dma_wait3A_107] : memref<10240x128xf32, #tpu.memory_space<vmem_shared>> -> memref<10240x128xf32, #tpu.memory_space<vmem_shared>>
          tpu.wait_indirect_dma semaphore(%run_scoped3A : memref<!tpu.dma_semaphore, #tpu.memory_space<semaphore_mem>>) src(%arg9 : memref<128x128xf32, #tpu.memory_space<vmem>>) dst(%dma_wait3A_108 : memref<10240x128xf32, #tpu.memory_space<vmem_shared>>)
          tpu.yield
        }) : () -> ()
        %dma_wait3A_79 = arith.constant 0 : i32
        %dma_wait3A_80 = tpu.memref_slice %arg7[%add3A_72, %dma_wait3A_79] : memref<16x128xi32, #tpu.memory_space<vmem>> -> memref<1x128xi32, #tpu.memory_space<vmem>>
        %dma_wait3A_81 = tpu.memref_squeeze %dma_wait3A_80 : memref<1x128xi32, #tpu.memory_space<vmem>> -> memref<128xi32, #tpu.memory_space<vmem>>
        %dma_wait3A_82 = arith.constant 0 : i32
        %dma_wait3A_83 = arith.constant 0 : i32
        %dma_wait3A_84 = tpu.memref_slice %arg2[%dma_wait3A_82, %dma_wait3A_83] : memref<10000x128xf32, #tpu.memory_space<hbm>> -> memref<10000x128xf32, #tpu.memory_space<hbm>>
        tpu.wait_indirect_dma semaphore(%arg16 : memref<!tpu.dma_semaphore, #tpu.memory_space<semaphore_mem>>) src(%dma_wait3A_84 : memref<10000x128xf32, #tpu.memory_space<hbm>>) dst(%arg10 : memref<128x128xf32, #tpu.memory_space<vmem>>)
        %lt3A_85 = arith.constant 7 : i32
        %lt3A_86 = arith.cmpi slt, %scan3A_68, %lt3A_85 : i32
        %convert_element_type3A_87 = arith.extui %lt3A_86 : i1 to i32
        %cond3A_88 = arith.constant 0 : i32
        %cond3A_89 = arith.cmpi ne, %convert_element_type3A_87, %cond3A_88 : i32
        scf.if %cond3A_89 {
          %add3A_97 = arith.constant 2 : i32
          %add3A_98 = arith.addi %mul3A_70, %add3A_97 : i32
          %dma_start3A_99 = arith.constant 0 : i32
          %dma_start3A_100 = tpu.memref_slice %arg7[%add3A_98, %dma_start3A_99] : memref<16x128xi32, #tpu.memory_space<vmem>> -> memref<1x128xi32, #tpu.memory_space<vmem>>
          %dma_start3A_101 = tpu.memref_squeeze %dma_start3A_100 : memref<1x128xi32, #tpu.memory_space<vmem>> -> memref<128xi32, #tpu.memory_space<vmem>>
          %dma_start3A_102 = arith.constant 0 : i32
          %dma_start3A_103 = arith.constant 0 : i32
          %dma_start3A_104 = tpu.memref_slice %arg2[%dma_start3A_102, %dma_start3A_103] : memref<10000x128xf32, #tpu.memory_space<hbm>> -> memref<10000x128xf32, #tpu.memory_space<hbm>>
          tpu.enqueue_indirect_dma source(%dma_start3A_104 : memref<10000x128xf32, #tpu.memory_space<hbm>>) target(%arg9 : memref<128x128xf32, #tpu.memory_space<vmem>>) offsets(%dma_start3A_101 : memref<128xi32, #tpu.memory_space<vmem>>) semaphore(%arg15 : memref<!tpu.dma_semaphore, #tpu.memory_space<semaphore_mem>>)
        } else {
        }
        %add3A_90 = arith.constant 1 : i32
        %add3A_91 = arith.addi %mul3A_70, %add3A_90 : i32
        "tpu.region"() ({
          %run_scoped3A = tpu.sem_alloc : memref<!tpu.dma_semaphore, #tpu.memory_space<semaphore_mem>>
          %dma_start3A_97 = arith.constant 0 : i32
          %dma_start3A_98 = tpu.memref_slice %arg8[%add3A_91, %dma_start3A_97] : memref<16x128xi32, #tpu.memory_space<vmem>> -> memref<1x128xi32, #tpu.memory_space<vmem>>
          %dma_start3A_99 = tpu.memref_squeeze %dma_start3A_98 : memref<1x128xi32, #tpu.memory_space<vmem>> -> memref<128xi32, #tpu.memory_space<vmem>>
          %dma_start3A_100 = arith.constant 0 : i32
          %dma_start3A_101 = arith.constant 0 : i32
          %dma_start3A_102 = tpu.memref_slice %arg13[%dma_start3A_100, %dma_start3A_101] : memref<10240x128xf32, #tpu.memory_space<vmem_shared>> -> memref<10240x128xf32, #tpu.memory_space<vmem_shared>>
          tpu.enqueue_indirect_dma source(%arg10 : memref<128x128xf32, #tpu.memory_space<vmem>>) target(%dma_start3A_102 : memref<10240x128xf32, #tpu.memory_space<vmem_shared>>) offsets(%dma_start3A_99 : memref<128xi32, #tpu.memory_space<vmem>>) semaphore(%run_scoped3A : memref<!tpu.dma_semaphore, #tpu.memory_space<semaphore_mem>>) {add = true}
          %dma_wait3A_103 = arith.constant 0 : i32
          %dma_wait3A_104 = tpu.memref_slice %arg8[%add3A_91, %dma_wait3A_103] : memref<16x128xi32, #tpu.memory_space<vmem>> -> memref<1x128xi32, #tpu.memory_space<vmem>>
          %dma_wait3A_105 = tpu.memref_squeeze %dma_wait3A_104 : memref<1x128xi32, #tpu.memory_space<vmem>> -> memref<128xi32, #tpu.memory_space<vmem>>
          %dma_wait3A_106 = arith.constant 0 : i32
          %dma_wait3A_107 = arith.constant 0 : i32
          %dma_wait3A_108 = tpu.memref_slice %arg13[%dma_wait3A_106, %dma_wait3A_107] : memref<10240x128xf32, #tpu.memory_space<vmem_shared>> -> memref<10240x128xf32, #tpu.memory_space<vmem_shared>>
          tpu.wait_indirect_dma semaphore(%run_scoped3A : memref<!tpu.dma_semaphore, #tpu.memory_space<semaphore_mem>>) src(%arg10 : memref<128x128xf32, #tpu.memory_space<vmem>>) dst(%dma_wait3A_108 : memref<10240x128xf32, #tpu.memory_space<vmem_shared>>)
          tpu.yield
        }) : () -> ()
        %lt3A_92 = arith.constant 7 : i32
        %lt3A_93 = arith.cmpi slt, %scan3A_68, %lt3A_92 : i32
        %convert_element_type3A_94 = arith.extui %lt3A_93 : i1 to i32
        %cond3A_95 = arith.constant 0 : i32
        %cond3A_96 = arith.cmpi ne, %convert_element_type3A_94, %cond3A_95 : i32
        scf.if %cond3A_96 {
          %dma_wait3A_97 = arith.constant 0 : i32
          %dma_wait3A_98 = arith.constant 0 : i32
          %dma_wait3A_99 = tpu.memref_slice %arg7[%dma_wait3A_97, %dma_wait3A_98] : memref<16x128xi32, #tpu.memory_space<vmem>> -> memref<1x128xi32, #tpu.memory_space<vmem>>
          %dma_wait3A_100 = tpu.memref_squeeze %dma_wait3A_99 : memref<1x128xi32, #tpu.memory_space<vmem>> -> memref<128xi32, #tpu.memory_space<vmem>>
          %dma_wait3A_101 = arith.constant 0 : i32
          %dma_wait3A_102 = arith.constant 0 : i32
          %dma_wait3A_103 = tpu.memref_slice %arg2[%dma_wait3A_101, %dma_wait3A_102] : memref<10000x128xf32, #tpu.memory_space<hbm>> -> memref<10000x128xf32, #tpu.memory_space<hbm>>
          tpu.wait_indirect_dma semaphore(%arg15 : memref<!tpu.dma_semaphore, #tpu.memory_space<semaphore_mem>>) src(%dma_wait3A_103 : memref<10000x128xf32, #tpu.memory_space<hbm>>) dst(%arg9 : memref<128x128xf32, #tpu.memory_space<vmem>>)
        } else {
        }
      }
      %scan3A_67 = arith.constant 8 : i32
    }
    %while3A_34 = arith.constant 1 : i32
    scf.for %while3A_43 = %while3A_32 to %while3A_28 step %while3A_34  : i32 {
      %mul3A_44 = arith.constant 16 : i32
      %mul3A_45 = arith.muli %while3A_43, %mul3A_44 : i32
      %add3A_46 = arith.addi %select_n3A, %mul3A_45 : i32
      "tpu.region"() ({
        %run_scoped3A = tpu.sem_alloc : memref<!tpu.dma_semaphore, #tpu.memory_space<semaphore_mem>>
        %dma_start3A_68 = arith.constant 0 : i32
        %dma_start3A_69 = tpu.memref_slice %arg3[%add3A_46, %dma_start3A_68] : memref<2560x128xi32, #tpu.memory_space<hbm>> -> memref<16x128xi32, #tpu.memory_space<hbm>>
        %dma_start3A_70 = arith.constant 0 : i32
        %dma_start3A_71 = tpu.memref_slice %arg3[%add3A_46, %dma_start3A_70] : memref<2560x128xi32, #tpu.memory_space<hbm>> -> memref<16x128xi32, #tpu.memory_space<hbm>>
        tpu.enqueue_dma source(%dma_start3A_71 : memref<16x128xi32, #tpu.memory_space<hbm>>) target(%arg7 : memref<16x128xi32, #tpu.memory_space<vmem>>) target_semaphore(%run_scoped3A : memref<!tpu.dma_semaphore, #tpu.memory_space<semaphore_mem>>)
        %dma_wait3A_72 = arith.constant 0 : i32
        %dma_wait3A_73 = tpu.memref_slice %arg3[%add3A_46, %dma_wait3A_72] : memref<2560x128xi32, #tpu.memory_space<hbm>> -> memref<16x128xi32, #tpu.memory_space<hbm>>
        %dma_wait3A_74 = arith.constant 0 : i32
        %dma_wait3A_75 = tpu.memref_slice %arg3[%add3A_46, %dma_wait3A_74] : memref<2560x128xi32, #tpu.memory_space<hbm>> -> memref<16x128xi32, #tpu.memory_space<hbm>>
        tpu.wait_dma2 semaphore(%run_scoped3A : memref<!tpu.dma_semaphore, #tpu.memory_space<semaphore_mem>>) src(%dma_wait3A_75 : memref<16x128xi32, #tpu.memory_space<hbm>>) dst(%arg7 : memref<16x128xi32, #tpu.memory_space<vmem>>)
        tpu.yield
      }) : () -> ()
      %mul3A_47 = arith.constant 16 : i32
      %mul3A_48 = arith.muli %while3A_43, %mul3A_47 : i32
      %add3A_49 = arith.addi %select_n3A, %mul3A_48 : i32
      "tpu.region"() ({
        %run_scoped3A = tpu.sem_alloc : memref<!tpu.dma_semaphore, #tpu.memory_space<semaphore_mem>>
        %dma_start3A_68 = arith.constant 0 : i32
        %dma_start3A_69 = tpu.memref_slice %arg4[%add3A_49, %dma_start3A_68] : memref<2560x128xi32, #tpu.memory_space<hbm>> -> memref<16x128xi32, #tpu.memory_space<hbm>>
        %dma_start3A_70 = arith.constant 0 : i32
        %dma_start3A_71 = tpu.memref_slice %arg4[%add3A_49, %dma_start3A_70] : memref<2560x128xi32, #tpu.memory_space<hbm>> -> memref<16x128xi32, #tpu.memory_space<hbm>>
        tpu.enqueue_dma source(%dma_start3A_71 : memref<16x128xi32, #tpu.memory_space<hbm>>) target(%arg8 : memref<16x128xi32, #tpu.memory_space<vmem>>) target_semaphore(%run_scoped3A : memref<!tpu.dma_semaphore, #tpu.memory_space<semaphore_mem>>)
        %dma_wait3A_72 = arith.constant 0 : i32
        %dma_wait3A_73 = tpu.memref_slice %arg4[%add3A_49, %dma_wait3A_72] : memref<2560x128xi32, #tpu.memory_space<hbm>> -> memref<16x128xi32, #tpu.memory_space<hbm>>
        %dma_wait3A_74 = arith.constant 0 : i32
        %dma_wait3A_75 = tpu.memref_slice %arg4[%add3A_49, %dma_wait3A_74] : memref<2560x128xi32, #tpu.memory_space<hbm>> -> memref<16x128xi32, #tpu.memory_space<hbm>>
        tpu.wait_dma2 semaphore(%run_scoped3A : memref<!tpu.dma_semaphore, #tpu.memory_space<semaphore_mem>>) src(%dma_wait3A_75 : memref<16x128xi32, #tpu.memory_space<hbm>>) dst(%arg8 : memref<16x128xi32, #tpu.memory_space<vmem>>)
        tpu.yield
      }) : () -> ()
      %dma_start3A = arith.constant 0 : i32
      %dma_start3A_50 = arith.constant 0 : i32
      %dma_start3A_51 = tpu.memref_slice %arg7[%dma_start3A, %dma_start3A_50] : memref<16x128xi32, #tpu.memory_space<vmem>> -> memref<1x128xi32, #tpu.memory_space<vmem>>
      %dma_start3A_52 = tpu.memref_squeeze %dma_start3A_51 : memref<1x128xi32, #tpu.memory_space<vmem>> -> memref<128xi32, #tpu.memory_space<vmem>>
      %dma_start3A_53 = arith.constant 0 : i32
      %dma_start3A_54 = arith.constant 0 : i32
      %dma_start3A_55 = tpu.memref_slice %arg2[%dma_start3A_53, %dma_start3A_54] : memref<10000x128xf32, #tpu.memory_space<hbm>> -> memref<10000x128xf32, #tpu.memory_space<hbm>>
      tpu.enqueue_indirect_dma source(%dma_start3A_55 : memref<10000x128xf32, #tpu.memory_space<hbm>>) target(%arg9 : memref<128x128xf32, #tpu.memory_space<vmem>>) offsets(%dma_start3A_52 : memref<128xi32, #tpu.memory_space<vmem>>) semaphore(%arg15 : memref<!tpu.dma_semaphore, #tpu.memory_space<semaphore_mem>>)
      %dma_wait3A = arith.constant 0 : i32
      %dma_wait3A_56 = arith.constant 0 : i32
      %dma_wait3A_57 = tpu.memref_slice %arg7[%dma_wait3A, %dma_wait3A_56] : memref<16x128xi32, #tpu.memory_space<vmem>> -> memref<1x128xi32, #tpu.memory_space<vmem>>
      %dma_wait3A_58 = tpu.memref_squeeze %dma_wait3A_57 : memref<1x128xi32, #tpu.memory_space<vmem>> -> memref<128xi32, #tpu.memory_space<vmem>>
      %dma_wait3A_59 = arith.constant 0 : i32
      %dma_wait3A_60 = arith.constant 0 : i32
      %dma_wait3A_61 = tpu.memref_slice %arg2[%dma_wait3A_59, %dma_wait3A_60] : memref<10000x128xf32, #tpu.memory_space<hbm>> -> memref<10000x128xf32, #tpu.memory_space<hbm>>
      tpu.wait_indirect_dma semaphore(%arg15 : memref<!tpu.dma_semaphore, #tpu.memory_space<semaphore_mem>>) src(%dma_wait3A_61 : memref<10000x128xf32, #tpu.memory_space<hbm>>) dst(%arg9 : memref<128x128xf32, #tpu.memory_space<vmem>>)
      %scan3A_62 = arith.constant 0 : i32
      %scan3A_63 = arith.constant 0 : i32
      %scan3A_64 = arith.constant 8 : i32
      %scan3A_65 = arith.addi %scan3A_63, %scan3A_64 : i32
      %scan3A_66 = arith.constant 1 : i32
      scf.for %scan3A_68 = %scan3A_63 to %scan3A_65 step %scan3A_66  : i32 {
        %mul3A_69 = arith.constant 2 : i32
        %mul3A_70 = arith.muli %mul3A_69, %scan3A_68 : i32
        %add3A_71 = arith.constant 1 : i32
        %add3A_72 = arith.addi %mul3A_70, %add3A_71 : i32
        %dma_start3A_73 = arith.constant 0 : i32
        %dma_start3A_74 = tpu.memref_slice %arg7[%add3A_72, %dma_start3A_73] : memref<16x128xi32, #tpu.memory_space<vmem>> -> memref<1x128xi32, #tpu.memory_space<vmem>>
        %dma_start3A_75 = tpu.memref_squeeze %dma_start3A_74 : memref<1x128xi32, #tpu.memory_space<vmem>> -> memref<128xi32, #tpu.memory_space<vmem>>
        %dma_start3A_76 = arith.constant 0 : i32
        %dma_start3A_77 = arith.constant 0 : i32
        %dma_start3A_78 = tpu.memref_slice %arg2[%dma_start3A_76, %dma_start3A_77] : memref<10000x128xf32, #tpu.memory_space<hbm>> -> memref<10000x128xf32, #tpu.memory_space<hbm>>
        tpu.enqueue_indirect_dma source(%dma_start3A_78 : memref<10000x128xf32, #tpu.memory_space<hbm>>) target(%arg10 : memref<128x128xf32, #tpu.memory_space<vmem>>) offsets(%dma_start3A_75 : memref<128xi32, #tpu.memory_space<vmem>>) semaphore(%arg16 : memref<!tpu.dma_semaphore, #tpu.memory_space<semaphore_mem>>)
        "tpu.region"() ({
          %run_scoped3A = tpu.sem_alloc : memref<!tpu.dma_semaphore, #tpu.memory_space<semaphore_mem>>
          %dma_start3A_97 = arith.constant 0 : i32
          %dma_start3A_98 = tpu.memref_slice %arg8[%mul3A_70, %dma_start3A_97] : memref<16x128xi32, #tpu.memory_space<vmem>> -> memref<1x128xi32, #tpu.memory_space<vmem>>
          %dma_start3A_99 = tpu.memref_squeeze %dma_start3A_98 : memref<1x128xi32, #tpu.memory_space<vmem>> -> memref<128xi32, #tpu.memory_space<vmem>>
          %dma_start3A_100 = arith.constant 0 : i32
          %dma_start3A_101 = arith.constant 0 : i32
          %dma_start3A_102 = tpu.memref_slice %arg13[%dma_start3A_100, %dma_start3A_101] : memref<10240x128xf32, #tpu.memory_space<vmem_shared>> -> memref<10240x128xf32, #tpu.memory_space<vmem_shared>>
          tpu.enqueue_indirect_dma source(%arg9 : memref<128x128xf32, #tpu.memory_space<vmem>>) target(%dma_start3A_102 : memref<10240x128xf32, #tpu.memory_space<vmem_shared>>) offsets(%dma_start3A_99 : memref<128xi32, #tpu.memory_space<vmem>>) semaphore(%run_scoped3A : memref<!tpu.dma_semaphore, #tpu.memory_space<semaphore_mem>>) {add = true}
          %dma_wait3A_103 = arith.constant 0 : i32
          %dma_wait3A_104 = tpu.memref_slice %arg8[%mul3A_70, %dma_wait3A_103] : memref<16x128xi32, #tpu.memory_space<vmem>> -> memref<1x128xi32, #tpu.memory_space<vmem>>
          %dma_wait3A_105 = tpu.memref_squeeze %dma_wait3A_104 : memref<1x128xi32, #tpu.memory_space<vmem>> -> memref<128xi32, #tpu.memory_space<vmem>>
          %dma_wait3A_106 = arith.constant 0 : i32
          %dma_wait3A_107 = arith.constant 0 : i32
          %dma_wait3A_108 = tpu.memref_slice %arg13[%dma_wait3A_106, %dma_wait3A_107] : memref<10240x128xf32, #tpu.memory_space<vmem_shared>> -> memref<10240x128xf32, #tpu.memory_space<vmem_shared>>
          tpu.wait_indirect_dma semaphore(%run_scoped3A : memref<!tpu.dma_semaphore, #tpu.memory_space<semaphore_mem>>) src(%arg9 : memref<128x128xf32, #tpu.memory_space<vmem>>) dst(%dma_wait3A_108 : memref<10240x128xf32, #tpu.memory_space<vmem_shared>>)
          tpu.yield
        }) : () -> ()
        %dma_wait3A_79 = arith.constant 0 : i32
        %dma_wait3A_80 = tpu.memref_slice %arg7[%add3A_72, %dma_wait3A_79] : memref<16x128xi32, #tpu.memory_space<vmem>> -> memref<1x128xi32, #tpu.memory_space<vmem>>
        %dma_wait3A_81 = tpu.memref_squeeze %dma_wait3A_80 : memref<1x128xi32, #tpu.memory_space<vmem>> -> memref<128xi32, #tpu.memory_space<vmem>>
        %dma_wait3A_82 = arith.constant 0 : i32
        %dma_wait3A_83 = arith.constant 0 : i32
        %dma_wait3A_84 = tpu.memref_slice %arg2[%dma_wait3A_82, %dma_wait3A_83] : memref<10000x128xf32, #tpu.memory_space<hbm>> -> memref<10000x128xf32, #tpu.memory_space<hbm>>
        tpu.wait_indirect_dma semaphore(%arg16 : memref<!tpu.dma_semaphore, #tpu.memory_space<semaphore_mem>>) src(%dma_wait3A_84 : memref<10000x128xf32, #tpu.memory_space<hbm>>) dst(%arg10 : memref<128x128xf32, #tpu.memory_space<vmem>>)
        %lt3A_85 = arith.constant 7 : i32
        %lt3A_86 = arith.cmpi slt, %scan3A_68, %lt3A_85 : i32
        %convert_element_type3A_87 = arith.extui %lt3A_86 : i1 to i32
        %cond3A_88 = arith.constant 0 : i32
        %cond3A_89 = arith.cmpi ne, %convert_element_type3A_87, %cond3A_88 : i32
        scf.if %cond3A_89 {
          %add3A_97 = arith.constant 2 : i32
          %add3A_98 = arith.addi %mul3A_70, %add3A_97 : i32
          %dma_start3A_99 = arith.constant 0 : i32
          %dma_start3A_100 = tpu.memref_slice %arg7[%add3A_98, %dma_start3A_99] : memref<16x128xi32, #tpu.memory_space<vmem>> -> memref<1x128xi32, #tpu.memory_space<vmem>>
          %dma_start3A_101 = tpu.memref_squeeze %dma_start3A_100 : memref<1x128xi32, #tpu.memory_space<vmem>> -> memref<128xi32, #tpu.memory_space<vmem>>
          %dma_start3A_102 = arith.constant 0 : i32
          %dma_start3A_103 = arith.constant 0 : i32
          %dma_start3A_104 = tpu.memref_slice %arg2[%dma_start3A_102, %dma_start3A_103] : memref<10000x128xf32, #tpu.memory_space<hbm>> -> memref<10000x128xf32, #tpu.memory_space<hbm>>
          tpu.enqueue_indirect_dma source(%dma_start3A_104 : memref<10000x128xf32, #tpu.memory_space<hbm>>) target(%arg9 : memref<128x128xf32, #tpu.memory_space<vmem>>) offsets(%dma_start3A_101 : memref<128xi32, #tpu.memory_space<vmem>>) semaphore(%arg15 : memref<!tpu.dma_semaphore, #tpu.memory_space<semaphore_mem>>)
        } else {
        }
        %add3A_90 = arith.constant 1 : i32
        %add3A_91 = arith.addi %mul3A_70, %add3A_90 : i32
        "tpu.region"() ({
          %run_scoped3A = tpu.sem_alloc : memref<!tpu.dma_semaphore, #tpu.memory_space<semaphore_mem>>
          %dma_start3A_97 = arith.constant 0 : i32
          %dma_start3A_98 = tpu.memref_slice %arg8[%add3A_91, %dma_start3A_97] : memref<16x128xi32, #tpu.memory_space<vmem>> -> memref<1x128xi32, #tpu.memory_space<vmem>>
          %dma_start3A_99 = tpu.memref_squeeze %dma_start3A_98 : memref<1x128xi32, #tpu.memory_space<vmem>> -> memref<128xi32, #tpu.memory_space<vmem>>
          %dma_start3A_100 = arith.constant 0 : i32
          %dma_start3A_101 = arith.constant 0 : i32
          %dma_start3A_102 = tpu.memref_slice %arg13[%dma_start3A_100, %dma_start3A_101] : memref<10240x128xf32, #tpu.memory_space<vmem_shared>> -> memref<10240x128xf32, #tpu.memory_space<vmem_shared>>
          tpu.enqueue_indirect_dma source(%arg10 : memref<128x128xf32, #tpu.memory_space<vmem>>) target(%dma_start3A_102 : memref<10240x128xf32, #tpu.memory_space<vmem_shared>>) offsets(%dma_start3A_99 : memref<128xi32, #tpu.memory_space<vmem>>) semaphore(%run_scoped3A : memref<!tpu.dma_semaphore, #tpu.memory_space<semaphore_mem>>) {add = true}
          %dma_wait3A_103 = arith.constant 0 : i32
          %dma_wait3A_104 = tpu.memref_slice %arg8[%add3A_91, %dma_wait3A_103] : memref<16x128xi32, #tpu.memory_space<vmem>> -> memref<1x128xi32, #tpu.memory_space<vmem>>
          %dma_wait3A_105 = tpu.memref_squeeze %dma_wait3A_104 : memref<1x128xi32, #tpu.memory_space<vmem>> -> memref<128xi32, #tpu.memory_space<vmem>>
          %dma_wait3A_106 = arith.constant 0 : i32
          %dma_wait3A_107 = arith.constant 0 : i32
          %dma_wait3A_108 = tpu.memref_slice %arg13[%dma_wait3A_106, %dma_wait3A_107] : memref<10240x128xf32, #tpu.memory_space<vmem_shared>> -> memref<10240x128xf32, #tpu.memory_space<vmem_shared>>
          tpu.wait_indirect_dma semaphore(%run_scoped3A : memref<!tpu.dma_semaphore, #tpu.memory_space<semaphore_mem>>) src(%arg10 : memref<128x128xf32, #tpu.memory_space<vmem>>) dst(%dma_wait3A_108 : memref<10240x128xf32, #tpu.memory_space<vmem_shared>>)
          tpu.yield
        }) : () -> ()
        %lt3A_92 = arith.constant 7 : i32
        %lt3A_93 = arith.cmpi slt, %scan3A_68, %lt3A_92 : i32
        %convert_element_type3A_94 = arith.extui %lt3A_93 : i1 to i32
        %cond3A_95 = arith.constant 0 : i32
        %cond3A_96 = arith.cmpi ne, %convert_element_type3A_94, %cond3A_95 : i32
        scf.if %cond3A_96 {
          %dma_wait3A_97 = arith.constant 0 : i32
          %dma_wait3A_98 = arith.constant 0 : i32
          %dma_wait3A_99 = tpu.memref_slice %arg7[%dma_wait3A_97, %dma_wait3A_98] : memref<16x128xi32, #tpu.memory_space<vmem>> -> memref<1x128xi32, #tpu.memory_space<vmem>>
          %dma_wait3A_100 = tpu.memref_squeeze %dma_wait3A_99 : memref<1x128xi32, #tpu.memory_space<vmem>> -> memref<128xi32, #tpu.memory_space<vmem>>
          %dma_wait3A_101 = arith.constant 0 : i32
          %dma_wait3A_102 = arith.constant 0 : i32
          %dma_wait3A_103 = tpu.memref_slice %arg2[%dma_wait3A_101, %dma_wait3A_102] : memref<10000x128xf32, #tpu.memory_space<hbm>> -> memref<10000x128xf32, #tpu.memory_space<hbm>>
          tpu.wait_indirect_dma semaphore(%arg15 : memref<!tpu.dma_semaphore, #tpu.memory_space<semaphore_mem>>) src(%dma_wait3A_103 : memref<10000x128xf32, #tpu.memory_space<hbm>>) dst(%arg9 : memref<128x128xf32, #tpu.memory_space<vmem>>)
        } else {
        }
      }
      %scan3A_67 = arith.constant 8 : i32
    }
    %barrier3A_35 = arith.constant 0 : index
    tpu.barrier barrier_id(%barrier3A_35)
    %lt3A = arith.constant 15 : i32
    %lt3A_36 = arith.cmpi slt, %arg1, %lt3A : i32
    %convert_element_type3A = arith.extui %lt3A_36 : i1 to i32
    %cond3A = arith.constant 0 : i32
    %cond3A_37 = arith.cmpi ne, %convert_element_type3A, %cond3A : i32
    scf.if %cond3A_37 {
      %mul3A_43 = arith.constant 640 : i32
      %mul3A_44 = arith.muli %arg1, %mul3A_43 : i32
      %mul3A_45 = arith.constant 640 : i32
      %mul3A_46 = arith.muli %arg1, %mul3A_45 : i32
      "tpu.region"() ({
        %run_scoped3A = tpu.sem_alloc : memref<!tpu.dma_semaphore, #tpu.memory_space<semaphore_mem>>
        %dma_start3A = arith.constant 0 : i32
        %dma_start3A_47 = arith.constant 0 : i32
        %dma_start3A_48 = tpu.memref_slice %arg5[%arg0, %dma_start3A, %dma_start3A_47] : memref<2x10000x128xf32, #tpu.memory_space<hbm>> -> memref<1x10000x128xf32, #tpu.memory_space<hbm>>
        %dma_start3A_49 = tpu.memref_squeeze %dma_start3A_48 : memref<1x10000x128xf32, #tpu.memory_space<hbm>> -> memref<10000x128xf32, #tpu.memory_space<hbm>>
        %dma_start3A_50 = arith.constant 0 : i32
        %dma_start3A_51 = tpu.memref_slice %dma_start3A_49[%mul3A_46, %dma_start3A_50] : memref<10000x128xf32, #tpu.memory_space<hbm>> -> memref<640x128xf32, #tpu.memory_space<hbm>>
        %dma_start3A_52 = arith.constant 0 : i32
        %dma_start3A_53 = tpu.memref_slice %arg13[%mul3A_44, %dma_start3A_52] : memref<10240x128xf32, #tpu.memory_space<vmem_shared>> -> memref<640x128xf32, #tpu.memory_space<vmem_shared>>
        tpu.enqueue_dma source(%dma_start3A_53 : memref<640x128xf32, #tpu.memory_space<vmem_shared>>) target(%dma_start3A_51 : memref<640x128xf32, #tpu.memory_space<hbm>>) target_semaphore(%run_scoped3A : memref<!tpu.dma_semaphore, #tpu.memory_space<semaphore_mem>>)
        %dma_wait3A = arith.constant 0 : i32
        %dma_wait3A_54 = arith.constant 0 : i32
        %dma_wait3A_55 = tpu.memref_slice %arg5[%arg0, %dma_wait3A, %dma_wait3A_54] : memref<2x10000x128xf32, #tpu.memory_space<hbm>> -> memref<1x10000x128xf32, #tpu.memory_space<hbm>>
        %dma_wait3A_56 = tpu.memref_squeeze %dma_wait3A_55 : memref<1x10000x128xf32, #tpu.memory_space<hbm>> -> memref<10000x128xf32, #tpu.memory_space<hbm>>
        %dma_wait3A_57 = arith.constant 0 : i32
        %dma_wait3A_58 = tpu.memref_slice %dma_wait3A_56[%mul3A_46, %dma_wait3A_57] : memref<10000x128xf32, #tpu.memory_space<hbm>> -> memref<640x128xf32, #tpu.memory_space<hbm>>
        %dma_wait3A_59 = arith.constant 0 : i32
        %dma_wait3A_60 = tpu.memref_slice %arg13[%mul3A_44, %dma_wait3A_59] : memref<10240x128xf32, #tpu.memory_space<vmem_shared>> -> memref<640x128xf32, #tpu.memory_space<vmem_shared>>
        tpu.wait_dma2 semaphore(%run_scoped3A : memref<!tpu.dma_semaphore, #tpu.memory_space<semaphore_mem>>) src(%dma_wait3A_60 : memref<640x128xf32, #tpu.memory_space<vmem_shared>>) dst(%dma_wait3A_58 : memref<640x128xf32, #tpu.memory_space<hbm>>)
        tpu.yield
      }) : () -> ()
    } else {
    }
    %eq3A_38 = arith.constant 15 : i32
    %eq3A_39 = arith.cmpi eq, %arg1, %eq3A_38 : i32
    %convert_element_type3A_40 = arith.extui %eq3A_39 : i1 to i32
    %cond3A_41 = arith.constant 0 : i32
    %cond3A_42 = arith.cmpi ne, %convert_element_type3A_40, %cond3A_41 : i32
    scf.if %cond3A_42 {
      "tpu.region"() ({
        %run_scoped3A = tpu.sem_alloc : memref<!tpu.dma_semaphore, #tpu.memory_space<semaphore_mem>>
        %dma_start3A = arith.constant 0 : i32
        %dma_start3A_43 = arith.constant 0 : i32
        %dma_start3A_44 = tpu.memref_slice %arg5[%arg0, %dma_start3A, %dma_start3A_43] : memref<2x10000x128xf32, #tpu.memory_space<hbm>> -> memref<1x10000x128xf32, #tpu.memory_space<hbm>>
        %dma_start3A_45 = tpu.memref_squeeze %dma_start3A_44 : memref<1x10000x128xf32, #tpu.memory_space<hbm>> -> memref<10000x128xf32, #tpu.memory_space<hbm>>
        %dma_start3A_46 = arith.constant 9600 : i32
        %dma_start3A_47 = arith.constant 0 : i32
        %dma_start3A_48 = tpu.memref_slice %dma_start3A_45[%dma_start3A_46, %dma_start3A_47] : memref<10000x128xf32, #tpu.memory_space<hbm>> -> memref<400x128xf32, #tpu.memory_space<hbm>>
        %dma_start3A_49 = arith.constant 9600 : i32
        %dma_start3A_50 = arith.constant 0 : i32
        %dma_start3A_51 = tpu.memref_slice %arg13[%dma_start3A_49, %dma_start3A_50] : memref<10240x128xf32, #tpu.memory_space<vmem_shared>> -> memref<400x128xf32, #tpu.memory_space<vmem_shared>>
        tpu.enqueue_dma source(%dma_start3A_51 : memref<400x128xf32, #tpu.memory_space<vmem_shared>>) target(%dma_start3A_48 : memref<400x128xf32, #tpu.memory_space<hbm>>) target_semaphore(%run_scoped3A : memref<!tpu.dma_semaphore, #tpu.memory_space<semaphore_mem>>)
        %dma_wait3A = arith.constant 0 : i32
        %dma_wait3A_52 = arith.constant 0 : i32
        %dma_wait3A_53 = tpu.memref_slice %arg5[%arg0, %dma_wait3A, %dma_wait3A_52] : memref<2x10000x128xf32, #tpu.memory_space<hbm>> -> memref<1x10000x128xf32, #tpu.memory_space<hbm>>
        %dma_wait3A_54 = tpu.memref_squeeze %dma_wait3A_53 : memref<1x10000x128xf32, #tpu.memory_space<hbm>> -> memref<10000x128xf32, #tpu.memory_space<hbm>>
        %dma_wait3A_55 = arith.constant 9600 : i32
        %dma_wait3A_56 = arith.constant 0 : i32
        %dma_wait3A_57 = tpu.memref_slice %dma_wait3A_54[%dma_wait3A_55, %dma_wait3A_56] : memref<10000x128xf32, #tpu.memory_space<hbm>> -> memref<400x128xf32, #tpu.memory_space<hbm>>
        %dma_wait3A_58 = arith.constant 9600 : i32
        %dma_wait3A_59 = arith.constant 0 : i32
        %dma_wait3A_60 = tpu.memref_slice %arg13[%dma_wait3A_58, %dma_wait3A_59] : memref<10240x128xf32, #tpu.memory_space<vmem_shared>> -> memref<400x128xf32, #tpu.memory_space<vmem_shared>>
        tpu.wait_dma2 semaphore(%run_scoped3A : memref<!tpu.dma_semaphore, #tpu.memory_space<semaphore_mem>>) src(%dma_wait3A_60 : memref<400x128xf32, #tpu.memory_space<vmem_shared>>) dst(%dma_wait3A_57 : memref<400x128xf32, #tpu.memory_space<hbm>>)
        tpu.yield
      }) : () -> ()
    } else {
    }
    return
  }
}

#map = affine_map<(d0, d1) -> (0, 0)>
#map1 = affine_map<(d0, d1) -> (0, 0, 0)>
#map2 = affine_map<(d0, d1) -> (0)>
module attributes {stable_mosaic.version = 14 : i64} {
  func.func @_hop_body(%arg0: i32, %arg1: i32, %arg2: memref<10000x128xf32, #tpu.memory_space<hbm>>, %arg3: memref<2560x128xi32, #tpu.memory_space<hbm>>, %arg4: memref<2560x128xi32, #tpu.memory_space<hbm>>, %arg5: memref<2x10000x128xf32, #tpu.memory_space<hbm>>, %arg6: memref<20000xf32, #tpu.memory_space<hbm>>, %arg7: memref<16x128xi32, #tpu.memory_space<vmem>>, %arg8: memref<16x128xi32, #tpu.memory_space<vmem>>, %arg9: memref<128x128xf32, #tpu.memory_space<vmem>>, %arg10: memref<128x128xf32, #tpu.memory_space<vmem>>, %arg11: memref<128xf32, #tpu.memory_space<vmem>>, %arg12: memref<640xf32, #tpu.memory_space<vmem>>, %arg13: memref<10240x128xf32, #tpu.memory_space<vmem_shared>>, %arg14: memref<10240xf32, #tpu.memory_space<vmem_shared>>, %arg15: memref<!tpu.dma_semaphore, #tpu.memory_space<semaphore_mem>>, %arg16: memref<!tpu.dma_semaphore, #tpu.memory_space<semaphore_mem>>) attributes {dimension_semantics = [#tpu.dimension_semantics<core_parallel>, #tpu.dimension_semantics<subcore_parallel>], iteration_bounds = array<i64: 2, 16>, scalar_prefetch = 0 : i64, scratch_operands = 10 : i64, tpu.core_type = #tpu.core_type<sc_vector_subcore>, window_params = [{transform_indices = #map}, {transform_indices = #map}, {transform_indices = #map}, {transform_indices = #map1}, {transform_indices = #map2}]} {
    %scan3A = arith.constant 0 : i32
    %scan3A_0 = arith.constant 0 : i32
    %scan3A_1 = arith.constant 1024 : i32
    %scan3A_2 = arith.addi %scan3A_0, %scan3A_1 : i32
    %scan3A_3 = arith.constant 1 : i32
    scf.for %scan3A_43 = %scan3A_0 to %scan3A_2 step %scan3A_3  : i32 {
      %broadcast_in_dim3A = arith.constant 0.000000e+00 : f32
      %broadcast_in_dim3A_44 = vector.broadcast %broadcast_in_dim3A : f32 to vector<16xf32>
      %jit3A_45 = arith.constant 8 : i32
      %div3A = arith.divsi %scan3A_43, %jit3A_45 : i32
      %sign3A = arith.constant 0 : i32
      %sign3A_46 = arith.cmpi sgt, %scan3A_43, %sign3A : i32
      %sign3A_47 = arith.extui %sign3A_46 : i1 to i32
      %sign3A_48 = arith.constant 0 : i32
      %sign3A_49 = arith.cmpi slt, %scan3A_43, %sign3A_48 : i32
      %sign3A_50 = arith.extui %sign3A_49 : i1 to i32
      %sign3A_51 = arith.subi %sign3A_47, %sign3A_50 : i32
      %sign3A_52 = arith.constant 0 : i32
      %sign3A_53 = arith.cmpi sgt, %jit3A_45, %sign3A_52 : i32
      %sign3A_54 = arith.extui %sign3A_53 : i1 to i32
      %sign3A_55 = arith.constant 0 : i32
      %sign3A_56 = arith.cmpi slt, %jit3A_45, %sign3A_55 : i32
      %sign3A_57 = arith.extui %sign3A_56 : i1 to i32
      %sign3A_58 = arith.subi %sign3A_54, %sign3A_57 : i32
      %ne3A = arith.cmpi ne, %sign3A_51, %sign3A_58 : i32
      %rem3A = arith.remsi %scan3A_43, %jit3A_45 : i32
      %ne3A_59 = arith.constant 0 : i32
      %ne3A_60 = arith.cmpi ne, %rem3A, %ne3A_59 : i32
      %and3A = arith.andi %ne3A, %ne3A_60 : i1
      %sub3A = arith.constant 1 : i32
      %sub3A_61 = arith.subi %div3A, %sub3A : i32
      %select_n3A_62 = arith.select %and3A, %sub3A_61, %div3A : i32
      %jit3A_63 = arith.constant 8 : i32
      %eq3A_64 = arith.constant 0 : i32
      %eq3A_65 = arith.cmpi eq, %jit3A_63, %eq3A_64 : i32
      %jit3A_66 = arith.constant 1 : i32
      %select_n3A_67 = arith.select %eq3A_65, %jit3A_66, %jit3A_63 : i32
      %rem3A_68 = arith.remsi %scan3A_43, %select_n3A_67 : i32
      %ne3A_69 = arith.constant 0 : i32
      %ne3A_70 = arith.cmpi ne, %rem3A_68, %ne3A_69 : i32
      %lt3A_71 = arith.constant 0 : i32
      %lt3A_72 = arith.cmpi slt, %rem3A_68, %lt3A_71 : i32
      %lt3A_73 = arith.constant 0 : i32
      %lt3A_74 = arith.cmpi slt, %select_n3A_67, %lt3A_73 : i32
      %ne3A_75 = arith.xori %lt3A_72, %lt3A_74 : i1
      %and3A_76 = arith.andi %ne3A_75, %ne3A_70 : i1
      %add3A_77 = arith.addi %rem3A_68, %select_n3A_67 : i32
      %select_n3A_78 = arith.select %and3A_76, %add3A_77, %rem3A_68 : i32
      %mul3A_79 = arith.constant 16 : i32
      %mul3A_80 = arith.muli %select_n3A_78, %mul3A_79 : i32
      %swap3A = arith.index_cast %select_n3A_62 : i32 to index
      %swap3A_81 = arith.index_cast %mul3A_80 : i32 to index
      %swap3A_82 = tpu.vector_load %arg9[%swap3A, %swap3A_81] {strides = array<i32>} : memref<128x128xf32, #tpu.memory_space<vmem>>, vector<1x16xf32>,
      %swap3A_83 = vector.shape_cast %swap3A_82 : vector<1x16xf32> to vector<16xf32>
      %swap3A_84 = vector.shape_cast %broadcast_in_dim3A_44 : vector<16xf32> to vector<1x16xf32>
      tpu.vector_store %arg9[%swap3A, %swap3A_81], %swap3A_84 {strides = array<i32>} : memref<128x128xf32, #tpu.memory_space<vmem>>, vector<1x16xf32>,
    }
    %scan3A_4 = arith.constant 1024 : i32
    %scan3A_5 = arith.constant 0 : i32
    %scan3A_6 = arith.constant 0 : i32
    %scan3A_7 = arith.constant 8 : i32
    %scan3A_8 = arith.addi %scan3A_6, %scan3A_7 : i32
    %scan3A_9 = arith.constant 1 : i32
    scf.for %scan3A_43 = %scan3A_6 to %scan3A_8 step %scan3A_9  : i32 {
      %broadcast_in_dim3A = arith.constant 1.000000e+00 : f32
      %broadcast_in_dim3A_44 = vector.broadcast %broadcast_in_dim3A : f32 to vector<16xf32>
      %mul3A_45 = arith.constant 16 : i32
      %mul3A_46 = arith.muli %scan3A_43, %mul3A_45 : i32
      %swap3A = arith.index_cast %mul3A_46 : i32 to index
      %swap3A_47 = tpu.vector_load %arg11[%swap3A] {strides = array<i32>} : memref<128xf32, #tpu.memory_space<vmem>>, vector<16xf32>,
      %swap3A_48 = vector.shape_cast %swap3A_47 : vector<16xf32> to vector<16xf32>
      %swap3A_49 = vector.shape_cast %broadcast_in_dim3A_44 : vector<16xf32> to vector<16xf32>
      tpu.vector_store %arg11[%swap3A], %swap3A_49 {strides = array<i32>} : memref<128xf32, #tpu.memory_space<vmem>>, vector<16xf32>,
    }
    %scan3A_10 = arith.constant 8 : i32
    %scan3A_11 = arith.constant 0 : i32
    %scan3A_12 = arith.constant 0 : i32
    %scan3A_13 = arith.constant 5 : i32
    %scan3A_14 = arith.addi %scan3A_12, %scan3A_13 : i32
    %scan3A_15 = arith.constant 1 : i32
    scf.for %scan3A_43 = %scan3A_12 to %scan3A_14 step %scan3A_15  : i32 {
      %mul3A_44 = arith.constant 640 : i32
      %mul3A_45 = arith.muli %arg1, %mul3A_44 : i32
      %mul3A_46 = arith.constant 128 : i32
      %mul3A_47 = arith.muli %scan3A_43, %mul3A_46 : i32
      %add3A_48 = arith.addi %mul3A_45, %mul3A_47 : i32
      "tpu.region"() ({
        %run_scoped3A_54 = tpu.sem_alloc : memref<!tpu.dma_semaphore, #tpu.memory_space<semaphore_mem>>
        %dma_start3A = arith.constant 0 : i32
        %dma_start3A_55 = tpu.memref_slice %arg13[%add3A_48, %dma_start3A] : memref<10240x128xf32, #tpu.memory_space<vmem_shared>> -> memref<128x128xf32, #tpu.memory_space<vmem_shared>>
        %dma_start3A_56 = arith.constant 0 : i32
        %dma_start3A_57 = tpu.memref_slice %arg13[%add3A_48, %dma_start3A_56] : memref<10240x128xf32, #tpu.memory_space<vmem_shared>> -> memref<128x128xf32, #tpu.memory_space<vmem_shared>>
        tpu.enqueue_dma source(%arg9 : memref<128x128xf32, #tpu.memory_space<vmem>>) target(%dma_start3A_57 : memref<128x128xf32, #tpu.memory_space<vmem_shared>>) target_semaphore(%run_scoped3A_54 : memref<!tpu.dma_semaphore, #tpu.memory_space<semaphore_mem>>)
        %dma_wait3A = arith.constant 0 : i32
        %dma_wait3A_58 = tpu.memref_slice %arg13[%add3A_48, %dma_wait3A] : memref<10240x128xf32, #tpu.memory_space<vmem_shared>> -> memref<128x128xf32, #tpu.memory_space<vmem_shared>>
        %dma_wait3A_59 = arith.constant 0 : i32
        %dma_wait3A_60 = tpu.memref_slice %arg13[%add3A_48, %dma_wait3A_59] : memref<10240x128xf32, #tpu.memory_space<vmem_shared>> -> memref<128x128xf32, #tpu.memory_space<vmem_shared>>
        tpu.wait_dma2 semaphore(%run_scoped3A_54 : memref<!tpu.dma_semaphore, #tpu.memory_space<semaphore_mem>>) src(%arg9 : memref<128x128xf32, #tpu.memory_space<vmem>>) dst(%dma_wait3A_60 : memref<128x128xf32, #tpu.memory_space<vmem_shared>>)
        tpu.yield
      }) : () -> ()
      %mul3A_49 = arith.constant 640 : i32
      %mul3A_50 = arith.muli %arg1, %mul3A_49 : i32
      %mul3A_51 = arith.constant 128 : i32
      %mul3A_52 = arith.muli %scan3A_43, %mul3A_51 : i32
      %add3A_53 = arith.addi %mul3A_50, %mul3A_52 : i32
      %run_scoped3A = arith.constant 0 : i32
      "tpu.region"() ({
        %run_scoped3A_54 = tpu.sem_alloc : memref<!tpu.dma_semaphore, #tpu.memory_space<semaphore_mem>>
        %dma_start3A = arith.constant 0 : i32
        %dma_start3A_55 = tpu.memref_slice %arg9[%run_scoped3A, %dma_start3A] : memref<128x128xf32, #tpu.memory_space<vmem>> -> memref<1x128xf32, #tpu.memory_space<vmem>>
        %dma_start3A_56 = tpu.memref_squeeze %dma_start3A_55 : memref<1x128xf32, #tpu.memory_space<vmem>> -> memref<128xf32, #tpu.memory_space<vmem>>
        %dma_start3A_57 = tpu.memref_slice %arg14[%add3A_53] : memref<10240xf32, #tpu.memory_space<vmem_shared>> -> memref<128xf32, #tpu.memory_space<vmem_shared>>
        %dma_start3A_58 = tpu.memref_slice %arg14[%add3A_53] : memref<10240xf32, #tpu.memory_space<vmem_shared>> -> memref<128xf32, #tpu.memory_space<vmem_shared>>
        %dma_start3A_59 = arith.constant 0 : i32
        %dma_start3A_60 = tpu.memref_slice %arg9[%run_scoped3A, %dma_start3A_59] : memref<128x128xf32, #tpu.memory_space<vmem>> -> memref<1x128xf32, #tpu.memory_space<vmem>>
        %dma_start3A_61 = tpu.memref_squeeze %dma_start3A_60 : memref<1x128xf32, #tpu.memory_space<vmem>> -> memref<128xf32, #tpu.memory_space<vmem>>
        tpu.enqueue_dma source(%dma_start3A_61 : memref<128xf32, #tpu.memory_space<vmem>>) target(%dma_start3A_58 : memref<128xf32, #tpu.memory_space<vmem_shared>>) target_semaphore(%run_scoped3A_54 : memref<!tpu.dma_semaphore, #tpu.memory_space<semaphore_mem>>)
        %dma_wait3A = arith.constant 0 : i32
        %dma_wait3A_62 = tpu.memref_slice %arg9[%run_scoped3A, %dma_wait3A] : memref<128x128xf32, #tpu.memory_space<vmem>> -> memref<1x128xf32, #tpu.memory_space<vmem>>
        %dma_wait3A_63 = tpu.memref_squeeze %dma_wait3A_62 : memref<1x128xf32, #tpu.memory_space<vmem>> -> memref<128xf32, #tpu.memory_space<vmem>>
        %dma_wait3A_64 = tpu.memref_slice %arg14[%add3A_53] : memref<10240xf32, #tpu.memory_space<vmem_shared>> -> memref<128xf32, #tpu.memory_space<vmem_shared>>
        %dma_wait3A_65 = tpu.memref_slice %arg14[%add3A_53] : memref<10240xf32, #tpu.memory_space<vmem_shared>> -> memref<128xf32, #tpu.memory_space<vmem_shared>>
        %dma_wait3A_66 = arith.constant 0 : i32
        %dma_wait3A_67 = tpu.memref_slice %arg9[%run_scoped3A, %dma_wait3A_66] : memref<128x128xf32, #tpu.memory_space<vmem>> -> memref<1x128xf32, #tpu.memory_space<vmem>>
        %dma_wait3A_68 = tpu.memref_squeeze %dma_wait3A_67 : memref<1x128xf32, #tpu.memory_space<vmem>> -> memref<128xf32, #tpu.memory_space<vmem>>
        tpu.wait_dma2 semaphore(%run_scoped3A_54 : memref<!tpu.dma_semaphore, #tpu.memory_space<semaphore_mem>>) src(%dma_wait3A_68 : memref<128xf32, #tpu.memory_space<vmem>>) dst(%dma_wait3A_65 : memref<128xf32, #tpu.memory_space<vmem_shared>>)
        tpu.yield
      }) : () -> ()
    }
    %scan3A_16 = arith.constant 5 : i32
    %barrier3A = arith.constant 0 : index
    tpu.barrier barrier_id(%barrier3A)
    %eq3A = arith.constant 0 : i32
    %eq3A_17 = arith.cmpi eq, %arg0, %eq3A : i32
    %mul3A = arith.constant 144 : i32
    %mul3A_18 = arith.muli %arg1, %mul3A : i32
    %mul3A_19 = arith.constant 16 : i32
    %mul3A_20 = arith.muli %arg1, %mul3A_19 : i32
    %add3A = arith.constant 2304 : i32
    %add3A_21 = arith.addi %add3A, %mul3A_20 : i32
    %select_n3A = arith.select %eq3A_17, %mul3A_18, %add3A_21 : i32
    %eq3A_22 = arith.constant 0 : i32
    %eq3A_23 = arith.cmpi eq, %arg0, %eq3A_22 : i32
    %jit3A = arith.constant 9 : i32
    %jit3A_24 = arith.constant 1 : i32
    %select_n3A_25 = arith.select %eq3A_23, %jit3A, %jit3A_24 : i32
    %while3A = arith.constant 0 : i32
    %while3A_26 = arith.constant 0 : i32
    %while3A_27 = arith.subi %select_n3A_25, %while3A_26 : i32
    %while3A_28 = arith.addi %while3A_26, %while3A_27 : i32
    %while3A_29 = arith.constant 1 : i32
    %while3A_30 = arith.divsi %while3A_27, %while3A_29 : i32
    %while3A_31 = arith.muli %while3A_30, %while3A_29 : i32
    %while3A_32 = arith.addi %while3A_26, %while3A_31 : i32
    %while3A_33 = arith.constant 1 : i32
    scf.for %while3A_43 = %while3A_26 to %while3A_32 step %while3A_33  : i32 {
      %mul3A_44 = arith.constant 16 : i32
      %mul3A_45 = arith.muli %while3A_43, %mul3A_44 : i32
      %add3A_46 = arith.addi %select_n3A, %mul3A_45 : i32
      "tpu.region"() ({
        %run_scoped3A = tpu.sem_alloc : memref<!tpu.dma_semaphore, #tpu.memory_space<semaphore_mem>>
        %dma_start3A_68 = arith.constant 0 : i32
        %dma_start3A_69 = tpu.memref_slice %arg3[%add3A_46, %dma_start3A_68] : memref<2560x128xi32, #tpu.memory_space<hbm>> -> memref<16x128xi32, #tpu.memory_space<hbm>>
        %dma_start3A_70 = arith.constant 0 : i32
        %dma_start3A_71 = tpu.memref_slice %arg3[%add3A_46, %dma_start3A_70] : memref<2560x128xi32, #tpu.memory_space<hbm>> -> memref<16x128xi32, #tpu.memory_space<hbm>>
        tpu.enqueue_dma source(%dma_start3A_71 : memref<16x128xi32, #tpu.memory_space<hbm>>) target(%arg7 : memref<16x128xi32, #tpu.memory_space<vmem>>) target_semaphore(%run_scoped3A : memref<!tpu.dma_semaphore, #tpu.memory_space<semaphore_mem>>)
        %dma_wait3A_72 = arith.constant 0 : i32
        %dma_wait3A_73 = tpu.memref_slice %arg3[%add3A_46, %dma_wait3A_72] : memref<2560x128xi32, #tpu.memory_space<hbm>> -> memref<16x128xi32, #tpu.memory_space<hbm>>
        %dma_wait3A_74 = arith.constant 0 : i32
        %dma_wait3A_75 = tpu.memref_slice %arg3[%add3A_46, %dma_wait3A_74] : memref<2560x128xi32, #tpu.memory_space<hbm>> -> memref<16x128xi32, #tpu.memory_space<hbm>>
        tpu.wait_dma2 semaphore(%run_scoped3A : memref<!tpu.dma_semaphore, #tpu.memory_space<semaphore_mem>>) src(%dma_wait3A_75 : memref<16x128xi32, #tpu.memory_space<hbm>>) dst(%arg7 : memref<16x128xi32, #tpu.memory_space<vmem>>)
        tpu.yield
      }) : () -> ()
      %mul3A_47 = arith.constant 16 : i32
      %mul3A_48 = arith.muli %while3A_43, %mul3A_47 : i32
      %add3A_49 = arith.addi %select_n3A, %mul3A_48 : i32
      "tpu.region"() ({
        %run_scoped3A = tpu.sem_alloc : memref<!tpu.dma_semaphore, #tpu.memory_space<semaphore_mem>>
        %dma_start3A_68 = arith.constant 0 : i32
        %dma_start3A_69 = tpu.memref_slice %arg4[%add3A_49, %dma_start3A_68] : memref<2560x128xi32, #tpu.memory_space<hbm>> -> memref<16x128xi32, #tpu.memory_space<hbm>>
        %dma_start3A_70 = arith.constant 0 : i32
        %dma_start3A_71 = tpu.memref_slice %arg4[%add3A_49, %dma_start3A_70] : memref<2560x128xi32, #tpu.memory_space<hbm>> -> memref<16x128xi32, #tpu.memory_space<hbm>>
        tpu.enqueue_dma source(%dma_start3A_71 : memref<16x128xi32, #tpu.memory_space<hbm>>) target(%arg8 : memref<16x128xi32, #tpu.memory_space<vmem>>) target_semaphore(%run_scoped3A : memref<!tpu.dma_semaphore, #tpu.memory_space<semaphore_mem>>)
        %dma_wait3A_72 = arith.constant 0 : i32
        %dma_wait3A_73 = tpu.memref_slice %arg4[%add3A_49, %dma_wait3A_72] : memref<2560x128xi32, #tpu.memory_space<hbm>> -> memref<16x128xi32, #tpu.memory_space<hbm>>
        %dma_wait3A_74 = arith.constant 0 : i32
        %dma_wait3A_75 = tpu.memref_slice %arg4[%add3A_49, %dma_wait3A_74] : memref<2560x128xi32, #tpu.memory_space<hbm>> -> memref<16x128xi32, #tpu.memory_space<hbm>>
        tpu.wait_dma2 semaphore(%run_scoped3A : memref<!tpu.dma_semaphore, #tpu.memory_space<semaphore_mem>>) src(%dma_wait3A_75 : memref<16x128xi32, #tpu.memory_space<hbm>>) dst(%arg8 : memref<16x128xi32, #tpu.memory_space<vmem>>)
        tpu.yield
      }) : () -> ()
      %dma_start3A = arith.constant 0 : i32
      %dma_start3A_50 = arith.constant 0 : i32
      %dma_start3A_51 = tpu.memref_slice %arg7[%dma_start3A, %dma_start3A_50] : memref<16x128xi32, #tpu.memory_space<vmem>> -> memref<1x128xi32, #tpu.memory_space<vmem>>
      %dma_start3A_52 = tpu.memref_squeeze %dma_start3A_51 : memref<1x128xi32, #tpu.memory_space<vmem>> -> memref<128xi32, #tpu.memory_space<vmem>>
      %dma_start3A_53 = arith.constant 0 : i32
      %dma_start3A_54 = arith.constant 0 : i32
      %dma_start3A_55 = tpu.memref_slice %arg2[%dma_start3A_53, %dma_start3A_54] : memref<10000x128xf32, #tpu.memory_space<hbm>> -> memref<10000x128xf32, #tpu.memory_space<hbm>>
      tpu.enqueue_indirect_dma source(%dma_start3A_55 : memref<10000x128xf32, #tpu.memory_space<hbm>>) target(%arg9 : memref<128x128xf32, #tpu.memory_space<vmem>>) offsets(%dma_start3A_52 : memref<128xi32, #tpu.memory_space<vmem>>) semaphore(%arg15 : memref<!tpu.dma_semaphore, #tpu.memory_space<semaphore_mem>>)
      %dma_wait3A = arith.constant 0 : i32
      %dma_wait3A_56 = arith.constant 0 : i32
      %dma_wait3A_57 = tpu.memref_slice %arg7[%dma_wait3A, %dma_wait3A_56] : memref<16x128xi32, #tpu.memory_space<vmem>> -> memref<1x128xi32, #tpu.memory_space<vmem>>
      %dma_wait3A_58 = tpu.memref_squeeze %dma_wait3A_57 : memref<1x128xi32, #tpu.memory_space<vmem>> -> memref<128xi32, #tpu.memory_space<vmem>>
      %dma_wait3A_59 = arith.constant 0 : i32
      %dma_wait3A_60 = arith.constant 0 : i32
      %dma_wait3A_61 = tpu.memref_slice %arg2[%dma_wait3A_59, %dma_wait3A_60] : memref<10000x128xf32, #tpu.memory_space<hbm>> -> memref<10000x128xf32, #tpu.memory_space<hbm>>
      tpu.wait_indirect_dma semaphore(%arg15 : memref<!tpu.dma_semaphore, #tpu.memory_space<semaphore_mem>>) src(%dma_wait3A_61 : memref<10000x128xf32, #tpu.memory_space<hbm>>) dst(%arg9 : memref<128x128xf32, #tpu.memory_space<vmem>>)
      %scan3A_62 = arith.constant 0 : i32
      %scan3A_63 = arith.constant 0 : i32
      %scan3A_64 = arith.constant 8 : i32
      %scan3A_65 = arith.addi %scan3A_63, %scan3A_64 : i32
      %scan3A_66 = arith.constant 1 : i32
      scf.for %scan3A_68 = %scan3A_63 to %scan3A_65 step %scan3A_66  : i32 {
        %mul3A_69 = arith.constant 2 : i32
        %mul3A_70 = arith.muli %mul3A_69, %scan3A_68 : i32
        %add3A_71 = arith.constant 1 : i32
        %add3A_72 = arith.addi %mul3A_70, %add3A_71 : i32
        %dma_start3A_73 = arith.constant 0 : i32
        %dma_start3A_74 = tpu.memref_slice %arg7[%add3A_72, %dma_start3A_73] : memref<16x128xi32, #tpu.memory_space<vmem>> -> memref<1x128xi32, #tpu.memory_space<vmem>>
        %dma_start3A_75 = tpu.memref_squeeze %dma_start3A_74 : memref<1x128xi32, #tpu.memory_space<vmem>> -> memref<128xi32, #tpu.memory_space<vmem>>
        %dma_start3A_76 = arith.constant 0 : i32
        %dma_start3A_77 = arith.constant 0 : i32
        %dma_start3A_78 = tpu.memref_slice %arg2[%dma_start3A_76, %dma_start3A_77] : memref<10000x128xf32, #tpu.memory_space<hbm>> -> memref<10000x128xf32, #tpu.memory_space<hbm>>
        tpu.enqueue_indirect_dma source(%dma_start3A_78 : memref<10000x128xf32, #tpu.memory_space<hbm>>) target(%arg10 : memref<128x128xf32, #tpu.memory_space<vmem>>) offsets(%dma_start3A_75 : memref<128xi32, #tpu.memory_space<vmem>>) semaphore(%arg16 : memref<!tpu.dma_semaphore, #tpu.memory_space<semaphore_mem>>)
        "tpu.region"() ({
          %run_scoped3A = tpu.sem_alloc : memref<!tpu.dma_semaphore, #tpu.memory_space<semaphore_mem>>
          %dma_start3A_99 = arith.constant 0 : i32
          %dma_start3A_100 = tpu.memref_slice %arg8[%mul3A_70, %dma_start3A_99] : memref<16x128xi32, #tpu.memory_space<vmem>> -> memref<1x128xi32, #tpu.memory_space<vmem>>
          %dma_start3A_101 = tpu.memref_squeeze %dma_start3A_100 : memref<1x128xi32, #tpu.memory_space<vmem>> -> memref<128xi32, #tpu.memory_space<vmem>>
          %dma_start3A_102 = arith.constant 0 : i32
          %dma_start3A_103 = tpu.memref_slice %arg14[%dma_start3A_102] : memref<10240xf32, #tpu.memory_space<vmem_shared>> -> memref<10240xf32, #tpu.memory_space<vmem_shared>>
          tpu.enqueue_indirect_dma source(%arg11 : memref<128xf32, #tpu.memory_space<vmem>>) target(%dma_start3A_103 : memref<10240xf32, #tpu.memory_space<vmem_shared>>) offsets(%dma_start3A_101 : memref<128xi32, #tpu.memory_space<vmem>>) semaphore(%run_scoped3A : memref<!tpu.dma_semaphore, #tpu.memory_space<semaphore_mem>>) {add = true}
          %dma_wait3A_104 = arith.constant 0 : i32
          %dma_wait3A_105 = tpu.memref_slice %arg8[%mul3A_70, %dma_wait3A_104] : memref<16x128xi32, #tpu.memory_space<vmem>> -> memref<1x128xi32, #tpu.memory_space<vmem>>
          %dma_wait3A_106 = tpu.memref_squeeze %dma_wait3A_105 : memref<1x128xi32, #tpu.memory_space<vmem>> -> memref<128xi32, #tpu.memory_space<vmem>>
          %dma_wait3A_107 = arith.constant 0 : i32
          %dma_wait3A_108 = tpu.memref_slice %arg14[%dma_wait3A_107] : memref<10240xf32, #tpu.memory_space<vmem_shared>> -> memref<10240xf32, #tpu.memory_space<vmem_shared>>
          tpu.wait_indirect_dma semaphore(%run_scoped3A : memref<!tpu.dma_semaphore, #tpu.memory_space<semaphore_mem>>) src(%arg11 : memref<128xf32, #tpu.memory_space<vmem>>) dst(%dma_wait3A_108 : memref<10240xf32, #tpu.memory_space<vmem_shared>>)
          tpu.yield
        }) : () -> ()
        "tpu.region"() ({
          %run_scoped3A = tpu.sem_alloc : memref<!tpu.dma_semaphore, #tpu.memory_space<semaphore_mem>>
          %dma_start3A_99 = arith.constant 0 : i32
          %dma_start3A_100 = tpu.memref_slice %arg8[%mul3A_70, %dma_start3A_99] : memref<16x128xi32, #tpu.memory_space<vmem>> -> memref<1x128xi32, #tpu.memory_space<vmem>>
          %dma_start3A_101 = tpu.memref_squeeze %dma_start3A_100 : memref<1x128xi32, #tpu.memory_space<vmem>> -> memref<128xi32, #tpu.memory_space<vmem>>
          %dma_start3A_102 = arith.constant 0 : i32
          %dma_start3A_103 = arith.constant 0 : i32
          %dma_start3A_104 = tpu.memref_slice %arg13[%dma_start3A_102, %dma_start3A_103] : memref<10240x128xf32, #tpu.memory_space<vmem_shared>> -> memref<10240x128xf32, #tpu.memory_space<vmem_shared>>
          tpu.enqueue_indirect_dma source(%arg9 : memref<128x128xf32, #tpu.memory_space<vmem>>) target(%dma_start3A_104 : memref<10240x128xf32, #tpu.memory_space<vmem_shared>>) offsets(%dma_start3A_101 : memref<128xi32, #tpu.memory_space<vmem>>) semaphore(%run_scoped3A : memref<!tpu.dma_semaphore, #tpu.memory_space<semaphore_mem>>) {add = true}
          %dma_wait3A_105 = arith.constant 0 : i32
          %dma_wait3A_106 = tpu.memref_slice %arg8[%mul3A_70, %dma_wait3A_105] : memref<16x128xi32, #tpu.memory_space<vmem>> -> memref<1x128xi32, #tpu.memory_space<vmem>>
          %dma_wait3A_107 = tpu.memref_squeeze %dma_wait3A_106 : memref<1x128xi32, #tpu.memory_space<vmem>> -> memref<128xi32, #tpu.memory_space<vmem>>
          %dma_wait3A_108 = arith.constant 0 : i32
          %dma_wait3A_109 = arith.constant 0 : i32
          %dma_wait3A_110 = tpu.memref_slice %arg13[%dma_wait3A_108, %dma_wait3A_109] : memref<10240x128xf32, #tpu.memory_space<vmem_shared>> -> memref<10240x128xf32, #tpu.memory_space<vmem_shared>>
          tpu.wait_indirect_dma semaphore(%run_scoped3A : memref<!tpu.dma_semaphore, #tpu.memory_space<semaphore_mem>>) src(%arg9 : memref<128x128xf32, #tpu.memory_space<vmem>>) dst(%dma_wait3A_110 : memref<10240x128xf32, #tpu.memory_space<vmem_shared>>)
          tpu.yield
        }) : () -> ()
        %dma_wait3A_79 = arith.constant 0 : i32
        %dma_wait3A_80 = tpu.memref_slice %arg7[%add3A_72, %dma_wait3A_79] : memref<16x128xi32, #tpu.memory_space<vmem>> -> memref<1x128xi32, #tpu.memory_space<vmem>>
        %dma_wait3A_81 = tpu.memref_squeeze %dma_wait3A_80 : memref<1x128xi32, #tpu.memory_space<vmem>> -> memref<128xi32, #tpu.memory_space<vmem>>
        %dma_wait3A_82 = arith.constant 0 : i32
        %dma_wait3A_83 = arith.constant 0 : i32
        %dma_wait3A_84 = tpu.memref_slice %arg2[%dma_wait3A_82, %dma_wait3A_83] : memref<10000x128xf32, #tpu.memory_space<hbm>> -> memref<10000x128xf32, #tpu.memory_space<hbm>>
        tpu.wait_indirect_dma semaphore(%arg16 : memref<!tpu.dma_semaphore, #tpu.memory_space<semaphore_mem>>) src(%dma_wait3A_84 : memref<10000x128xf32, #tpu.memory_space<hbm>>) dst(%arg10 : memref<128x128xf32, #tpu.memory_space<vmem>>)
        %lt3A_85 = arith.constant 7 : i32
        %lt3A_86 = arith.cmpi slt, %scan3A_68, %lt3A_85 : i32
        %convert_element_type3A_87 = arith.extui %lt3A_86 : i1 to i32
        %cond3A_88 = arith.constant 0 : i32
        %cond3A_89 = arith.cmpi ne, %convert_element_type3A_87, %cond3A_88 : i32
        scf.if %cond3A_89 {
          %add3A_99 = arith.constant 2 : i32
          %add3A_100 = arith.addi %mul3A_70, %add3A_99 : i32
          %dma_start3A_101 = arith.constant 0 : i32
          %dma_start3A_102 = tpu.memref_slice %arg7[%add3A_100, %dma_start3A_101] : memref<16x128xi32, #tpu.memory_space<vmem>> -> memref<1x128xi32, #tpu.memory_space<vmem>>
          %dma_start3A_103 = tpu.memref_squeeze %dma_start3A_102 : memref<1x128xi32, #tpu.memory_space<vmem>> -> memref<128xi32, #tpu.memory_space<vmem>>
          %dma_start3A_104 = arith.constant 0 : i32
          %dma_start3A_105 = arith.constant 0 : i32
          %dma_start3A_106 = tpu.memref_slice %arg2[%dma_start3A_104, %dma_start3A_105] : memref<10000x128xf32, #tpu.memory_space<hbm>> -> memref<10000x128xf32, #tpu.memory_space<hbm>>
          tpu.enqueue_indirect_dma source(%dma_start3A_106 : memref<10000x128xf32, #tpu.memory_space<hbm>>) target(%arg9 : memref<128x128xf32, #tpu.memory_space<vmem>>) offsets(%dma_start3A_103 : memref<128xi32, #tpu.memory_space<vmem>>) semaphore(%arg15 : memref<!tpu.dma_semaphore, #tpu.memory_space<semaphore_mem>>)
        } else {
        }
        %add3A_90 = arith.constant 1 : i32
        %add3A_91 = arith.addi %mul3A_70, %add3A_90 : i32
        "tpu.region"() ({
          %run_scoped3A = tpu.sem_alloc : memref<!tpu.dma_semaphore, #tpu.memory_space<semaphore_mem>>
          %dma_start3A_99 = arith.constant 0 : i32
          %dma_start3A_100 = tpu.memref_slice %arg8[%add3A_91, %dma_start3A_99] : memref<16x128xi32, #tpu.memory_space<vmem>> -> memref<1x128xi32, #tpu.memory_space<vmem>>
          %dma_start3A_101 = tpu.memref_squeeze %dma_start3A_100 : memref<1x128xi32, #tpu.memory_space<vmem>> -> memref<128xi32, #tpu.memory_space<vmem>>
          %dma_start3A_102 = arith.constant 0 : i32
          %dma_start3A_103 = tpu.memref_slice %arg14[%dma_start3A_102] : memref<10240xf32, #tpu.memory_space<vmem_shared>> -> memref<10240xf32, #tpu.memory_space<vmem_shared>>
          tpu.enqueue_indirect_dma source(%arg11 : memref<128xf32, #tpu.memory_space<vmem>>) target(%dma_start3A_103 : memref<10240xf32, #tpu.memory_space<vmem_shared>>) offsets(%dma_start3A_101 : memref<128xi32, #tpu.memory_space<vmem>>) semaphore(%run_scoped3A : memref<!tpu.dma_semaphore, #tpu.memory_space<semaphore_mem>>) {add = true}
          %dma_wait3A_104 = arith.constant 0 : i32
          %dma_wait3A_105 = tpu.memref_slice %arg8[%add3A_91, %dma_wait3A_104] : memref<16x128xi32, #tpu.memory_space<vmem>> -> memref<1x128xi32, #tpu.memory_space<vmem>>
          %dma_wait3A_106 = tpu.memref_squeeze %dma_wait3A_105 : memref<1x128xi32, #tpu.memory_space<vmem>> -> memref<128xi32, #tpu.memory_space<vmem>>
          %dma_wait3A_107 = arith.constant 0 : i32
          %dma_wait3A_108 = tpu.memref_slice %arg14[%dma_wait3A_107] : memref<10240xf32, #tpu.memory_space<vmem_shared>> -> memref<10240xf32, #tpu.memory_space<vmem_shared>>
          tpu.wait_indirect_dma semaphore(%run_scoped3A : memref<!tpu.dma_semaphore, #tpu.memory_space<semaphore_mem>>) src(%arg11 : memref<128xf32, #tpu.memory_space<vmem>>) dst(%dma_wait3A_108 : memref<10240xf32, #tpu.memory_space<vmem_shared>>)
          tpu.yield
        }) : () -> ()
        %add3A_92 = arith.constant 1 : i32
        %add3A_93 = arith.addi %mul3A_70, %add3A_92 : i32
        "tpu.region"() ({
          %run_scoped3A = tpu.sem_alloc : memref<!tpu.dma_semaphore, #tpu.memory_space<semaphore_mem>>
          %dma_start3A_99 = arith.constant 0 : i32
          %dma_start3A_100 = tpu.memref_slice %arg8[%add3A_93, %dma_start3A_99] : memref<16x128xi32, #tpu.memory_space<vmem>> -> memref<1x128xi32, #tpu.memory_space<vmem>>
          %dma_start3A_101 = tpu.memref_squeeze %dma_start3A_100 : memref<1x128xi32, #tpu.memory_space<vmem>> -> memref<128xi32, #tpu.memory_space<vmem>>
          %dma_start3A_102 = arith.constant 0 : i32
          %dma_start3A_103 = arith.constant 0 : i32
          %dma_start3A_104 = tpu.memref_slice %arg13[%dma_start3A_102, %dma_start3A_103] : memref<10240x128xf32, #tpu.memory_space<vmem_shared>> -> memref<10240x128xf32, #tpu.memory_space<vmem_shared>>
          tpu.enqueue_indirect_dma source(%arg10 : memref<128x128xf32, #tpu.memory_space<vmem>>) target(%dma_start3A_104 : memref<10240x128xf32, #tpu.memory_space<vmem_shared>>) offsets(%dma_start3A_101 : memref<128xi32, #tpu.memory_space<vmem>>) semaphore(%run_scoped3A : memref<!tpu.dma_semaphore, #tpu.memory_space<semaphore_mem>>) {add = true}
          %dma_wait3A_105 = arith.constant 0 : i32
          %dma_wait3A_106 = tpu.memref_slice %arg8[%add3A_93, %dma_wait3A_105] : memref<16x128xi32, #tpu.memory_space<vmem>> -> memref<1x128xi32, #tpu.memory_space<vmem>>
          %dma_wait3A_107 = tpu.memref_squeeze %dma_wait3A_106 : memref<1x128xi32, #tpu.memory_space<vmem>> -> memref<128xi32, #tpu.memory_space<vmem>>
          %dma_wait3A_108 = arith.constant 0 : i32
          %dma_wait3A_109 = arith.constant 0 : i32
          %dma_wait3A_110 = tpu.memref_slice %arg13[%dma_wait3A_108, %dma_wait3A_109] : memref<10240x128xf32, #tpu.memory_space<vmem_shared>> -> memref<10240x128xf32, #tpu.memory_space<vmem_shared>>
          tpu.wait_indirect_dma semaphore(%run_scoped3A : memref<!tpu.dma_semaphore, #tpu.memory_space<semaphore_mem>>) src(%arg10 : memref<128x128xf32, #tpu.memory_space<vmem>>) dst(%dma_wait3A_110 : memref<10240x128xf32, #tpu.memory_space<vmem_shared>>)
          tpu.yield
        }) : () -> ()
        %lt3A_94 = arith.constant 7 : i32
        %lt3A_95 = arith.cmpi slt, %scan3A_68, %lt3A_94 : i32
        %convert_element_type3A_96 = arith.extui %lt3A_95 : i1 to i32
        %cond3A_97 = arith.constant 0 : i32
        %cond3A_98 = arith.cmpi ne, %convert_element_type3A_96, %cond3A_97 : i32
        scf.if %cond3A_98 {
          %dma_wait3A_99 = arith.constant 0 : i32
          %dma_wait3A_100 = arith.constant 0 : i32
          %dma_wait3A_101 = tpu.memref_slice %arg7[%dma_wait3A_99, %dma_wait3A_100] : memref<16x128xi32, #tpu.memory_space<vmem>> -> memref<1x128xi32, #tpu.memory_space<vmem>>
          %dma_wait3A_102 = tpu.memref_squeeze %dma_wait3A_101 : memref<1x128xi32, #tpu.memory_space<vmem>> -> memref<128xi32, #tpu.memory_space<vmem>>
          %dma_wait3A_103 = arith.constant 0 : i32
          %dma_wait3A_104 = arith.constant 0 : i32
          %dma_wait3A_105 = tpu.memref_slice %arg2[%dma_wait3A_103, %dma_wait3A_104] : memref<10000x128xf32, #tpu.memory_space<hbm>> -> memref<10000x128xf32, #tpu.memory_space<hbm>>
          tpu.wait_indirect_dma semaphore(%arg15 : memref<!tpu.dma_semaphore, #tpu.memory_space<semaphore_mem>>) src(%dma_wait3A_105 : memref<10000x128xf32, #tpu.memory_space<hbm>>) dst(%arg9 : memref<128x128xf32, #tpu.memory_space<vmem>>)
        } else {
        }
      }
      %scan3A_67 = arith.constant 8 : i32
    }
    %while3A_34 = arith.constant 1 : i32
    scf.for %while3A_43 = %while3A_32 to %while3A_28 step %while3A_34  : i32 {
      %mul3A_44 = arith.constant 16 : i32
      %mul3A_45 = arith.muli %while3A_43, %mul3A_44 : i32
      %add3A_46 = arith.addi %select_n3A, %mul3A_45 : i32
      "tpu.region"() ({
        %run_scoped3A = tpu.sem_alloc : memref<!tpu.dma_semaphore, #tpu.memory_space<semaphore_mem>>
        %dma_start3A_68 = arith.constant 0 : i32
        %dma_start3A_69 = tpu.memref_slice %arg3[%add3A_46, %dma_start3A_68] : memref<2560x128xi32, #tpu.memory_space<hbm>> -> memref<16x128xi32, #tpu.memory_space<hbm>>
        %dma_start3A_70 = arith.constant 0 : i32
        %dma_start3A_71 = tpu.memref_slice %arg3[%add3A_46, %dma_start3A_70] : memref<2560x128xi32, #tpu.memory_space<hbm>> -> memref<16x128xi32, #tpu.memory_space<hbm>>
        tpu.enqueue_dma source(%dma_start3A_71 : memref<16x128xi32, #tpu.memory_space<hbm>>) target(%arg7 : memref<16x128xi32, #tpu.memory_space<vmem>>) target_semaphore(%run_scoped3A : memref<!tpu.dma_semaphore, #tpu.memory_space<semaphore_mem>>)
        %dma_wait3A_72 = arith.constant 0 : i32
        %dma_wait3A_73 = tpu.memref_slice %arg3[%add3A_46, %dma_wait3A_72] : memref<2560x128xi32, #tpu.memory_space<hbm>> -> memref<16x128xi32, #tpu.memory_space<hbm>>
        %dma_wait3A_74 = arith.constant 0 : i32
        %dma_wait3A_75 = tpu.memref_slice %arg3[%add3A_46, %dma_wait3A_74] : memref<2560x128xi32, #tpu.memory_space<hbm>> -> memref<16x128xi32, #tpu.memory_space<hbm>>
        tpu.wait_dma2 semaphore(%run_scoped3A : memref<!tpu.dma_semaphore, #tpu.memory_space<semaphore_mem>>) src(%dma_wait3A_75 : memref<16x128xi32, #tpu.memory_space<hbm>>) dst(%arg7 : memref<16x128xi32, #tpu.memory_space<vmem>>)
        tpu.yield
      }) : () -> ()
      %mul3A_47 = arith.constant 16 : i32
      %mul3A_48 = arith.muli %while3A_43, %mul3A_47 : i32
      %add3A_49 = arith.addi %select_n3A, %mul3A_48 : i32
      "tpu.region"() ({
        %run_scoped3A = tpu.sem_alloc : memref<!tpu.dma_semaphore, #tpu.memory_space<semaphore_mem>>
        %dma_start3A_68 = arith.constant 0 : i32
        %dma_start3A_69 = tpu.memref_slice %arg4[%add3A_49, %dma_start3A_68] : memref<2560x128xi32, #tpu.memory_space<hbm>> -> memref<16x128xi32, #tpu.memory_space<hbm>>
        %dma_start3A_70 = arith.constant 0 : i32
        %dma_start3A_71 = tpu.memref_slice %arg4[%add3A_49, %dma_start3A_70] : memref<2560x128xi32, #tpu.memory_space<hbm>> -> memref<16x128xi32, #tpu.memory_space<hbm>>
        tpu.enqueue_dma source(%dma_start3A_71 : memref<16x128xi32, #tpu.memory_space<hbm>>) target(%arg8 : memref<16x128xi32, #tpu.memory_space<vmem>>) target_semaphore(%run_scoped3A : memref<!tpu.dma_semaphore, #tpu.memory_space<semaphore_mem>>)
        %dma_wait3A_72 = arith.constant 0 : i32
        %dma_wait3A_73 = tpu.memref_slice %arg4[%add3A_49, %dma_wait3A_72] : memref<2560x128xi32, #tpu.memory_space<hbm>> -> memref<16x128xi32, #tpu.memory_space<hbm>>
        %dma_wait3A_74 = arith.constant 0 : i32
        %dma_wait3A_75 = tpu.memref_slice %arg4[%add3A_49, %dma_wait3A_74] : memref<2560x128xi32, #tpu.memory_space<hbm>> -> memref<16x128xi32, #tpu.memory_space<hbm>>
        tpu.wait_dma2 semaphore(%run_scoped3A : memref<!tpu.dma_semaphore, #tpu.memory_space<semaphore_mem>>) src(%dma_wait3A_75 : memref<16x128xi32, #tpu.memory_space<hbm>>) dst(%arg8 : memref<16x128xi32, #tpu.memory_space<vmem>>)
        tpu.yield
      }) : () -> ()
      %dma_start3A = arith.constant 0 : i32
      %dma_start3A_50 = arith.constant 0 : i32
      %dma_start3A_51 = tpu.memref_slice %arg7[%dma_start3A, %dma_start3A_50] : memref<16x128xi32, #tpu.memory_space<vmem>> -> memref<1x128xi32, #tpu.memory_space<vmem>>
      %dma_start3A_52 = tpu.memref_squeeze %dma_start3A_51 : memref<1x128xi32, #tpu.memory_space<vmem>> -> memref<128xi32, #tpu.memory_space<vmem>>
      %dma_start3A_53 = arith.constant 0 : i32
      %dma_start3A_54 = arith.constant 0 : i32
      %dma_start3A_55 = tpu.memref_slice %arg2[%dma_start3A_53, %dma_start3A_54] : memref<10000x128xf32, #tpu.memory_space<hbm>> -> memref<10000x128xf32, #tpu.memory_space<hbm>>
      tpu.enqueue_indirect_dma source(%dma_start3A_55 : memref<10000x128xf32, #tpu.memory_space<hbm>>) target(%arg9 : memref<128x128xf32, #tpu.memory_space<vmem>>) offsets(%dma_start3A_52 : memref<128xi32, #tpu.memory_space<vmem>>) semaphore(%arg15 : memref<!tpu.dma_semaphore, #tpu.memory_space<semaphore_mem>>)
      %dma_wait3A = arith.constant 0 : i32
      %dma_wait3A_56 = arith.constant 0 : i32
      %dma_wait3A_57 = tpu.memref_slice %arg7[%dma_wait3A, %dma_wait3A_56] : memref<16x128xi32, #tpu.memory_space<vmem>> -> memref<1x128xi32, #tpu.memory_space<vmem>>
      %dma_wait3A_58 = tpu.memref_squeeze %dma_wait3A_57 : memref<1x128xi32, #tpu.memory_space<vmem>> -> memref<128xi32, #tpu.memory_space<vmem>>
      %dma_wait3A_59 = arith.constant 0 : i32
      %dma_wait3A_60 = arith.constant 0 : i32
      %dma_wait3A_61 = tpu.memref_slice %arg2[%dma_wait3A_59, %dma_wait3A_60] : memref<10000x128xf32, #tpu.memory_space<hbm>> -> memref<10000x128xf32, #tpu.memory_space<hbm>>
      tpu.wait_indirect_dma semaphore(%arg15 : memref<!tpu.dma_semaphore, #tpu.memory_space<semaphore_mem>>) src(%dma_wait3A_61 : memref<10000x128xf32, #tpu.memory_space<hbm>>) dst(%arg9 : memref<128x128xf32, #tpu.memory_space<vmem>>)
      %scan3A_62 = arith.constant 0 : i32
      %scan3A_63 = arith.constant 0 : i32
      %scan3A_64 = arith.constant 8 : i32
      %scan3A_65 = arith.addi %scan3A_63, %scan3A_64 : i32
      %scan3A_66 = arith.constant 1 : i32
      scf.for %scan3A_68 = %scan3A_63 to %scan3A_65 step %scan3A_66  : i32 {
        %mul3A_69 = arith.constant 2 : i32
        %mul3A_70 = arith.muli %mul3A_69, %scan3A_68 : i32
        %add3A_71 = arith.constant 1 : i32
        %add3A_72 = arith.addi %mul3A_70, %add3A_71 : i32
        %dma_start3A_73 = arith.constant 0 : i32
        %dma_start3A_74 = tpu.memref_slice %arg7[%add3A_72, %dma_start3A_73] : memref<16x128xi32, #tpu.memory_space<vmem>> -> memref<1x128xi32, #tpu.memory_space<vmem>>
        %dma_start3A_75 = tpu.memref_squeeze %dma_start3A_74 : memref<1x128xi32, #tpu.memory_space<vmem>> -> memref<128xi32, #tpu.memory_space<vmem>>
        %dma_start3A_76 = arith.constant 0 : i32
        %dma_start3A_77 = arith.constant 0 : i32
        %dma_start3A_78 = tpu.memref_slice %arg2[%dma_start3A_76, %dma_start3A_77] : memref<10000x128xf32, #tpu.memory_space<hbm>> -> memref<10000x128xf32, #tpu.memory_space<hbm>>
        tpu.enqueue_indirect_dma source(%dma_start3A_78 : memref<10000x128xf32, #tpu.memory_space<hbm>>) target(%arg10 : memref<128x128xf32, #tpu.memory_space<vmem>>) offsets(%dma_start3A_75 : memref<128xi32, #tpu.memory_space<vmem>>) semaphore(%arg16 : memref<!tpu.dma_semaphore, #tpu.memory_space<semaphore_mem>>)
        "tpu.region"() ({
          %run_scoped3A = tpu.sem_alloc : memref<!tpu.dma_semaphore, #tpu.memory_space<semaphore_mem>>
          %dma_start3A_99 = arith.constant 0 : i32
          %dma_start3A_100 = tpu.memref_slice %arg8[%mul3A_70, %dma_start3A_99] : memref<16x128xi32, #tpu.memory_space<vmem>> -> memref<1x128xi32, #tpu.memory_space<vmem>>
          %dma_start3A_101 = tpu.memref_squeeze %dma_start3A_100 : memref<1x128xi32, #tpu.memory_space<vmem>> -> memref<128xi32, #tpu.memory_space<vmem>>
          %dma_start3A_102 = arith.constant 0 : i32
          %dma_start3A_103 = tpu.memref_slice %arg14[%dma_start3A_102] : memref<10240xf32, #tpu.memory_space<vmem_shared>> -> memref<10240xf32, #tpu.memory_space<vmem_shared>>
          tpu.enqueue_indirect_dma source(%arg11 : memref<128xf32, #tpu.memory_space<vmem>>) target(%dma_start3A_103 : memref<10240xf32, #tpu.memory_space<vmem_shared>>) offsets(%dma_start3A_101 : memref<128xi32, #tpu.memory_space<vmem>>) semaphore(%run_scoped3A : memref<!tpu.dma_semaphore, #tpu.memory_space<semaphore_mem>>) {add = true}
          %dma_wait3A_104 = arith.constant 0 : i32
          %dma_wait3A_105 = tpu.memref_slice %arg8[%mul3A_70, %dma_wait3A_104] : memref<16x128xi32, #tpu.memory_space<vmem>> -> memref<1x128xi32, #tpu.memory_space<vmem>>
          %dma_wait3A_106 = tpu.memref_squeeze %dma_wait3A_105 : memref<1x128xi32, #tpu.memory_space<vmem>> -> memref<128xi32, #tpu.memory_space<vmem>>
          %dma_wait3A_107 = arith.constant 0 : i32
          %dma_wait3A_108 = tpu.memref_slice %arg14[%dma_wait3A_107] : memref<10240xf32, #tpu.memory_space<vmem_shared>> -> memref<10240xf32, #tpu.memory_space<vmem_shared>>
          tpu.wait_indirect_dma semaphore(%run_scoped3A : memref<!tpu.dma_semaphore, #tpu.memory_space<semaphore_mem>>) src(%arg11 : memref<128xf32, #tpu.memory_space<vmem>>) dst(%dma_wait3A_108 : memref<10240xf32, #tpu.memory_space<vmem_shared>>)
          tpu.yield
        }) : () -> ()
        "tpu.region"() ({
          %run_scoped3A = tpu.sem_alloc : memref<!tpu.dma_semaphore, #tpu.memory_space<semaphore_mem>>
          %dma_start3A_99 = arith.constant 0 : i32
          %dma_start3A_100 = tpu.memref_slice %arg8[%mul3A_70, %dma_start3A_99] : memref<16x128xi32, #tpu.memory_space<vmem>> -> memref<1x128xi32, #tpu.memory_space<vmem>>
          %dma_start3A_101 = tpu.memref_squeeze %dma_start3A_100 : memref<1x128xi32, #tpu.memory_space<vmem>> -> memref<128xi32, #tpu.memory_space<vmem>>
          %dma_start3A_102 = arith.constant 0 : i32
          %dma_start3A_103 = arith.constant 0 : i32
          %dma_start3A_104 = tpu.memref_slice %arg13[%dma_start3A_102, %dma_start3A_103] : memref<10240x128xf32, #tpu.memory_space<vmem_shared>> -> memref<10240x128xf32, #tpu.memory_space<vmem_shared>>
          tpu.enqueue_indirect_dma source(%arg9 : memref<128x128xf32, #tpu.memory_space<vmem>>) target(%dma_start3A_104 : memref<10240x128xf32, #tpu.memory_space<vmem_shared>>) offsets(%dma_start3A_101 : memref<128xi32, #tpu.memory_space<vmem>>) semaphore(%run_scoped3A : memref<!tpu.dma_semaphore, #tpu.memory_space<semaphore_mem>>) {add = true}
          %dma_wait3A_105 = arith.constant 0 : i32
          %dma_wait3A_106 = tpu.memref_slice %arg8[%mul3A_70, %dma_wait3A_105] : memref<16x128xi32, #tpu.memory_space<vmem>> -> memref<1x128xi32, #tpu.memory_space<vmem>>
          %dma_wait3A_107 = tpu.memref_squeeze %dma_wait3A_106 : memref<1x128xi32, #tpu.memory_space<vmem>> -> memref<128xi32, #tpu.memory_space<vmem>>
          %dma_wait3A_108 = arith.constant 0 : i32
          %dma_wait3A_109 = arith.constant 0 : i32
          %dma_wait3A_110 = tpu.memref_slice %arg13[%dma_wait3A_108, %dma_wait3A_109] : memref<10240x128xf32, #tpu.memory_space<vmem_shared>> -> memref<10240x128xf32, #tpu.memory_space<vmem_shared>>
          tpu.wait_indirect_dma semaphore(%run_scoped3A : memref<!tpu.dma_semaphore, #tpu.memory_space<semaphore_mem>>) src(%arg9 : memref<128x128xf32, #tpu.memory_space<vmem>>) dst(%dma_wait3A_110 : memref<10240x128xf32, #tpu.memory_space<vmem_shared>>)
          tpu.yield
        }) : () -> ()
        %dma_wait3A_79 = arith.constant 0 : i32
        %dma_wait3A_80 = tpu.memref_slice %arg7[%add3A_72, %dma_wait3A_79] : memref<16x128xi32, #tpu.memory_space<vmem>> -> memref<1x128xi32, #tpu.memory_space<vmem>>
        %dma_wait3A_81 = tpu.memref_squeeze %dma_wait3A_80 : memref<1x128xi32, #tpu.memory_space<vmem>> -> memref<128xi32, #tpu.memory_space<vmem>>
        %dma_wait3A_82 = arith.constant 0 : i32
        %dma_wait3A_83 = arith.constant 0 : i32
        %dma_wait3A_84 = tpu.memref_slice %arg2[%dma_wait3A_82, %dma_wait3A_83] : memref<10000x128xf32, #tpu.memory_space<hbm>> -> memref<10000x128xf32, #tpu.memory_space<hbm>>
        tpu.wait_indirect_dma semaphore(%arg16 : memref<!tpu.dma_semaphore, #tpu.memory_space<semaphore_mem>>) src(%dma_wait3A_84 : memref<10000x128xf32, #tpu.memory_space<hbm>>) dst(%arg10 : memref<128x128xf32, #tpu.memory_space<vmem>>)
        %lt3A_85 = arith.constant 7 : i32
        %lt3A_86 = arith.cmpi slt, %scan3A_68, %lt3A_85 : i32
        %convert_element_type3A_87 = arith.extui %lt3A_86 : i1 to i32
        %cond3A_88 = arith.constant 0 : i32
        %cond3A_89 = arith.cmpi ne, %convert_element_type3A_87, %cond3A_88 : i32
        scf.if %cond3A_89 {
          %add3A_99 = arith.constant 2 : i32
          %add3A_100 = arith.addi %mul3A_70, %add3A_99 : i32
          %dma_start3A_101 = arith.constant 0 : i32
          %dma_start3A_102 = tpu.memref_slice %arg7[%add3A_100, %dma_start3A_101] : memref<16x128xi32, #tpu.memory_space<vmem>> -> memref<1x128xi32, #tpu.memory_space<vmem>>
          %dma_start3A_103 = tpu.memref_squeeze %dma_start3A_102 : memref<1x128xi32, #tpu.memory_space<vmem>> -> memref<128xi32, #tpu.memory_space<vmem>>
          %dma_start3A_104 = arith.constant 0 : i32
          %dma_start3A_105 = arith.constant 0 : i32
          %dma_start3A_106 = tpu.memref_slice %arg2[%dma_start3A_104, %dma_start3A_105] : memref<10000x128xf32, #tpu.memory_space<hbm>> -> memref<10000x128xf32, #tpu.memory_space<hbm>>
          tpu.enqueue_indirect_dma source(%dma_start3A_106 : memref<10000x128xf32, #tpu.memory_space<hbm>>) target(%arg9 : memref<128x128xf32, #tpu.memory_space<vmem>>) offsets(%dma_start3A_103 : memref<128xi32, #tpu.memory_space<vmem>>) semaphore(%arg15 : memref<!tpu.dma_semaphore, #tpu.memory_space<semaphore_mem>>)
        } else {
        }
        %add3A_90 = arith.constant 1 : i32
        %add3A_91 = arith.addi %mul3A_70, %add3A_90 : i32
        "tpu.region"() ({
          %run_scoped3A = tpu.sem_alloc : memref<!tpu.dma_semaphore, #tpu.memory_space<semaphore_mem>>
          %dma_start3A_99 = arith.constant 0 : i32
          %dma_start3A_100 = tpu.memref_slice %arg8[%add3A_91, %dma_start3A_99] : memref<16x128xi32, #tpu.memory_space<vmem>> -> memref<1x128xi32, #tpu.memory_space<vmem>>
          %dma_start3A_101 = tpu.memref_squeeze %dma_start3A_100 : memref<1x128xi32, #tpu.memory_space<vmem>> -> memref<128xi32, #tpu.memory_space<vmem>>
          %dma_start3A_102 = arith.constant 0 : i32
          %dma_start3A_103 = tpu.memref_slice %arg14[%dma_start3A_102] : memref<10240xf32, #tpu.memory_space<vmem_shared>> -> memref<10240xf32, #tpu.memory_space<vmem_shared>>
          tpu.enqueue_indirect_dma source(%arg11 : memref<128xf32, #tpu.memory_space<vmem>>) target(%dma_start3A_103 : memref<10240xf32, #tpu.memory_space<vmem_shared>>) offsets(%dma_start3A_101 : memref<128xi32, #tpu.memory_space<vmem>>) semaphore(%run_scoped3A : memref<!tpu.dma_semaphore, #tpu.memory_space<semaphore_mem>>) {add = true}
          %dma_wait3A_104 = arith.constant 0 : i32
          %dma_wait3A_105 = tpu.memref_slice %arg8[%add3A_91, %dma_wait3A_104] : memref<16x128xi32, #tpu.memory_space<vmem>> -> memref<1x128xi32, #tpu.memory_space<vmem>>
          %dma_wait3A_106 = tpu.memref_squeeze %dma_wait3A_105 : memref<1x128xi32, #tpu.memory_space<vmem>> -> memref<128xi32, #tpu.memory_space<vmem>>
          %dma_wait3A_107 = arith.constant 0 : i32
          %dma_wait3A_108 = tpu.memref_slice %arg14[%dma_wait3A_107] : memref<10240xf32, #tpu.memory_space<vmem_shared>> -> memref<10240xf32, #tpu.memory_space<vmem_shared>>
          tpu.wait_indirect_dma semaphore(%run_scoped3A : memref<!tpu.dma_semaphore, #tpu.memory_space<semaphore_mem>>) src(%arg11 : memref<128xf32, #tpu.memory_space<vmem>>) dst(%dma_wait3A_108 : memref<10240xf32, #tpu.memory_space<vmem_shared>>)
          tpu.yield
        }) : () -> ()
        %add3A_92 = arith.constant 1 : i32
        %add3A_93 = arith.addi %mul3A_70, %add3A_92 : i32
        "tpu.region"() ({
          %run_scoped3A = tpu.sem_alloc : memref<!tpu.dma_semaphore, #tpu.memory_space<semaphore_mem>>
          %dma_start3A_99 = arith.constant 0 : i32
          %dma_start3A_100 = tpu.memref_slice %arg8[%add3A_93, %dma_start3A_99] : memref<16x128xi32, #tpu.memory_space<vmem>> -> memref<1x128xi32, #tpu.memory_space<vmem>>
          %dma_start3A_101 = tpu.memref_squeeze %dma_start3A_100 : memref<1x128xi32, #tpu.memory_space<vmem>> -> memref<128xi32, #tpu.memory_space<vmem>>
          %dma_start3A_102 = arith.constant 0 : i32
          %dma_start3A_103 = arith.constant 0 : i32
          %dma_start3A_104 = tpu.memref_slice %arg13[%dma_start3A_102, %dma_start3A_103] : memref<10240x128xf32, #tpu.memory_space<vmem_shared>> -> memref<10240x128xf32, #tpu.memory_space<vmem_shared>>
          tpu.enqueue_indirect_dma source(%arg10 : memref<128x128xf32, #tpu.memory_space<vmem>>) target(%dma_start3A_104 : memref<10240x128xf32, #tpu.memory_space<vmem_shared>>) offsets(%dma_start3A_101 : memref<128xi32, #tpu.memory_space<vmem>>) semaphore(%run_scoped3A : memref<!tpu.dma_semaphore, #tpu.memory_space<semaphore_mem>>) {add = true}
          %dma_wait3A_105 = arith.constant 0 : i32
          %dma_wait3A_106 = tpu.memref_slice %arg8[%add3A_93, %dma_wait3A_105] : memref<16x128xi32, #tpu.memory_space<vmem>> -> memref<1x128xi32, #tpu.memory_space<vmem>>
          %dma_wait3A_107 = tpu.memref_squeeze %dma_wait3A_106 : memref<1x128xi32, #tpu.memory_space<vmem>> -> memref<128xi32, #tpu.memory_space<vmem>>
          %dma_wait3A_108 = arith.constant 0 : i32
          %dma_wait3A_109 = arith.constant 0 : i32
          %dma_wait3A_110 = tpu.memref_slice %arg13[%dma_wait3A_108, %dma_wait3A_109] : memref<10240x128xf32, #tpu.memory_space<vmem_shared>> -> memref<10240x128xf32, #tpu.memory_space<vmem_shared>>
          tpu.wait_indirect_dma semaphore(%run_scoped3A : memref<!tpu.dma_semaphore, #tpu.memory_space<semaphore_mem>>) src(%arg10 : memref<128x128xf32, #tpu.memory_space<vmem>>) dst(%dma_wait3A_110 : memref<10240x128xf32, #tpu.memory_space<vmem_shared>>)
          tpu.yield
        }) : () -> ()
        %lt3A_94 = arith.constant 7 : i32
        %lt3A_95 = arith.cmpi slt, %scan3A_68, %lt3A_94 : i32
        %convert_element_type3A_96 = arith.extui %lt3A_95 : i1 to i32
        %cond3A_97 = arith.constant 0 : i32
        %cond3A_98 = arith.cmpi ne, %convert_element_type3A_96, %cond3A_97 : i32
        scf.if %cond3A_98 {
          %dma_wait3A_99 = arith.constant 0 : i32
          %dma_wait3A_100 = arith.constant 0 : i32
          %dma_wait3A_101 = tpu.memref_slice %arg7[%dma_wait3A_99, %dma_wait3A_100] : memref<16x128xi32, #tpu.memory_space<vmem>> -> memref<1x128xi32, #tpu.memory_space<vmem>>
          %dma_wait3A_102 = tpu.memref_squeeze %dma_wait3A_101 : memref<1x128xi32, #tpu.memory_space<vmem>> -> memref<128xi32, #tpu.memory_space<vmem>>
          %dma_wait3A_103 = arith.constant 0 : i32
          %dma_wait3A_104 = arith.constant 0 : i32
          %dma_wait3A_105 = tpu.memref_slice %arg2[%dma_wait3A_103, %dma_wait3A_104] : memref<10000x128xf32, #tpu.memory_space<hbm>> -> memref<10000x128xf32, #tpu.memory_space<hbm>>
          tpu.wait_indirect_dma semaphore(%arg15 : memref<!tpu.dma_semaphore, #tpu.memory_space<semaphore_mem>>) src(%dma_wait3A_105 : memref<10000x128xf32, #tpu.memory_space<hbm>>) dst(%arg9 : memref<128x128xf32, #tpu.memory_space<vmem>>)
        } else {
        }
      }
      %scan3A_67 = arith.constant 8 : i32
    }
    %barrier3A_35 = arith.constant 0 : index
    tpu.barrier barrier_id(%barrier3A_35)
    %lt3A = arith.constant 15 : i32
    %lt3A_36 = arith.cmpi slt, %arg1, %lt3A : i32
    %convert_element_type3A = arith.extui %lt3A_36 : i1 to i32
    %cond3A = arith.constant 0 : i32
    %cond3A_37 = arith.cmpi ne, %convert_element_type3A, %cond3A : i32
    scf.if %cond3A_37 {
      %mul3A_43 = arith.constant 640 : i32
      %mul3A_44 = arith.muli %arg1, %mul3A_43 : i32
      %mul3A_45 = arith.constant 640 : i32
      %mul3A_46 = arith.muli %arg1, %mul3A_45 : i32
      "tpu.region"() ({
        %run_scoped3A = tpu.sem_alloc : memref<!tpu.dma_semaphore, #tpu.memory_space<semaphore_mem>>
        %dma_start3A = arith.constant 0 : i32
        %dma_start3A_54 = arith.constant 0 : i32
        %dma_start3A_55 = tpu.memref_slice %arg5[%arg0, %dma_start3A, %dma_start3A_54] : memref<2x10000x128xf32, #tpu.memory_space<hbm>> -> memref<1x10000x128xf32, #tpu.memory_space<hbm>>
        %dma_start3A_56 = tpu.memref_squeeze %dma_start3A_55 : memref<1x10000x128xf32, #tpu.memory_space<hbm>> -> memref<10000x128xf32, #tpu.memory_space<hbm>>
        %dma_start3A_57 = arith.constant 0 : i32
        %dma_start3A_58 = tpu.memref_slice %dma_start3A_56[%mul3A_46, %dma_start3A_57] : memref<10000x128xf32, #tpu.memory_space<hbm>> -> memref<640x128xf32, #tpu.memory_space<hbm>>
        %dma_start3A_59 = arith.constant 0 : i32
        %dma_start3A_60 = tpu.memref_slice %arg13[%mul3A_44, %dma_start3A_59] : memref<10240x128xf32, #tpu.memory_space<vmem_shared>> -> memref<640x128xf32, #tpu.memory_space<vmem_shared>>
        tpu.enqueue_dma source(%dma_start3A_60 : memref<640x128xf32, #tpu.memory_space<vmem_shared>>) target(%dma_start3A_58 : memref<640x128xf32, #tpu.memory_space<hbm>>) target_semaphore(%run_scoped3A : memref<!tpu.dma_semaphore, #tpu.memory_space<semaphore_mem>>)
        %dma_wait3A = arith.constant 0 : i32
        %dma_wait3A_61 = arith.constant 0 : i32
        %dma_wait3A_62 = tpu.memref_slice %arg5[%arg0, %dma_wait3A, %dma_wait3A_61] : memref<2x10000x128xf32, #tpu.memory_space<hbm>> -> memref<1x10000x128xf32, #tpu.memory_space<hbm>>
        %dma_wait3A_63 = tpu.memref_squeeze %dma_wait3A_62 : memref<1x10000x128xf32, #tpu.memory_space<hbm>> -> memref<10000x128xf32, #tpu.memory_space<hbm>>
        %dma_wait3A_64 = arith.constant 0 : i32
        %dma_wait3A_65 = tpu.memref_slice %dma_wait3A_63[%mul3A_46, %dma_wait3A_64] : memref<10000x128xf32, #tpu.memory_space<hbm>> -> memref<640x128xf32, #tpu.memory_space<hbm>>
        %dma_wait3A_66 = arith.constant 0 : i32
        %dma_wait3A_67 = tpu.memref_slice %arg13[%mul3A_44, %dma_wait3A_66] : memref<10240x128xf32, #tpu.memory_space<vmem_shared>> -> memref<640x128xf32, #tpu.memory_space<vmem_shared>>
        tpu.wait_dma2 semaphore(%run_scoped3A : memref<!tpu.dma_semaphore, #tpu.memory_space<semaphore_mem>>) src(%dma_wait3A_67 : memref<640x128xf32, #tpu.memory_space<vmem_shared>>) dst(%dma_wait3A_65 : memref<640x128xf32, #tpu.memory_space<hbm>>)
        tpu.yield
      }) : () -> ()
      %mul3A_47 = arith.constant 640 : i32
      %mul3A_48 = arith.muli %arg1, %mul3A_47 : i32
      "tpu.region"() ({
        %run_scoped3A = tpu.sem_alloc : memref<!tpu.dma_semaphore, #tpu.memory_space<semaphore_mem>>
        %dma_start3A = tpu.memref_slice %arg14[%mul3A_48] : memref<10240xf32, #tpu.memory_space<vmem_shared>> -> memref<640xf32, #tpu.memory_space<vmem_shared>>
        %dma_start3A_54 = tpu.memref_slice %arg14[%mul3A_48] : memref<10240xf32, #tpu.memory_space<vmem_shared>> -> memref<640xf32, #tpu.memory_space<vmem_shared>>
        tpu.enqueue_dma source(%dma_start3A_54 : memref<640xf32, #tpu.memory_space<vmem_shared>>) target(%arg12 : memref<640xf32, #tpu.memory_space<vmem>>) target_semaphore(%run_scoped3A : memref<!tpu.dma_semaphore, #tpu.memory_space<semaphore_mem>>)
        %dma_wait3A = tpu.memref_slice %arg14[%mul3A_48] : memref<10240xf32, #tpu.memory_space<vmem_shared>> -> memref<640xf32, #tpu.memory_space<vmem_shared>>
        %dma_wait3A_55 = tpu.memref_slice %arg14[%mul3A_48] : memref<10240xf32, #tpu.memory_space<vmem_shared>> -> memref<640xf32, #tpu.memory_space<vmem_shared>>
        tpu.wait_dma2 semaphore(%run_scoped3A : memref<!tpu.dma_semaphore, #tpu.memory_space<semaphore_mem>>) src(%dma_wait3A_55 : memref<640xf32, #tpu.memory_space<vmem_shared>>) dst(%arg12 : memref<640xf32, #tpu.memory_space<vmem>>)
        tpu.yield
      }) : () -> ()
      %mul3A_49 = arith.constant 10000 : i32
      %mul3A_50 = arith.muli %arg0, %mul3A_49 : i32
      %mul3A_51 = arith.constant 640 : i32
      %mul3A_52 = arith.muli %arg1, %mul3A_51 : i32
      %add3A_53 = arith.addi %mul3A_50, %mul3A_52 : i32
      "tpu.region"() ({
        %run_scoped3A = tpu.sem_alloc : memref<!tpu.dma_semaphore, #tpu.memory_space<semaphore_mem>>
        %dma_start3A = tpu.memref_slice %arg6[%add3A_53] : memref<20000xf32, #tpu.memory_space<hbm>> -> memref<640xf32, #tpu.memory_space<hbm>>
        %dma_start3A_54 = tpu.memref_slice %arg6[%add3A_53] : memref<20000xf32, #tpu.memory_space<hbm>> -> memref<640xf32, #tpu.memory_space<hbm>>
        tpu.enqueue_dma source(%arg12 : memref<640xf32, #tpu.memory_space<vmem>>) target(%dma_start3A_54 : memref<640xf32, #tpu.memory_space<hbm>>) target_semaphore(%run_scoped3A : memref<!tpu.dma_semaphore, #tpu.memory_space<semaphore_mem>>)
        %dma_wait3A = tpu.memref_slice %arg6[%add3A_53] : memref<20000xf32, #tpu.memory_space<hbm>> -> memref<640xf32, #tpu.memory_space<hbm>>
        %dma_wait3A_55 = tpu.memref_slice %arg6[%add3A_53] : memref<20000xf32, #tpu.memory_space<hbm>> -> memref<640xf32, #tpu.memory_space<hbm>>
        tpu.wait_dma2 semaphore(%run_scoped3A : memref<!tpu.dma_semaphore, #tpu.memory_space<semaphore_mem>>) src(%arg12 : memref<640xf32, #tpu.memory_space<vmem>>) dst(%dma_wait3A_55 : memref<640xf32, #tpu.memory_space<hbm>>)
        tpu.yield
      }) : () -> ()
    } else {
    }
    %eq3A_38 = arith.constant 15 : i32
    %eq3A_39 = arith.cmpi eq, %arg1, %eq3A_38 : i32
    %convert_element_type3A_40 = arith.extui %eq3A_39 : i1 to i32
    %cond3A_41 = arith.constant 0 : i32
    %cond3A_42 = arith.cmpi ne, %convert_element_type3A_40, %cond3A_41 : i32
    scf.if %cond3A_42 {
      "tpu.region"() ({
        %run_scoped3A = tpu.sem_alloc : memref<!tpu.dma_semaphore, #tpu.memory_space<semaphore_mem>>
        %dma_start3A = arith.constant 0 : i32
        %dma_start3A_47 = arith.constant 0 : i32
        %dma_start3A_48 = tpu.memref_slice %arg5[%arg0, %dma_start3A, %dma_start3A_47] : memref<2x10000x128xf32, #tpu.memory_space<hbm>> -> memref<1x10000x128xf32, #tpu.memory_space<hbm>>
        %dma_start3A_49 = tpu.memref_squeeze %dma_start3A_48 : memref<1x10000x128xf32, #tpu.memory_space<hbm>> -> memref<10000x128xf32, #tpu.memory_space<hbm>>
        %dma_start3A_50 = arith.constant 9600 : i32
        %dma_start3A_51 = arith.constant 0 : i32
        %dma_start3A_52 = tpu.memref_slice %dma_start3A_49[%dma_start3A_50, %dma_start3A_51] : memref<10000x128xf32, #tpu.memory_space<hbm>> -> memref<400x128xf32, #tpu.memory_space<hbm>>
        %dma_start3A_53 = arith.constant 9600 : i32
        %dma_start3A_54 = arith.constant 0 : i32
        %dma_start3A_55 = tpu.memref_slice %arg13[%dma_start3A_53, %dma_start3A_54] : memref<10240x128xf32, #tpu.memory_space<vmem_shared>> -> memref<400x128xf32, #tpu.memory_space<vmem_shared>>
        tpu.enqueue_dma source(%dma_start3A_55 : memref<400x128xf32, #tpu.memory_space<vmem_shared>>) target(%dma_start3A_52 : memref<400x128xf32, #tpu.memory_space<hbm>>) target_semaphore(%run_scoped3A : memref<!tpu.dma_semaphore, #tpu.memory_space<semaphore_mem>>)
        %dma_wait3A = arith.constant 0 : i32
        %dma_wait3A_56 = arith.constant 0 : i32
        %dma_wait3A_57 = tpu.memref_slice %arg5[%arg0, %dma_wait3A, %dma_wait3A_56] : memref<2x10000x128xf32, #tpu.memory_space<hbm>> -> memref<1x10000x128xf32, #tpu.memory_space<hbm>>
        %dma_wait3A_58 = tpu.memref_squeeze %dma_wait3A_57 : memref<1x10000x128xf32, #tpu.memory_space<hbm>> -> memref<10000x128xf32, #tpu.memory_space<hbm>>
        %dma_wait3A_59 = arith.constant 9600 : i32
        %dma_wait3A_60 = arith.constant 0 : i32
        %dma_wait3A_61 = tpu.memref_slice %dma_wait3A_58[%dma_wait3A_59, %dma_wait3A_60] : memref<10000x128xf32, #tpu.memory_space<hbm>> -> memref<400x128xf32, #tpu.memory_space<hbm>>
        %dma_wait3A_62 = arith.constant 9600 : i32
        %dma_wait3A_63 = arith.constant 0 : i32
        %dma_wait3A_64 = tpu.memref_slice %arg13[%dma_wait3A_62, %dma_wait3A_63] : memref<10240x128xf32, #tpu.memory_space<vmem_shared>> -> memref<400x128xf32, #tpu.memory_space<vmem_shared>>
        tpu.wait_dma2 semaphore(%run_scoped3A : memref<!tpu.dma_semaphore, #tpu.memory_space<semaphore_mem>>) src(%dma_wait3A_64 : memref<400x128xf32, #tpu.memory_space<vmem_shared>>) dst(%dma_wait3A_61 : memref<400x128xf32, #tpu.memory_space<hbm>>)
        tpu.yield
      }) : () -> ()
      "tpu.region"() ({
        %run_scoped3A = tpu.sem_alloc : memref<!tpu.dma_semaphore, #tpu.memory_space<semaphore_mem>>
        %dma_start3A = arith.constant 0 : i32
        %dma_start3A_47 = tpu.memref_slice %arg12[%dma_start3A] : memref<640xf32, #tpu.memory_space<vmem>> -> memref<400xf32, #tpu.memory_space<vmem>>
        %dma_start3A_48 = arith.constant 9600 : i32
        %dma_start3A_49 = tpu.memref_slice %arg14[%dma_start3A_48] : memref<10240xf32, #tpu.memory_space<vmem_shared>> -> memref<400xf32, #tpu.memory_space<vmem_shared>>
        %dma_start3A_50 = arith.constant 0 : i32
        %dma_start3A_51 = tpu.memref_slice %arg12[%dma_start3A_50] : memref<640xf32, #tpu.memory_space<vmem>> -> memref<400xf32, #tpu.memory_space<vmem>>
        %dma_start3A_52 = arith.constant 9600 : i32
        %dma_start3A_53 = tpu.memref_slice %arg14[%dma_start3A_52] : memref<10240xf32, #tpu.memory_space<vmem_shared>> -> memref<400xf32, #tpu.memory_space<vmem_shared>>
        tpu.enqueue_dma source(%dma_start3A_53 : memref<400xf32, #tpu.memory_space<vmem_shared>>) target(%dma_start3A_51 : memref<400xf32, #tpu.memory_space<vmem>>) target_semaphore(%run_scoped3A : memref<!tpu.dma_semaphore, #tpu.memory_space<semaphore_mem>>)
        %dma_wait3A = arith.constant 0 : i32
        %dma_wait3A_54 = tpu.memref_slice %arg12[%dma_wait3A] : memref<640xf32, #tpu.memory_space<vmem>> -> memref<400xf32, #tpu.memory_space<vmem>>
        %dma_wait3A_55 = arith.constant 9600 : i32
        %dma_wait3A_56 = tpu.memref_slice %arg14[%dma_wait3A_55] : memref<10240xf32, #tpu.memory_space<vmem_shared>> -> memref<400xf32, #tpu.memory_space<vmem_shared>>
        %dma_wait3A_57 = arith.constant 0 : i32
        %dma_wait3A_58 = tpu.memref_slice %arg12[%dma_wait3A_57] : memref<640xf32, #tpu.memory_space<vmem>> -> memref<400xf32, #tpu.memory_space<vmem>>
        %dma_wait3A_59 = arith.constant 9600 : i32
        %dma_wait3A_60 = tpu.memref_slice %arg14[%dma_wait3A_59] : memref<10240xf32, #tpu.memory_space<vmem_shared>> -> memref<400xf32, #tpu.memory_space<vmem_shared>>
        tpu.wait_dma2 semaphore(%run_scoped3A : memref<!tpu.dma_semaphore, #tpu.memory_space<semaphore_mem>>) src(%dma_wait3A_60 : memref<400xf32, #tpu.memory_space<vmem_shared>>) dst(%dma_wait3A_58 : memref<400xf32, #tpu.memory_space<vmem>>)
        tpu.yield
      }) : () -> ()
      %mul3A_43 = arith.constant 10000 : i32
      %mul3A_44 = arith.muli %arg0, %mul3A_43 : i32
      %add3A_45 = arith.constant 9600 : i32
      %add3A_46 = arith.addi %mul3A_44, %add3A_45 : i32
      "tpu.region"() ({
        %run_scoped3A = tpu.sem_alloc : memref<!tpu.dma_semaphore, #tpu.memory_space<semaphore_mem>>
        %dma_start3A = arith.constant 0 : i32
        %dma_start3A_47 = tpu.memref_slice %arg12[%dma_start3A] : memref<640xf32, #tpu.memory_space<vmem>> -> memref<400xf32, #tpu.memory_space<vmem>>
        %dma_start3A_48 = tpu.memref_slice %arg6[%add3A_46] : memref<20000xf32, #tpu.memory_space<hbm>> -> memref<400xf32, #tpu.memory_space<hbm>>
        %dma_start3A_49 = tpu.memref_slice %arg6[%add3A_46] : memref<20000xf32, #tpu.memory_space<hbm>> -> memref<400xf32, #tpu.memory_space<hbm>>
        %dma_start3A_50 = arith.constant 0 : i32
        %dma_start3A_51 = tpu.memref_slice %arg12[%dma_start3A_50] : memref<640xf32, #tpu.memory_space<vmem>> -> memref<400xf32, #tpu.memory_space<vmem>>
        tpu.enqueue_dma source(%dma_start3A_51 : memref<400xf32, #tpu.memory_space<vmem>>) target(%dma_start3A_49 : memref<400xf32, #tpu.memory_space<hbm>>) target_semaphore(%run_scoped3A : memref<!tpu.dma_semaphore, #tpu.memory_space<semaphore_mem>>)
        %dma_wait3A = arith.constant 0 : i32
        %dma_wait3A_52 = tpu.memref_slice %arg12[%dma_wait3A] : memref<640xf32, #tpu.memory_space<vmem>> -> memref<400xf32, #tpu.memory_space<vmem>>
        %dma_wait3A_53 = tpu.memref_slice %arg6[%add3A_46] : memref<20000xf32, #tpu.memory_space<hbm>> -> memref<400xf32, #tpu.memory_space<hbm>>
        %dma_wait3A_54 = tpu.memref_slice %arg6[%add3A_46] : memref<20000xf32, #tpu.memory_space<hbm>> -> memref<400xf32, #tpu.memory_space<hbm>>
        %dma_wait3A_55 = arith.constant 0 : i32
        %dma_wait3A_56 = tpu.memref_slice %arg12[%dma_wait3A_55] : memref<640xf32, #tpu.memory_space<vmem>> -> memref<400xf32, #tpu.memory_space<vmem>>
        tpu.wait_dma2 semaphore(%run_scoped3A : memref<!tpu.dma_semaphore, #tpu.memory_space<semaphore_mem>>) src(%dma_wait3A_56 : memref<400xf32, #tpu.memory_space<vmem>>) dst(%dma_wait3A_54 : memref<400xf32, #tpu.memory_space<hbm>>)
        tpu.yield
      }) : () -> ()
    } else {
    }
    return
  }
}

#map = affine_map<(d0, d1) -> (0, 0)>
module attributes {stable_mosaic.version = 14 : i64} {
  func.func @_query_body(%arg0: i32, %arg1: i32, %arg2: memref<10000x128xf32, #tpu.memory_space<hbm>>, %arg3: memref<10000x128xf32, #tpu.memory_space<hbm>>, %arg4: memref<32x128xi32, #tpu.memory_space<hbm>>, %arg5: memref<4096x128xf32, #tpu.memory_space<hbm>>, %arg6: memref<4096x128xf32, #tpu.memory_space<hbm>>, %arg7: memref<128xi32, #tpu.memory_space<vmem>>, %arg8: memref<128x128xf32, #tpu.memory_space<vmem>>, %arg9: memref<128x128xf32, #tpu.memory_space<vmem>>, %arg10: memref<!tpu.dma_semaphore, #tpu.memory_space<semaphore_mem>>) attributes {dimension_semantics = [#tpu.dimension_semantics<core_parallel>, #tpu.dimension_semantics<subcore_parallel>], iteration_bounds = array<i64: 2, 16>, scalar_prefetch = 0 : i64, scratch_operands = 4 : i64, tpu.core_type = #tpu.core_type<sc_vector_subcore>, window_params = [{transform_indices = #map}, {transform_indices = #map}, {transform_indices = #map}, {transform_indices = #map}, {transform_indices = #map}]} {
    %mul3A = arith.constant 2 : i32
    %mul3A_0 = arith.muli %arg1, %mul3A : i32
    %add3A = arith.addi %mul3A_0, %arg0 : i32
    "tpu.region"() ({
      %run_scoped3A = tpu.sem_alloc : memref<!tpu.dma_semaphore, #tpu.memory_space<semaphore_mem>>
      %dma_start3A_15 = arith.constant 0 : i32
      %dma_start3A_16 = tpu.memref_slice %arg4[%add3A, %dma_start3A_15] : memref<32x128xi32, #tpu.memory_space<hbm>> -> memref<1x128xi32, #tpu.memory_space<hbm>>
      %dma_start3A_17 = tpu.memref_squeeze %dma_start3A_16 : memref<1x128xi32, #tpu.memory_space<hbm>> -> memref<128xi32, #tpu.memory_space<hbm>>
      %dma_start3A_18 = arith.constant 0 : i32
      %dma_start3A_19 = tpu.memref_slice %arg4[%add3A, %dma_start3A_18] : memref<32x128xi32, #tpu.memory_space<hbm>> -> memref<1x128xi32, #tpu.memory_space<hbm>>
      %dma_start3A_20 = tpu.memref_squeeze %dma_start3A_19 : memref<1x128xi32, #tpu.memory_space<hbm>> -> memref<128xi32, #tpu.memory_space<hbm>>
      tpu.enqueue_dma source(%dma_start3A_20 : memref<128xi32, #tpu.memory_space<hbm>>) target(%arg7 : memref<128xi32, #tpu.memory_space<vmem>>) target_semaphore(%run_scoped3A : memref<!tpu.dma_semaphore, #tpu.memory_space<semaphore_mem>>)
      %dma_wait3A_21 = arith.constant 0 : i32
      %dma_wait3A_22 = tpu.memref_slice %arg4[%add3A, %dma_wait3A_21] : memref<32x128xi32, #tpu.memory_space<hbm>> -> memref<1x128xi32, #tpu.memory_space<hbm>>
      %dma_wait3A_23 = tpu.memref_squeeze %dma_wait3A_22 : memref<1x128xi32, #tpu.memory_space<hbm>> -> memref<128xi32, #tpu.memory_space<hbm>>
      %dma_wait3A_24 = arith.constant 0 : i32
      %dma_wait3A_25 = tpu.memref_slice %arg4[%add3A, %dma_wait3A_24] : memref<32x128xi32, #tpu.memory_space<hbm>> -> memref<1x128xi32, #tpu.memory_space<hbm>>
      %dma_wait3A_26 = tpu.memref_squeeze %dma_wait3A_25 : memref<1x128xi32, #tpu.memory_space<hbm>> -> memref<128xi32, #tpu.memory_space<hbm>>
      tpu.wait_dma2 semaphore(%run_scoped3A : memref<!tpu.dma_semaphore, #tpu.memory_space<semaphore_mem>>) src(%dma_wait3A_26 : memref<128xi32, #tpu.memory_space<hbm>>) dst(%arg7 : memref<128xi32, #tpu.memory_space<vmem>>)
      tpu.yield
    }) : () -> ()
    %dma_start3A = arith.constant 0 : i32
    %dma_start3A_1 = arith.constant 0 : i32
    %dma_start3A_2 = tpu.memref_slice %arg2[%dma_start3A, %dma_start3A_1] : memref<10000x128xf32, #tpu.memory_space<hbm>> -> memref<10000x128xf32, #tpu.memory_space<hbm>>
    tpu.enqueue_indirect_dma source(%dma_start3A_2 : memref<10000x128xf32, #tpu.memory_space<hbm>>) target(%arg8 : memref<128x128xf32, #tpu.memory_space<vmem>>) offsets(%arg7 : memref<128xi32, #tpu.memory_space<vmem>>) semaphore(%arg10 : memref<!tpu.dma_semaphore, #tpu.memory_space<semaphore_mem>>)
    %dma_wait3A = arith.constant 0 : i32
    %dma_wait3A_3 = arith.constant 0 : i32
    %dma_wait3A_4 = tpu.memref_slice %arg2[%dma_wait3A, %dma_wait3A_3] : memref<10000x128xf32, #tpu.memory_space<hbm>> -> memref<10000x128xf32, #tpu.memory_space<hbm>>
    tpu.wait_indirect_dma semaphore(%arg10 : memref<!tpu.dma_semaphore, #tpu.memory_space<semaphore_mem>>) src(%dma_wait3A_4 : memref<10000x128xf32, #tpu.memory_space<hbm>>) dst(%arg8 : memref<128x128xf32, #tpu.memory_space<vmem>>)
    %mul3A_5 = arith.constant 128 : i32
    %mul3A_6 = arith.muli %add3A, %mul3A_5 : i32
    "tpu.region"() ({
      %run_scoped3A = tpu.sem_alloc : memref<!tpu.dma_semaphore, #tpu.memory_space<semaphore_mem>>
      %dma_start3A_15 = arith.constant 0 : i32
      %dma_start3A_16 = tpu.memref_slice %arg5[%mul3A_6, %dma_start3A_15] : memref<4096x128xf32, #tpu.memory_space<hbm>> -> memref<128x128xf32, #tpu.memory_space<hbm>>
      %dma_start3A_17 = arith.constant 0 : i32
      %dma_start3A_18 = tpu.memref_slice %arg5[%mul3A_6, %dma_start3A_17] : memref<4096x128xf32, #tpu.memory_space<hbm>> -> memref<128x128xf32, #tpu.memory_space<hbm>>
      tpu.enqueue_dma source(%arg8 : memref<128x128xf32, #tpu.memory_space<vmem>>) target(%dma_start3A_18 : memref<128x128xf32, #tpu.memory_space<hbm>>) target_semaphore(%run_scoped3A : memref<!tpu.dma_semaphore, #tpu.memory_space<semaphore_mem>>)
      %dma_wait3A_19 = arith.constant 0 : i32
      %dma_wait3A_20 = tpu.memref_slice %arg5[%mul3A_6, %dma_wait3A_19] : memref<4096x128xf32, #tpu.memory_space<hbm>> -> memref<128x128xf32, #tpu.memory_space<hbm>>
      %dma_wait3A_21 = arith.constant 0 : i32
      %dma_wait3A_22 = tpu.memref_slice %arg5[%mul3A_6, %dma_wait3A_21] : memref<4096x128xf32, #tpu.memory_space<hbm>> -> memref<128x128xf32, #tpu.memory_space<hbm>>
      tpu.wait_dma2 semaphore(%run_scoped3A : memref<!tpu.dma_semaphore, #tpu.memory_space<semaphore_mem>>) src(%arg8 : memref<128x128xf32, #tpu.memory_space<vmem>>) dst(%dma_wait3A_22 : memref<128x128xf32, #tpu.memory_space<hbm>>)
      tpu.yield
    }) : () -> ()
    %dma_start3A_7 = arith.constant 0 : i32
    %dma_start3A_8 = arith.constant 0 : i32
    %dma_start3A_9 = tpu.memref_slice %arg3[%dma_start3A_7, %dma_start3A_8] : memref<10000x128xf32, #tpu.memory_space<hbm>> -> memref<10000x128xf32, #tpu.memory_space<hbm>>
    tpu.enqueue_indirect_dma source(%dma_start3A_9 : memref<10000x128xf32, #tpu.memory_space<hbm>>) target(%arg9 : memref<128x128xf32, #tpu.memory_space<vmem>>) offsets(%arg7 : memref<128xi32, #tpu.memory_space<vmem>>) semaphore(%arg10 : memref<!tpu.dma_semaphore, #tpu.memory_space<semaphore_mem>>)
    %dma_wait3A_10 = arith.constant 0 : i32
    %dma_wait3A_11 = arith.constant 0 : i32
    %dma_wait3A_12 = tpu.memref_slice %arg3[%dma_wait3A_10, %dma_wait3A_11] : memref<10000x128xf32, #tpu.memory_space<hbm>> -> memref<10000x128xf32, #tpu.memory_space<hbm>>
    tpu.wait_indirect_dma semaphore(%arg10 : memref<!tpu.dma_semaphore, #tpu.memory_space<semaphore_mem>>) src(%dma_wait3A_12 : memref<10000x128xf32, #tpu.memory_space<hbm>>) dst(%arg9 : memref<128x128xf32, #tpu.memory_space<vmem>>)
    %mul3A_13 = arith.constant 128 : i32
    %mul3A_14 = arith.muli %add3A, %mul3A_13 : i32
    "tpu.region"() ({
      %run_scoped3A = tpu.sem_alloc : memref<!tpu.dma_semaphore, #tpu.memory_space<semaphore_mem>>
      %dma_start3A_15 = arith.constant 0 : i32
      %dma_start3A_16 = tpu.memref_slice %arg6[%mul3A_14, %dma_start3A_15] : memref<4096x128xf32, #tpu.memory_space<hbm>> -> memref<128x128xf32, #tpu.memory_space<hbm>>
      %dma_start3A_17 = arith.constant 0 : i32
      %dma_start3A_18 = tpu.memref_slice %arg6[%mul3A_14, %dma_start3A_17] : memref<4096x128xf32, #tpu.memory_space<hbm>> -> memref<128x128xf32, #tpu.memory_space<hbm>>
      tpu.enqueue_dma source(%arg9 : memref<128x128xf32, #tpu.memory_space<vmem>>) target(%dma_start3A_18 : memref<128x128xf32, #tpu.memory_space<hbm>>) target_semaphore(%run_scoped3A : memref<!tpu.dma_semaphore, #tpu.memory_space<semaphore_mem>>)
      %dma_wait3A_19 = arith.constant 0 : i32
      %dma_wait3A_20 = tpu.memref_slice %arg6[%mul3A_14, %dma_wait3A_19] : memref<4096x128xf32, #tpu.memory_space<hbm>> -> memref<128x128xf32, #tpu.memory_space<hbm>>
      %dma_wait3A_21 = arith.constant 0 : i32
      %dma_wait3A_22 = tpu.memref_slice %arg6[%mul3A_14, %dma_wait3A_21] : memref<4096x128xf32, #tpu.memory_space<hbm>> -> memref<128x128xf32, #tpu.memory_space<hbm>>
      tpu.wait_dma2 semaphore(%run_scoped3A : memref<!tpu.dma_semaphore, #tpu.memory_space<semaphore_mem>>) src(%arg9 : memref<128x128xf32, #tpu.memory_space<vmem>>) dst(%dma_wait3A_22 : memref<128x128xf32, #tpu.memory_space<hbm>>)
      tpu.yield
    }) : () -> ()
    return
  }
}

module attributes {stable_mosaic.version = 14 : i64} {
  func.func @_combine_body(%arg0: memref<2x10000x128xf32, #tpu.memory_space<vmem>>, %arg1: memref<2x10000xf32, #tpu.memory_space<vmem>>, %arg2: memref<10000x128xf32, #tpu.memory_space<vmem>>) attributes {dimension_semantics = [], scalar_prefetch = 0 : i64, scratch_operands = 0 : i64, tpu.core_type = #tpu.core_type<tc>} {
    %get3A = arith.constant 0 : index
    %get3A_0 = arith.constant 0 : index
    %get3A_1 = vector.load %arg1[%get3A, %get3A_0] : memref<2x10000xf32, #tpu.memory_space<vmem>>, vector<1x10000xf32>
    %get3A_2 = vector.shape_cast %get3A_1 : vector<1x10000xf32> to vector<10000xf32>
    %get3A_3 = arith.constant 1 : index
    %get3A_4 = arith.constant 0 : index
    %get3A_5 = vector.load %arg1[%get3A_3, %get3A_4] : memref<2x10000xf32, #tpu.memory_space<vmem>>, vector<1x10000xf32>
    %get3A_6 = vector.shape_cast %get3A_5 : vector<1x10000xf32> to vector<10000xf32>
    %add3A = arith.addf %get3A_2, %get3A_6 : vector<10000xf32>
    %max3A = arith.constant 1.000000e+00 : f32
    %max3A_7 = vector.broadcast %max3A : f32 to vector<10000xf32>
    %max3A_8 = arith.maximumf %add3A, %max3A_7 : vector<10000xf32>
    %div3A = arith.constant 1.000000e+00 : f32
    %div3A_9 = vector.broadcast %div3A : f32 to vector<10000xf32>
    %div3A_10 = arith.divf %div3A_9, %max3A_8 : vector<10000xf32>
    %get3A_11 = arith.constant 0 : index
    %get3A_12 = arith.constant 0 : index
    %get3A_13 = arith.constant 0 : index
    %get3A_14 = vector.load %arg0[%get3A_11, %get3A_12, %get3A_13] : memref<2x10000x128xf32, #tpu.memory_space<vmem>>, vector<1x10000x128xf32>
    %get3A_15 = vector.shape_cast %get3A_14 : vector<1x10000x128xf32> to vector<10000x128xf32>
    %get3A_16 = arith.constant 1 : index
    %get3A_17 = arith.constant 0 : index
    %get3A_18 = arith.constant 0 : index
    %get3A_19 = vector.load %arg0[%get3A_16, %get3A_17, %get3A_18] : memref<2x10000x128xf32, #tpu.memory_space<vmem>>, vector<1x10000x128xf32>
    %get3A_20 = vector.shape_cast %get3A_19 : vector<1x10000x128xf32> to vector<10000x128xf32>
    %add3A_21 = arith.addf %get3A_15, %get3A_20 : vector<10000x128xf32>
    %broadcast_in_dim3A = vector.shape_cast %div3A_10 : vector<10000xf32> to vector<10000x1xf32>
    %mul3A = vector.broadcast %broadcast_in_dim3A : vector<10000x1xf32> to vector<10000x128xf32>
    %mul3A_22 = arith.mulf %add3A_21, %mul3A : vector<10000x128xf32>
    %swap3A = arith.constant 0 : index
    %swap3A_23 = arith.constant 0 : index
    %swap3A_24 = vector.load %arg2[%swap3A, %swap3A_23] : memref<10000x128xf32, #tpu.memory_space<vmem>>, vector<10000x128xf32>
    tpu.vector_store %arg2[%swap3A, %swap3A_23], %mul3A_22 {strides = array<i32>} : memref<10000x128xf32, #tpu.memory_space<vmem>>, vector<10000x128xf32>,
    return
  }
}

module attributes {stable_mosaic.version = 14 : i64} {
  func.func @_final_body(%arg0: memref<4096x128xf32, #tpu.memory_space<vmem>>, %arg1: memref<4096x128xf32, #tpu.memory_space<vmem>>, %arg2: memref<128x128xf32, #tpu.memory_space<vmem>>, %arg3: memref<128x1xf32, #tpu.memory_space<vmem>>, %arg4: memref<4096x128xf32, #tpu.memory_space<vmem>>) attributes {dimension_semantics = [], scalar_prefetch = 0 : i64, scratch_operands = 0 : i64, tpu.core_type = #tpu.core_type<tc>} {
    %get3A = arith.constant 0 : index
    %get3A_0 = arith.constant 0 : index
    %get3A_1 = vector.load %arg0[%get3A, %get3A_0] : memref<4096x128xf32, #tpu.memory_space<vmem>>, vector<4096x128xf32>
    %get3A_2 = arith.constant 0 : index
    %get3A_3 = arith.constant 0 : index
    %get3A_4 = vector.load %arg2[%get3A_2, %get3A_3] : memref<128x128xf32, #tpu.memory_space<vmem>>, vector<128x128xf32>
    %dot_general3A = arith.constant dense<0.000000e+00> : vector<4096x128xf32>
    %dot_general3A_5 = tpu.matmul %get3A_1, %get3A_4, %dot_general3A {dimension_numbers = #tpu.dot_dimension_numbers<[1], [0], [0], [1], [0, 0, 1, 1], [], []>, transpose_lhs_hint = false} : vector<4096x128xf32>, vector<128x128xf32>, vector<4096x128xf32> -> vector<4096x128xf32>
    %get3A_6 = arith.constant 0 : index
    %get3A_7 = arith.constant 0 : index
    %get3A_8 = vector.load %arg1[%get3A_6, %get3A_7] : memref<4096x128xf32, #tpu.memory_space<vmem>>, vector<4096x128xf32>
    %get3A_9 = arith.constant 0 : index
    %get3A_10 = arith.constant 0 : index
    %get3A_11 = vector.load %arg3[%get3A_9, %get3A_10] : memref<128x1xf32, #tpu.memory_space<vmem>>, vector<128x1xf32>
    %dot_general3A_12 = arith.constant dense<0.000000e+00> : vector<4096x1xf32>
    %dot_general3A_13 = tpu.matmul %get3A_8, %get3A_11, %dot_general3A_12 {dimension_numbers = #tpu.dot_dimension_numbers<[1], [0], [0], [1], [0, 0, 1, 1], [], []>, transpose_lhs_hint = false} : vector<4096x128xf32>, vector<128x1xf32>, vector<4096x1xf32> -> vector<4096x1xf32>
    %add3A = vector.broadcast %dot_general3A_13 : vector<4096x1xf32> to vector<4096x128xf32>
    %add3A_14 = arith.addf %dot_general3A_5, %add3A : vector<4096x128xf32>
    %max3A = arith.constant 0.000000e+00 : f32
    %max3A_15 = vector.broadcast %max3A : f32 to vector<4096x128xf32>
    %max3A_16 = arith.maximumf %add3A_14, %max3A_15 : vector<4096x128xf32>
    %swap3A = arith.constant 0 : index
    %swap3A_17 = arith.constant 0 : index
    %swap3A_18 = vector.load %arg4[%swap3A, %swap3A_17] : memref<4096x128xf32, #tpu.memory_space<vmem>>, vector<4096x128xf32>
    tpu.vector_store %arg4[%swap3A, %swap3A_17], %max3A_16 {strides = array<i32>} : memref<4096x128xf32, #tpu.memory_space<vmem>>, vector<4096x128xf32>,
    return
  }
}

</mosaic_0001>

<sc_bundles>
// kernel: kernel.11.cloned.1.call-start
scs
__scs_entry_jumppad:
0x0: {  	(pc) =	sbr.rel $0x88, $3  }
0x1: {  	(tag) =	ssettag $0x0;
	lr =	simm.s32 $0x1  }
0x2: {  	[smem:$0x3F9C] =	sst lr;
	_ =	strace $0xD0000000  }
0x3: {  	_ = 	snop  }
0x4: {  	_ = 	snop  }
0x5: {  	_ = 	snop  }
0x6: {  	_ = 	snop  }
0x7: {  	_ = 	snop  }
__scs_overlays_trampoline_lowered:
0x8: {  	[smem:$0x3FAB] =	sst s0  }
0x9: {  	[smem:$0x3FAC] =	sst s1  }
0xa: {  	[smem:$0x3FAD] =	sst s2  }
0xb: {  	[smem:$0x3FAE] =	sst s3  }
0xc: {  	[smem:$0x3FAF] =	sst s4  }
0xd: {  	[smem:$0x3FB0] =	sst s5  }
0xe: {  	[smem:$0x3FB1] =	sst s6  }
0xf: {  	[smem:$0x3FB2] =	sst s7  }
0x10: {  	[smem:$0x3FB3] =	sst s8  }
0x11: {  	[smem:$0x3FB4] =	sst s9;
	s0 =	simm.s32 @!p0 $0x0  }
0x12: {  	s1 =	sld [smem:$0x3F9A];
	s0 =	simm.s32 @p0 $0x1  }
0x13: {  	[smem:$0x3FB5] =	sst s0;
	s0 =	simm.s32 @!p1 $0x0  }
0x14: {  	s2 =	sld [smem:$0x3F99];
	s0 =	simm.s32 @p1 $0x1  }
0x15: {  	[smem:$0x3FB6] =	sst s0;
	s0 =	simm.s32 @!p2 $0x0  }
0x16: {  	s3 =	sld [smem:$0x3FDB];
	s0 =	simm.s32 @p2 $0x1  }
0x17: {  	s4 =	simm.s32 $0x1BF5;
	[smem:$0x3FB8] =	sst s0  }
0x18: {  	s0 =	sld [smem:$0x3F9B];
	_ =	swait.ge [sflag:s4], $0x0  }
0x19: {  	s7 =	sld [smem:$0x3F9C]  }
0x1a: {  	s8 =	sadd.s32 $0xFFFFE003, lr  }
0x1b: {  	s9 =	sadd.s32 $0xFFFFFEF7, lr;
	s5 =	simm.s32 $0xFFFFFFFF;
	p2 =	slt.u32 s8, $0xFFFFF086  }
0x1c: {  	p1 =	slt.u32 s9, $0xF7A;
	s5 =	simm.s32 @!p2 $0x0  }
0x1d: {  	s5 =	simm.s32 @p1 $0x1;
	p0 =	seq.s32 s7, s2  }
0x1e: {  	s7 =	smul.u32 @!p0 $0xF7A, s2;
	p2 =	seq.s32 @!p0 s5, $0x0  }
0x1f: {  	s9 =	smul.u32 $0xF7A, s1;
	s8 =	simm.s32 @!p0 $0x1BF5;
	p2 =	por !p2, p0  }
0x20: {  	[sflag:s8] =	ssyncset.s32 @!p0 $0xFFFFF086;
	s6 =	sadd.s32 @!p0 s3, s7;
	s7 =	simm.s32 @!p0 $0x108  }
0x21: {  	s3 =	sadd.s32 s3, s9;
	s6 =	sadd.s32 @!p0 $0x88, s6;
	s7 =	simm.s32 @p2 $0x1082  }
0x22: {  	[simem:s7], [sflag:s8] =	dma.local @!p0 [hbm:s6], $0xF7A  }
0x23: {  	s9 =	sor.u32 $0xD0000000, s2;
	s6 =	simm.s32 $0x108;
	_ =	swait.ge @!p0 [sflag:s8], $0x0  }
0x24: {  	s3 =	sadd.s32 $0x88, s3;
	s6 =	simm.s32 @!p1 $0x1082;
	[sflag:s4] =	ssyncset.s32 $0xFFFFF086  }
0x25: {  	[simem:s6], [sflag:s4] =	dma.local [hbm:s3], $0xF7A  }
0x26: {  	[smem:$0x3F9C] =	sst s1;
	(tag) =	ssettag s2;
	_ =	strace s9  }
0x27: {  	s1 =	sld [smem:$0x3FAC]  }
0x28: {  	s2 =	sld [smem:$0x3FAD]  }
0x29: {  	s4 =	sld [smem:$0x3FAF]  }
0x2a: {  	p0 =	seq.s32 s5, $0x0;
	s5 =	sld [smem:$0x3FB0]  }
0x2b: {  	s6 =	sld [smem:$0x3FB1]  }
0x2c: {  	s7 =	sld [smem:$0x3FB2]  }
0x2d: {  	s3 =	simm.s32 $0x108;
	s8 =	sld [smem:$0x3FB3]  }
0x2e: {  	s3 =	simm.s32 @!p0 $0x1082;
	s9 =	sld [smem:$0x3FB4]  }
0x2f: {  	lr =	sadd.s32 s0, s3;
	s0 =	sld [smem:$0x3FAB]  }
0x30: {  	s3 =	sld [smem:$0x3FAE]  }
0x31: {  	[smem:$0x3FB7] =	sst s10  }
0x32: {  	s10 =	sld [smem:$0x3FB5];
	_ =	sdelay $0x3  }
0x33: {  	p0 =	seq.s32 s10, $0x1;
	s10 =	sld [smem:$0x3FB7];
	_ =	sdelay $0x3  }
0x34: {  	[smem:$0x3FB7] =	sst s10  }
0x35: {  	s10 =	sld [smem:$0x3FB6];
	_ =	sdelay $0x3  }
0x36: {  	p1 =	seq.s32 s10, $0x1;
	s10 =	sld [smem:$0x3FB7];
	_ =	sdelay $0x3  }
0x37: {  	[smem:$0x3FB7] =	sst s10  }
0x38: {  	s10 =	sld [smem:$0x3FB8]  }
0x39: {  	_ = 	snop;
	(pc) =	sbr.ind lr, $3  }
0x3a: {  	_ = 	snop  }
0x3b: {  	_ = 	snop  }
0x3c: {  	p2 =	seq.s32 s10, $0x1;
	s10 =	sld [smem:$0x3FB7]  }
0x3d: {  	_ =	shalt  }
0x3e: {  	_ =	shalt  }
0x3f: {  	_ =	shalt  }
0x40: {  	_ =	shalt  }
0x41: {  	_ =	shalt  }
0x42: {  	_ =	shalt  }
0x43: {  	_ =	shalt  }
0x44: {  	_ =	shalt  }
0x45: {  	_ =	shalt  }
0x46: {  	_ =	shalt  }
0x47: {  	_ =	shalt  }
0x48: {  	_ =	shalt  }
0x49: {  	_ =	shalt  }
0x4a: {  	_ =	shalt  }
0x4b: {  	_ =	shalt  }
0x4c: {  	_ =	shalt  }
0x4d: {  	_ =	shalt  }
0x4e: {  	_ =	shalt  }
0x4f: {  	_ =	shalt  }
0x50: {  	_ =	shalt  }
0x51: {  	_ =	shalt  }
0x52: {  	_ =	shalt  }
0x53: {  	_ =	shalt  }
0x54: {  	_ =	shalt  }
0x55: {  	_ =	shalt  }
0x56: {  	_ =	shalt  }
0x57: {  	_ =	shalt  }
0x58: {  	_ =	shalt  }
0x59: {  	_ =	shalt  }
0x5a: {  	_ =	shalt  }
0x5b: {  	_ =	shalt  }
0x5c: {  	_ =	shalt  }
0x5d: {  	_ =	shalt  }
0x5e: {  	_ =	shalt  }
0x5f: {  	_ =	shalt  }
0x60: {  	_ =	shalt  }
0x61: {  	_ =	shalt  }
0x62: {  	_ =	shalt  }
0x63: {  	_ =	shalt  }
0x64: {  	_ =	shalt  }
0x65: {  	_ =	shalt  }
0x66: {  	_ =	shalt  }
0x67: {  	_ =	shalt  }
0x68: {  	_ =	shalt  }
0x69: {  	_ =	shalt  }
0x6a: {  	_ =	shalt  }
0x6b: {  	_ =	shalt  }
0x6c: {  	_ =	shalt  }
0x6d: {  	_ =	shalt  }
0x6e: {  	_ =	shalt  }
0x6f: {  	_ =	shalt  }
0x70: {  	_ =	shalt  }
0x71: {  	_ =	shalt  }
0x72: {  	_ =	shalt  }
0x73: {  	_ =	shalt  }
0x74: {  	_ =	shalt  }
0x75: {  	_ =	shalt  }
0x76: {  	_ =	shalt  }
0x77: {  	_ =	shalt  }
0x78: {  	_ =	shalt  }
0x79: {  	_ =	shalt  }
0x7a: {  	_ =	shalt  }
0x7b: {  	_ =	shalt  }
0x7c: {  	_ =	shalt  }
0x7d: {  	_ =	shalt  }
0x7e: {  	_ =	shalt  }
0x7f: {  	_ =	shalt  }
0x80: {  	_ =	shalt  }
0x81: {  	_ =	shalt  }
0x82: {  	_ =	shalt  }
0x83: {  	_ =	shalt  }
0x84: {  	_ =	shalt  }
0x85: {  	_ =	shalt  }
0x86: {  	_ =	shalt  }
0x87: {  	_ =	shalt  }
.Lfunc_end0:
.L_simem_size_0:
called_computation.1_lowered:
.L_overlay_start_0:
0x88: {  	s2 =	sld [smem:$0x3FD9]  }
0x89: {  	s3 =	sld [smem:$0x3FFE];
	_ =	sdelay $0x1  }
0x8a: {  	s1 =	srdreg.scid  }
0x8b: {  	s0 =	sand.u32 $0x1, s1  }
0x8c: {  	s17 =	sshll.u32 s0, $0xA;
	s2 =	sadd.s32 s3, s2  }
0x8d: {  	s2 =	sadd.s32 s2, s17  }
0x8e: {  	[smem:$0x3FC3] =	sst s2  }
0x8f: {  	_ = 	snop  }
0x90: {  	s2 =	sld [smem:$0x3FD0];
	(tm) =	ssettm $0x1  }
0x91: {  	s18 =	sld [smem:$0x3FFB];
	_ =	sdelay $0x3  }
0x92: {  	_ =	strace s18  }
0x93: {  	s3 =	sld [smem:$0x3FFC];
	_ =	sdelay $0x3  }
0x94: {  	_ =	strace s3  }
0x95: {  	s3 =	sld [smem:$0x3FFD];
	_ =	sdelay $0x3  }
0x96: {  	_ =	strace s3  }
0x97: {  	_ =	strace $0x8FFFFFFF  }
0x98: {  	s19 =	sld [smem:$0x3FDB];
	_ =	sdelay $0x1  }
0x99: {  	s4 =	simm.s32 $_scs_section_size  }
0x9a: {  	s5 =	simm.s32 $_size__tile_overlayer_lowered;
	s6 =	simm.s32 $_tile_overlayer_lowered  }
0x9b: {  	s22 =	simm.s32 $0x1BFF;
	s21 =	sshll.u32 s6, $0x1;
	s3 =	sadd.s32 s4, s19  }
0x9c: {  	s7 =	simm.s32 $0x0;
	s20 =	sshll.u32 s5, $0x1;
	s5 =	sadd.s32 s21, s3  }
0x9d: {  	[timem:s7], [sflag:s22] =	dma.local [hbm:s5], s20  }
0x9e: {  	_ =	swait.ge [sflag:s22], s20  }
0x9f: {  	s4 =	ssub.s32 $0x0, s20;
	[sflag:s22] =	ssyncset.done $0x0  }
0xa0: {  	[sflag:s22] =	ssyncadd.s32 s4;
	_ =	sdelay $0x1  }
0xa1: {  	s23 =	simm.s32 $0x1B8B  }
0xa2: {  	_ =	swait.ge [sflag:s23], $0x1  }
0xa3: {  	[sflag:s23] =	ssyncset.done $0x0  }
0xa4: {  	s25 =	simm.s32 $0x1B8E;
	s24 =	sld [smem:$0x3FFE];
	[sflag:s23] =	ssyncadd.s32 $0xFFFFFFFF  }
0xa5: {  	s26 =	simm.s32 $execute0_lowered;
	[smem:$0x3FD2] =	sst s25  }
0xa6: {  	s5 =	sshll.u32 s26, $0x1;
	_ =	strace $0x80000049;
	[dreg:$0x1] =	wrdreg $0xFFFFFFFF  }
0xa7: {  	s28 =	simm.s32 $_size_execute0_lowered;
	s3 =	sadd.s32 s3, s5;
	[dreg:$0x0] =	wrdreg $0x0  }
0xa8: {  	s5 =	sshll.u32 s28, $0x1;
	[dreg:$0x2] =	wrdreg s3  }
0xa9: {  	[dreg:$0x3] =	wrdreg s5  }
0xaa: {  	[dreg:$0x4] =	wrdreg $0xC0  }
0xab: {  	_ =	task [dreg:s7], $0x5FFFF  }
0xac: {  	[dreg:$0x1] =	wrdreg $0xFFFFFFFF  }
0xad: {  	[dreg:$0x0] =	wrdreg $0x60  }
0xae: {  	[dreg:$0x2] =	wrdreg s24  }
0xaf: {  	[dreg:$0x3] =	wrdreg s2  }
0xb0: {  	[dreg:$0x4] =	wrdreg $0x90800  }
0xb1: {  	[dreg:$0x5] =	wrdreg $0x9  }
0xb2: {  	_ =	task.clear_ibuf [dreg:s7], $0x6FFFF;
	_ =	strace $0x90000049  }
0xb3: {  	s29 =	simm.s32 $0x9;
	_ =	strace $0x8000004B  }
0xb4: {  	_ =	swait.ge [sflag:s29], $0x1  }
0xb5: {  	[sflag:s29] =	ssyncadd.s32 $0xFFFFFFFF  }
0xb6: {  	_ =	strace $0x9000004B  }
0xb7: {  	_ =	sfence  }
0xb8: {  	s30 =	sld [smem:$0x0];
	_ =	sdelay $0x2  }
0xb9: {  	s31 =	sshll.u32 s1, $0xD;
	s1 =	sshrl.u32 s1, $0x2  }
0xba: {  	s3 =	sand.u32 $0x4000, s31;
	s1 =	sadd.s32 s1, s30  }
0xbb: {  	s0 =	sor.u32 s3, s0;
	s1 =	sshll.u32 s1, $0x11  }
0xbc: {  	s0 =	sor.u32 s1, s0  }
0xbd: {  	s0 =	sadd.s32 $0x8F2B, s0  }
0xbe: {  	[sflag:s0] =	ssyncadd.remote.s32 $0x1  }
0xbf: {  	_ =	sfence.sel $0xFFFF  }
0xc0: {  	[dreg:$0x0] =	wrdreg $0xFFFFFFFF;
	(pc) =	sbr.abs _section_cstart, $3  }
0xc1: {  	[dreg:$0x1] =	wrdreg $0xFFFFFFFF  }
0xc2: {  	_ =	task.clear_ibuf [dreg:s7], $0x2FFFF;
	_ =	strace $0x9FFFFFFF  }
0xc3: {  	(tm) =	ssettm $0x7FFFFFFF  }
tec
execute0_lowered:
.L_overlay_start_1:
0x0: {  	(tag) =	ssettag $0x1  }
0x1: {  	s0 =	rddreg [dreg:$0x0]  }
0x2: {  	s2 =	rddreg [dreg:$0x1]  }
0x3: {  	s1 =	rddreg [dreg:$0x2];
	s3 =	simm.s32 $0x0  }
0x4: {  	s4 =	srdreg.scid;
	s12 =	stileid.u32;
	s14 =	simm.s32 $0x1000  }
0x5: {  	s15 =	simm.s32 $0x3;
	s16 =	simm.s32 $0x800;
	s17 =	simm.s32 $0x80  }
0x6: {  	s28 =	simm.s32 $0x480;
	s29 =	simm.s32 $0xC00;
	s30 =	simm.s32 $0x500  }
0x7: {  	s31 =	simm.s32 $0xC80;
	s13 =	simm.s32 $0x700;
	[smem:$0x7FF] =	sst s3  }
0x8: {  	s5 =	sand.u32 $0x1, s4;
	s6 =	smul.u32 $0x90, s12;
	s18 =	sshll.u32 s12, $0x4  }
0x9: {  	s4 =	sadd.s32 $0xC200, s0;
	s19 =	smul.u32 $0x50000, s12;
	p1 =	seq.s32 s12, $0xF  }
0xa: {  	_ =	strace $0x8000004A;
	p0 =	seq.s32 s5, $0x0;
	s7 =	sor.u32 $0x900, s18  }
0xb: {  	s8 =	smul.u32 $0x27100, s5;
	s9 =	ssub.s32 $0x2, s5;
	s18 =	simm.s32 $0x1  }
0xc: {  	s7 =	smov.u32 @p0 s6;
	s11 =	sshrl.u32 s9, $0x1;
	s6 =	sshrl.u32 s19, $0x2  }
0xd: {  	p0 =	sne.s32 s5, $0x0;
	s19 =	simm.s32 $0x5000;
	s7 =	sshll.u32 s7, $0x4  }
0xe: {  	s20 =	ssub.s32 s9, s11;
	s21 =	sadd.s32 s6, s1;
	s10 =	sadd.s32 s7, s0  }
0xf: {  	s0 =	sadd.s32 s8, s0;
	s8 =	smax.u32 s20, $0x1;
	[dreg:$0x4] =	wrdreg s21  }
0x10: {  	s5 =	simm.s32 $0x0;
	s22 =	sadd.s32 $0x4000, s21;
	[dreg:$0x6] =	wrdreg s8  }
0x11: {  	s6 =	sadd.s32 $0x12C000, s1;
	s23 =	sadd.s32 $0x8000, s21;
	[dreg:$0x7] =	wrdreg s22  }
0x12: {  	s9 =	simm.s32 $0xD00;
	s24 =	sadd.s32 $0xC000, s21;
	[dreg:$0x8] =	wrdreg s23  }
0x13: {  	s25 =	sadd.s32 $0x10000, s21;
	s2 =	sadd.s32 s7, s2;
	[dreg:$0x9] =	wrdreg s24  }
0x14: {  	s20 =	simm.s32 $0x2;
	s21 =	simm.s32 $0xF80;
	[dreg:$0xa] =	wrdreg s25  }
0x15: {  	s11 =	sadd.s32 $0x33E00, s0;
	s0 =	smul.u32 $0x2800, s12;
	[dreg:$0xb] =	wrdreg s2  }
0x16: {  	s26 =	sadd.s32 $0x2200, s10;
	s2 =	sshrl.u32 @p1 s6, $0x3;
	s23 =	simm.s32 $0x400  }
0x17: {  	s10 =	simm.s32 $0x600;
	s6 =	simm.s32 $0x680;
	[dreg:$0xc] =	wrdreg s26  }
0x18: {  	s12 =	simm.s32 $0xE00;
	s24 =	simm.s32 $0xE80;
	[dreg:$0xd] =	wrdreg s2  }
0x19: {  	s25 =	simm.s32 $0x780;
	[dreg:$0x5] =	wrdreg s11;
	s0 =	sadd.s32 @!p1 s0, s11  }
0x1a: {  	v0 =	vimm.f32 $0.0e+00;
	v1 =	vimm.f32 $1.000000000e+00;
	s26 =	simm.s32 $0xB80;
	s11 =	simm.s32 $0xD80;
	[dreg:$0xe] =	wrdreg s0  }
.LBB2_1:
0x1b: {  	s0 =	sand.u32 $0xFE00, s3  }
0x1c: {  	[dreg:$0xf] =	wrdreg s5;
	s2 =	sand.u32 $0x70, s3;
	s7 =	sshrl.u32 s0, $0x2  }
0x1d: {  	s0 =	simm.s32 $0x40;
	s7 =	sor.u32 s2, s7;
	s2 =	simm.s32 $0x0  }
.LBB2_2:
0x1e: {  	p2 =	sne.s32 s0, $0xFFC0  }
0x1f: {  	[tilespmem:s7+$0x1000] =	vst v0;
	s2 =	sadd.s32 $0x10, s2;
	s7 =	smov.u32 s0;
	s0 =	sadd.s32 $0x40, s0  }
.Ltmp0:
0x20: {  	(pc) =	sbr.rel @p2 .LBB2_2-.Ltmp0, $4  }
0x21: {  	_ = 	snop  }
0x22: {  	s7 =	sand.u32 $0xFE00, s7  }
0x23: {  	s8 =	sand.u32 $0x70, s2;
	s7 =	sshrl.u32 s7, $0x2  }
0x24: {  	s7 =	sor.u32 s8, s7  }
0x25: {  	[tilespmem:s7+$0x1000] =	vst v0  }
0x26: {  	[tilespmem:$0x9000] =	vst v1  }
0x27: {  	[tilespmem:$0x9010] =	vst v1  }
0x28: {  	[tilespmem:$0x9020] =	vst v1  }
0x29: {  	[tilespmem:$0x9030] =	vst v1  }
0x2a: {  	[tilespmem:$0x9040] =	vst v1  }
0x2b: {  	[tilespmem:$0x9050] =	vst v1  }
0x2c: {  	[tilespmem:$0x9060] =	vst v1  }
0x2d: {  	s0 =	rddreg [dreg:$0x4];
	[tilespmem:$0x9070] =	vst v1  }
0x2e: {  	[spmem:s0] =	stream.linear.scatter [tilespmem:s14], [sflag:$0x3], $0x4000, $0x38;
	[tilespmem:$0x1D080] =	vst v63  }
0x2f: {  	_ =	swait.ge [sflag:s15], $0x4000  }
0x30: {  	[sflag:s15] =	ssyncset.done $0x0  }
0x31: {  	s5 =	rddreg [dreg:$0x7];
	[sflag:s15] =	ssyncadd.s32 $0xFFFFC000  }
0x32: {  	[spmem:s5] =	stream.linear.scatter [tilespmem:s14], [sflag:$0x3], $0x4000, $0x38;
	[tilespmem:$0x1D080] =	vst v63  }
0x33: {  	_ =	swait.ge [sflag:s15], $0x4000  }
0x34: {  	[sflag:s15] =	ssyncset.done $0x0  }
0x35: {  	s7 =	rddreg [dreg:$0x8];
	[sflag:s15] =	ssyncadd.s32 $0xFFFFC000  }
0x36: {  	[spmem:s7] =	stream.linear.scatter [tilespmem:s14], [sflag:$0x3], $0x4000, $0x38;
	[tilespmem:$0x1D080] =	vst v63  }
0x37: {  	_ =	swait.ge [sflag:s15], $0x4000  }
0x38: {  	[sflag:s15] =	ssyncset.done $0x0  }
0x39: {  	s8 =	rddreg [dreg:$0x9];
	[sflag:s15] =	ssyncadd.s32 $0xFFFFC000  }
0x3a: {  	[spmem:s8] =	stream.linear.scatter [tilespmem:s14], [sflag:$0x3], $0x4000, $0x38;
	[tilespmem:$0x1D080] =	vst v63  }
0x3b: {  	_ =	swait.ge [sflag:s15], $0x4000  }
0x3c: {  	[sflag:s15] =	ssyncset.done $0x0  }
0x3d: {  	s22 =	rddreg [dreg:$0xa];
	[sflag:s15] =	ssyncadd.s32 $0xFFFFC000  }
0x3e: {  	[spmem:s22] =	stream.linear.scatter [tilespmem:s14], [sflag:$0x3], $0x4000, $0x38;
	[tilespmem:$0x1D080] =	vst v63  }
0x3f: {  	_ =	swait.ge [sflag:s15], $0x4000  }
0x40: {  	[sflag:s15] =	ssyncset.done $0x0  }
0x41: {  	[sflag:s15] =	ssyncadd.s32 $0xFFFFC000  }
0x42: {  	[bflag:$0x0] =	sbarrier.arrive $0xFFFF  }
0x43: {  	s5 =	simm.s32 $0xF00;
	s0 =	rddreg [dreg:$0xc]  }
0x44: {  	s7 =	simm.s32 $0x0;
	s8 =	simm.s32 $0x580;
	s2 =	rddreg [dreg:$0xb]  }
.LBB2_4:
0x45: {  	[tilespmem:s3], [sflag:$0x3] =	stream.linear.gather [hbm4b:s0+s3], $0x800, $0x38;
	[tilespmem:$0x1D080] =	vst v63  }
0x46: {  	_ =	swait.ge [sflag:s15], $0x800  }
0x47: {  	[sflag:s15] =	ssyncset.done $0x0  }
0x48: {  	[sflag:s15] =	ssyncadd.s32 $0xFFFFF800  }
0x49: {  	[tilespmem:s16], [sflag:$0x3] =	stream.linear.gather [hbm4b:s2+s3], $0x800, $0x38;
	[tilespmem:$0x1D080] =	vst v63  }
0x4a: {  	_ =	swait.ge [sflag:s15], $0x800  }
0x4b: {  	[sflag:s15] =	ssyncset.done $0x0  }
0x4c: {  	[sflag:s15] =	ssyncadd.s32 $0xFFFFF800  }
0x4d: {  	[tilespmem:s14], [sflag:$0x1] =	stream.indirect.gather [hbm4b:s4+s17], $0x80, s3, s17, $0xb8;
	[tilespmem:$0x1D080] =	vst v63  }
0x4e: {  	_ =	swait.ge [sflag:s18], $0x4000  }
0x4f: {  	[sflag:s18] =	ssyncset.done $0x0  }
0x50: {  	[sflag:s18] =	ssyncadd.s32 $0xFFFFC000  }
0x51: {  	[tilespmem:s19], [sflag:$0x2] =	stream.indirect.gather [hbm4b:s4+s17], $0x80, s17, s17, $0xb8;
	[tilespmem:$0x1D080] =	vst v63  }
0x52: {  	_ = 	snop  }
0x53: {  	[spmem:s1] =	stream.indirect.scatter.add.f32 [tilespmem:s14], [sflag:$0x3], $0x80, s16, s17, $0xb8;
	[tilespmem:$0x1D080] =	vst v63  }
0x54: {  	_ =	swait.ge [sflag:s15], $0x4000  }
0x55: {  	[sflag:s15] =	ssyncset.done $0x0  }
0x56: {  	[sflag:s15] =	ssyncadd.s32 $0xFFFFC000  }
0x57: {  	_ =	swait.ge [sflag:s20], $0x4000  }
0x58: {  	[sflag:s20] =	ssyncset.done $0x0  }
0x59: {  	s22 =	simm.s32 $0x100;
	[sflag:s20] =	ssyncadd.s32 $0xFFFFC000  }
0x5a: {  	[tilespmem:s14], [sflag:$0x1] =	stream.indirect.gather [hbm4b:s4+s17], $0x80, s22, s17, $0xb8;
	[tilespmem:$0x1D080] =	vst v63  }
0x5b: {  	s22 =	simm.s32 $0x880  }
0x5c: {  	[spmem:s1] =	stream.indirect.scatter.add.f32 [tilespmem:s19], [sflag:$0x3], $0x80, s22, s17, $0xb8;
	[tilespmem:$0x1D080] =	vst v63  }
0x5d: {  	_ =	swait.ge [sflag:s15], $0x4000  }
0x5e: {  	[sflag:s15] =	ssyncset.done $0x0  }
0x5f: {  	[sflag:s15] =	ssyncadd.s32 $0xFFFFC000  }
0x60: {  	_ =	swait.ge [sflag:s18], $0x4000  }
0x61: {  	[sflag:s18] =	ssyncset.done $0x0  }
0x62: {  	s22 =	simm.s32 $0x180;
	[sflag:s18] =	ssyncadd.s32 $0xFFFFC000  }
0x63: {  	[tilespmem:s19], [sflag:$0x2] =	stream.indirect.gather [hbm4b:s4+s17], $0x80, s22, s17, $0xb8;
	[tilespmem:$0x1D080] =	vst v63  }
0x64: {  	s22 =	simm.s32 $0x900  }
0x65: {  	[spmem:s1] =	stream.indirect.scatter.add.f32 [tilespmem:s14], [sflag:$0x3], $0x80, s22, s17, $0xb8;
	[tilespmem:$0x1D080] =	vst v63  }
0x66: {  	_ =	swait.ge [sflag:s15], $0x4000  }
0x67: {  	[sflag:s15] =	ssyncset.done $0x0  }
0x68: {  	[sflag:s15] =	ssyncadd.s32 $0xFFFFC000  }
0x69: {  	_ =	swait.ge [sflag:s20], $0x4000  }
0x6a: {  	[sflag:s20] =	ssyncset.done $0x0  }
0x6b: {  	s22 =	simm.s32 $0x200;
	[sflag:s20] =	ssyncadd.s32 $0xFFFFC000  }
0x6c: {  	[tilespmem:s14], [sflag:$0x1] =	stream.indirect.gather [hbm4b:s4+s17], $0x80, s22, s17, $0xb8;
	[tilespmem:$0x1D080] =	vst v63  }
0x6d: {  	s22 =	simm.s32 $0x980  }
0x6e: {  	[spmem:s1] =	stream.indirect.scatter.add.f32 [tilespmem:s19], [sflag:$0x3], $0x80, s22, s17, $0xb8;
	[tilespmem:$0x1D080] =	vst v63  }
0x6f: {  	_ =	swait.ge [sflag:s15], $0x4000  }
0x70: {  	[sflag:s15] =	ssyncset.done $0x0  }
0x71: {  	[sflag:s15] =	ssyncadd.s32 $0xFFFFC000  }
0x72: {  	_ =	swait.ge [sflag:s18], $0x4000  }
0x73: {  	[sflag:s18] =	ssyncset.done $0x0  }
0x74: {  	s22 =	simm.s32 $0x280;
	[sflag:s18] =	ssyncadd.s32 $0xFFFFC000  }
0x75: {  	[tilespmem:s19], [sflag:$0x2] =	stream.indirect.gather [hbm4b:s4+s17], $0x80, s22, s17, $0xb8;
	[tilespmem:$0x1D080] =	vst v63  }
0x76: {  	s22 =	simm.s32 $0xA00  }
0x77: {  	[spmem:s1] =	stream.indirect.scatter.add.f32 [tilespmem:s14], [sflag:$0x3], $0x80, s22, s17, $0xb8;
	[tilespmem:$0x1D080] =	vst v63  }
0x78: {  	_ =	swait.ge [sflag:s15], $0x4000  }
0x79: {  	[sflag:s15] =	ssyncset.done $0x0  }
0x7a: {  	[sflag:s15] =	ssyncadd.s32 $0xFFFFC000  }
0x7b: {  	_ =	swait.ge [sflag:s20], $0x4000  }
0x7c: {  	[sflag:s20] =	ssyncset.done $0x0  }
0x7d: {  	s22 =	simm.s32 $0x300;
	[sflag:s20] =	ssyncadd.s32 $0xFFFFC000  }
0x7e: {  	[tilespmem:s14], [sflag:$0x1] =	stream.indirect.gather [hbm4b:s4+s17], $0x80, s22, s17, $0xb8;
	[tilespmem:$0x1D080] =	vst v63  }
0x7f: {  	s22 =	simm.s32 $0xA80  }
0x80: {  	[spmem:s1] =	stream.indirect.scatter.add.f32 [tilespmem:s19], [sflag:$0x3], $0x80, s22, s17, $0xb8;
	[tilespmem:$0x1D080] =	vst v63  }
0x81: {  	_ =	swait.ge [sflag:s15], $0x4000  }
0x82: {  	[sflag:s15] =	ssyncset.done $0x0  }
0x83: {  	[sflag:s15] =	ssyncadd.s32 $0xFFFFC000  }
0x84: {  	_ =	swait.ge [sflag:s18], $0x4000  }
0x85: {  	[sflag:s18] =	ssyncset.done $0x0  }
0x86: {  	s22 =	simm.s32 $0x380;
	[sflag:s18] =	ssyncadd.s32 $0xFFFFC000  }
0x87: {  	[tilespmem:s19], [sflag:$0x2] =	stream.indirect.gather [hbm4b:s4+s17], $0x80, s22, s17, $0xb8;
	[tilespmem:$0x1D080] =	vst v63  }
0x88: {  	s22 =	simm.s32 $0xB00  }
0x89: {  	[spmem:s1] =	stream.indirect.scatter.add.f32 [tilespmem:s14], [sflag:$0x3], $0x80, s22, s17, $0xb8;
	[tilespmem:$0x1D080] =	vst v63  }
0x8a: {  	_ =	swait.ge [sflag:s15], $0x4000  }
0x8b: {  	[sflag:s15] =	ssyncset.done $0x0  }
0x8c: {  	[sflag:s15] =	ssyncadd.s32 $0xFFFFC000  }
0x8d: {  	_ =	swait.ge [sflag:s20], $0x4000  }
0x8e: {  	[sflag:s20] =	ssyncset.done $0x0  }
0x8f: {  	[sflag:s20] =	ssyncadd.s32 $0xFFFFC000  }
0x90: {  	[tilespmem:s14], [sflag:$0x1] =	stream.indirect.gather [hbm4b:s4+s17], $0x80, s23, s17, $0xb8;
	[tilespmem:$0x1D080] =	vst v63  }
0x91: {  	_ = 	snop  }
0x92: {  	[spmem:s1] =	stream.indirect.scatter.add.f32 [tilespmem:s19], [sflag:$0x3], $0x80, s26, s17, $0xb8;
	[tilespmem:$0x1D080] =	vst v63  }
0x93: {  	_ =	swait.ge [sflag:s15], $0x4000  }
0x94: {  	[sflag:s15] =	ssyncset.done $0x0  }
0x95: {  	[sflag:s15] =	ssyncadd.s32 $0xFFFFC000  }
0x96: {  	_ =	swait.ge [sflag:s18], $0x4000  }
0x97: {  	[sflag:s18] =	ssyncset.done $0x0  }
0x98: {  	[sflag:s18] =	ssyncadd.s32 $0xFFFFC000  }
0x99: {  	[tilespmem:s19], [sflag:$0x2] =	stream.indirect.gather [hbm4b:s4+s17], $0x80, s28, s17, $0xb8;
	[tilespmem:$0x1D080] =	vst v63  }
0x9a: {  	_ = 	snop  }
0x9b: {  	[spmem:s1] =	stream.indirect.scatter.add.f32 [tilespmem:s14], [sflag:$0x3], $0x80, s29, s17, $0xb8;
	[tilespmem:$0x1D080] =	vst v63  }
0x9c: {  	_ =	swait.ge [sflag:s15], $0x4000  }
0x9d: {  	[sflag:s15] =	ssyncset.done $0x0  }
0x9e: {  	[sflag:s15] =	ssyncadd.s32 $0xFFFFC000  }
0x9f: {  	_ =	swait.ge [sflag:s20], $0x4000  }
0xa0: {  	[sflag:s20] =	ssyncset.done $0x0  }
0xa1: {  	[sflag:s20] =	ssyncadd.s32 $0xFFFFC000  }
0xa2: {  	[tilespmem:s14], [sflag:$0x1] =	stream.indirect.gather [hbm4b:s4+s17], $0x80, s30, s17, $0xb8;
	[tilespmem:$0x1D080] =	vst v63  }
0xa3: {  	_ = 	snop  }
0xa4: {  	[spmem:s1] =	stream.indirect.scatter.add.f32 [tilespmem:s19], [sflag:$0x3], $0x80, s31, s17, $0xb8;
	[tilespmem:$0x1D080] =	vst v63  }
0xa5: {  	_ =	swait.ge [sflag:s15], $0x4000  }
0xa6: {  	[sflag:s15] =	ssyncset.done $0x0  }
0xa7: {  	[sflag:s15] =	ssyncadd.s32 $0xFFFFC000  }
0xa8: {  	_ =	swait.ge [sflag:s18], $0x4000  }
0xa9: {  	[sflag:s18] =	ssyncset.done $0x0  }
0xaa: {  	[sflag:s18] =	ssyncadd.s32 $0xFFFFC000  }
0xab: {  	[tilespmem:s19], [sflag:$0x2] =	stream.indirect.gather [hbm4b:s4+s17], $0x80, s8, s17, $0xb8;
	[tilespmem:$0x1D080] =	vst v63  }
0xac: {  	_ = 	snop  }
0xad: {  	[spmem:s1] =	stream.indirect.scatter.add.f32 [tilespmem:s14], [sflag:$0x3], $0x80, s9, s17, $0xb8;
	[tilespmem:$0x1D080] =	vst v63  }
0xae: {  	_ =	swait.ge [sflag:s15], $0x4000  }
0xaf: {  	[sflag:s15] =	ssyncset.done $0x0  }
0xb0: {  	[sflag:s15] =	ssyncadd.s32 $0xFFFFC000  }
0xb1: {  	_ =	swait.ge [sflag:s20], $0x4000  }
0xb2: {  	[sflag:s20] =	ssyncset.done $0x0  }
0xb3: {  	[sflag:s20] =	ssyncadd.s32 $0xFFFFC000  }
0xb4: {  	[tilespmem:s14], [sflag:$0x1] =	stream.indirect.gather [hbm4b:s4+s17], $0x80, s10, s17, $0xb8;
	[tilespmem:$0x1D080] =	vst v63  }
0xb5: {  	_ = 	snop  }
0xb6: {  	[spmem:s1] =	stream.indirect.scatter.add.f32 [tilespmem:s19], [sflag:$0x3], $0x80, s11, s17, $0xb8;
	[tilespmem:$0x1D080] =	vst v63  }
0xb7: {  	_ =	swait.ge [sflag:s15], $0x4000  }
0xb8: {  	[sflag:s15] =	ssyncset.done $0x0  }
0xb9: {  	[sflag:s15] =	ssyncadd.s32 $0xFFFFC000  }
0xba: {  	_ =	swait.ge [sflag:s18], $0x4000  }
0xbb: {  	[sflag:s18] =	ssyncset.done $0x0  }
0xbc: {  	[sflag:s18] =	ssyncadd.s32 $0xFFFFC000  }
0xbd: {  	[tilespmem:s19], [sflag:$0x2] =	stream.indirect.gather [hbm4b:s4+s17], $0x80, s6, s17, $0xb8;
	[tilespmem:$0x1D080] =	vst v63  }
0xbe: {  	_ = 	snop  }
0xbf: {  	[spmem:s1] =	stream.indirect.scatter.add.f32 [tilespmem:s14], [sflag:$0x3], $0x80, s12, s17, $0xb8;
	[tilespmem:$0x1D080] =	vst v63  }
0xc0: {  	_ =	swait.ge [sflag:s15], $0x4000  }
0xc1: {  	[sflag:s15] =	ssyncset.done $0x0  }
0xc2: {  	[sflag:s15] =	ssyncadd.s32 $0xFFFFC000  }
0xc3: {  	_ =	swait.ge [sflag:s20], $0x4000  }
0xc4: {  	[sflag:s20] =	ssyncset.done $0x0  }
0xc5: {  	[sflag:s20] =	ssyncadd.s32 $0xFFFFC000  }
0xc6: {  	[tilespmem:s14], [sflag:$0x1] =	stream.indirect.gather [hbm4b:s4+s17], $0x80, s13, s17, $0xb8;
	[tilespmem:$0x1D080] =	vst v63  }
0xc7: {  	_ = 	snop  }
0xc8: {  	[spmem:s1] =	stream.indirect.scatter.add.f32 [tilespmem:s19], [sflag:$0x3], $0x80, s24, s17, $0xb8;
	[tilespmem:$0x1D080] =	vst v63  }
0xc9: {  	_ =	swait.ge [sflag:s15], $0x4000  }
0xca: {  	[sflag:s15] =	ssyncset.done $0x0  }
0xcb: {  	[sflag:s15] =	ssyncadd.s32 $0xFFFFC000  }
0xcc: {  	_ =	swait.ge [sflag:s18], $0x4000  }
0xcd: {  	[sflag:s18] =	ssyncset.done $0x0  }
0xce: {  	[sflag:s18] =	ssyncadd.s32 $0xFFFFC000  }
0xcf: {  	[tilespmem:s19], [sflag:$0x2] =	stream.indirect.gather [hbm4b:s4+s17], $0x80, s25, s17, $0xb8;
	[tilespmem:$0x1D080] =	vst v63  }
0xd0: {  	_ = 	snop  }
0xd1: {  	[spmem:s1] =	stream.indirect.scatter.add.f32 [tilespmem:s14], [sflag:$0x3], $0x80, s5, s17, $0xb8;
	[tilespmem:$0x1D080] =	vst v63  }
0xd2: {  	_ =	swait.ge [sflag:s15], $0x4000  }
0xd3: {  	[sflag:s15] =	ssyncset.done $0x0  }
0xd4: {  	[sflag:s15] =	ssyncadd.s32 $0xFFFFC000  }
0xd5: {  	p2 =	slt.u32 @!p0 s7, $0x8;
	_ =	swait.ge [sflag:s20], $0x4000  }
0xd6: {  	p2 =	por p0, !p2;
	[sflag:s20] =	ssyncset.done $0x0  }
.Ltmp1:
0xd7: {  	[sflag:s20] =	ssyncadd.s32 $0xFFFFC000;
	(pc) =	sbr.rel @!p2 .LBB2_4-.Ltmp1, $4  }
0xd8: {  	[spmem:s1] =	stream.indirect.scatter.add.f32 [tilespmem:s19], [sflag:$0x3], $0x80, s21, s17, $0xb8;
	[tilespmem:$0x1D080] =	vst v63  }
0xd9: {  	_ =	swait.ge [sflag:s15], $0x4000  }
0xda: {  	s7 =	sadd.s32 $0x1, s7;
	[sflag:s15] =	ssyncset.done $0x0  }
0xdb: {  	s0 =	sadd.s32 $0x100, s0;
	s2 =	sadd.s32 $0x100, s2;
	[sflag:s15] =	ssyncadd.s32 $0xFFFFC000  }
0xdc: {  	[bflag:$0x0] =	sbarrier.arrive $0xFFFF  }
0xdd: {  	s0 =	rddreg [dreg:$0x5]  }
0xde: {  	s2 =	simm.s32 @p1 $0x1FC3;
	s7 =	rddreg [dreg:$0xd];
	s0 =	sadd.s32 @p1 $0x25800, s0  }
0xdf: {  	[hbm:s0], [sflag:s2] =	dma.local @p1 [spmem:s7], $0x1900  }
0xe0: {  	s0 =	simm.s32 @p1 $0x3  }
0xe1: {  	s2 =	stileid.u32;
	_ =	swait.ge @p1 [sflag:s0], $0x1900  }
0xe2: {  	s2 =	sshll.u32 @!p1 s2, $0x6;
	[sflag:s0] =	ssyncset.done @p1 $0x0  }
0xe3: {  	[sflag:s0] =	ssyncadd.s32 @p1 $0xFFFFE700;
	s0 =	sor.u32 @!p1 $0x1C03, s2;
	s2 =	rddreg [dreg:$0x4]  }
0xe4: {  	s7 =	rddreg [dreg:$0xe];
	s2 =	sshrl.u32 @!p1 s2, $0x3  }
0xe5: {  	[hbm:s7], [sflag:s0] =	dma.local @!p1 [spmem:s2], $0x2800  }
0xe6: {  	s0 =	simm.s32 @!p1 $0x3  }
0xe7: {  	_ =	swait.ge @!p1 [sflag:s0], $0x2800  }
0xe8: {  	s5 =	rddreg [dreg:$0xf]  }
0xe9: {  	s22 =	rddreg [dreg:$0x6];
	s5 =	sadd.s32 $0x1, s5  }
0xea: {  	p2 =	sne.s32 s5, s22  }
.Ltmp2:
0xeb: {  	_ = 	snop;
	(pc) =	sbr.rel @p2 .LBB2_1-.Ltmp2, $3  }
0xec: {  	_ =	sdelay $0x1  }
0xed: {  	[sflag:s0] =	ssyncset.done @!p1 $0x0  }
0xee: {  	[sflag:s0] =	ssyncadd.s32 @!p1 $0xFFFFD800  }
0xef: {  	_ =	sfence.sel $0x180000  }
0xf0: {  	[bflag:$0x0] =	sbarrier.arrive $0xFFFF  }
0xf1: {  	_ =	strace $0x9000004A  }
0xf2: {  	s0 =	stileid.u32;
	[bflag:$0x2] =	sbarrier.arrive $0xFFFF  }
0xf3: {  	p0 =	sne.s32 s0, $0x0;
	s0 =	rddreg [dreg:$0x3]  }
0xf4: {  	s0 =	sadd.s32 @!p0 $0x100000, s0  }
0xf5: {  	[sflag:s0] =	ssyncadd.tile.s32 @!p0 $0x1;
	_ =	shalt  }
.Lfunc_end2:
_tile_overlayer_lowered:
.L_overlay_start_2:
0xf6: {  	(tag) =	ssettag $0x2  }
0xf7: {  	s0 =	rddreg [dreg:$0x0];
	s2 =	stileid.u32  }
0xf8: {  	s1 =	rddreg [dreg:$0x1];
	p0 =	sne.s32 s2, $0x0  }
0xf9: {  	s3 =	rddreg [dreg:$0x2];
	[bflag:$0x3] =	sbarrier.arrive $0xFFFF;
	s2 =	simm.s32 @!p0 $0x1C03  }
0xfa: {  	[timem:s3], [sflag:s2] =	dma.local @!p0 [hbm:s0], s1  }
0xfb: {  	s0 =	simm.s32 @!p0 $0x3  }
0xfc: {  	_ =	swait.ge @!p0 [sflag:s0], s1  }
0xfd: {  	s1 =	ssub.s32 @!p0 $0x0, s1;
	[sflag:s0] =	ssyncset.done @!p0 $0x0  }
0xfe: {  	[sflag:s0] =	ssyncadd.s32 @!p0 s1  }
0xff: {  	[bflag:$0x3] =	sbarrier.arrive $0xFFFF  }
0x100: {  	_ =	shalt  }

// kernel: kernel.14.cloned.1.call-start
scs
__scs_entry_jumppad:
0x0: {  	(pc) =	sbr.rel $0x88, $3  }
0x1: {  	(tag) =	ssettag $0x0;
	lr =	simm.s32 $0x1  }
0x2: {  	[smem:$0x3F9C] =	sst lr;
	_ =	strace $0xD0000000  }
0x3: {  	_ = 	snop  }
0x4: {  	_ = 	snop  }
0x5: {  	_ = 	snop  }
0x6: {  	_ = 	snop  }
0x7: {  	_ = 	snop  }
__scs_overlays_trampoline_lowered:
0x8: {  	[smem:$0x3FAB] =	sst s0  }
0x9: {  	[smem:$0x3FAC] =	sst s1  }
0xa: {  	[smem:$0x3FAD] =	sst s2  }
0xb: {  	[smem:$0x3FAE] =	sst s3  }
0xc: {  	[smem:$0x3FAF] =	sst s4  }
0xd: {  	[smem:$0x3FB0] =	sst s5  }
0xe: {  	[smem:$0x3FB1] =	sst s6  }
0xf: {  	[smem:$0x3FB2] =	sst s7  }
0x10: {  	[smem:$0x3FB3] =	sst s8  }
0x11: {  	[smem:$0x3FB4] =	sst s9;
	s0 =	simm.s32 @!p0 $0x0  }
0x12: {  	s1 =	sld [smem:$0x3F9A];
	s0 =	simm.s32 @p0 $0x1  }
0x13: {  	[smem:$0x3FB5] =	sst s0;
	s0 =	simm.s32 @!p1 $0x0  }
0x14: {  	s2 =	sld [smem:$0x3F99];
	s0 =	simm.s32 @p1 $0x1  }
0x15: {  	[smem:$0x3FB6] =	sst s0;
	s0 =	simm.s32 @!p2 $0x0  }
0x16: {  	s3 =	sld [smem:$0x3FDB];
	s0 =	simm.s32 @p2 $0x1  }
0x17: {  	s4 =	simm.s32 $0x1BF5;
	[smem:$0x3FB8] =	sst s0  }
0x18: {  	s0 =	sld [smem:$0x3F9B];
	_ =	swait.ge [sflag:s4], $0x0  }
0x19: {  	s7 =	sld [smem:$0x3F9C]  }
0x1a: {  	s8 =	sadd.s32 $0xFFFFE003, lr  }
0x1b: {  	s9 =	sadd.s32 $0xFFFFFEF7, lr;
	s5 =	simm.s32 $0xFFFFFFFF;
	p2 =	slt.u32 s8, $0xFFFFF086  }
0x1c: {  	p1 =	slt.u32 s9, $0xF7A;
	s5 =	simm.s32 @!p2 $0x0  }
0x1d: {  	s5 =	simm.s32 @p1 $0x1;
	p0 =	seq.s32 s7, s2  }
0x1e: {  	s7 =	smul.u32 @!p0 $0xF7A, s2;
	p2 =	seq.s32 @!p0 s5, $0x0  }
0x1f: {  	s9 =	smul.u32 $0xF7A, s1;
	s8 =	simm.s32 @!p0 $0x1BF5;
	p2 =	por !p2, p0  }
0x20: {  	[sflag:s8] =	ssyncset.s32 @!p0 $0xFFFFF086;
	s6 =	sadd.s32 @!p0 s3, s7;
	s7 =	simm.s32 @!p0 $0x108  }
0x21: {  	s3 =	sadd.s32 s3, s9;
	s6 =	sadd.s32 @!p0 $0x88, s6;
	s7 =	simm.s32 @p2 $0x1082  }
0x22: {  	[simem:s7], [sflag:s8] =	dma.local @!p0 [hbm:s6], $0xF7A  }
0x23: {  	s9 =	sor.u32 $0xD0000000, s2;
	s6 =	simm.s32 $0x108;
	_ =	swait.ge @!p0 [sflag:s8], $0x0  }
0x24: {  	s3 =	sadd.s32 $0x88, s3;
	s6 =	simm.s32 @!p1 $0x1082;
	[sflag:s4] =	ssyncset.s32 $0xFFFFF086  }
0x25: {  	[simem:s6], [sflag:s4] =	dma.local [hbm:s3], $0xF7A  }
0x26: {  	[smem:$0x3F9C] =	sst s1;
	(tag) =	ssettag s2;
	_ =	strace s9  }
0x27: {  	s1 =	sld [smem:$0x3FAC]  }
0x28: {  	s2 =	sld [smem:$0x3FAD]  }
0x29: {  	s4 =	sld [smem:$0x3FAF]  }
0x2a: {  	p0 =	seq.s32 s5, $0x0;
	s5 =	sld [smem:$0x3FB0]  }
0x2b: {  	s6 =	sld [smem:$0x3FB1]  }
0x2c: {  	s7 =	sld [smem:$0x3FB2]  }
0x2d: {  	s3 =	simm.s32 $0x108;
	s8 =	sld [smem:$0x3FB3]  }
0x2e: {  	s3 =	simm.s32 @!p0 $0x1082;
	s9 =	sld [smem:$0x3FB4]  }
0x2f: {  	lr =	sadd.s32 s0, s3;
	s0 =	sld [smem:$0x3FAB]  }
0x30: {  	s3 =	sld [smem:$0x3FAE]  }
0x31: {  	[smem:$0x3FB7] =	sst s10  }
0x32: {  	s10 =	sld [smem:$0x3FB5];
	_ =	sdelay $0x3  }
0x33: {  	p0 =	seq.s32 s10, $0x1;
	s10 =	sld [smem:$0x3FB7];
	_ =	sdelay $0x3  }
0x34: {  	[smem:$0x3FB7] =	sst s10  }
0x35: {  	s10 =	sld [smem:$0x3FB6];
	_ =	sdelay $0x3  }
0x36: {  	p1 =	seq.s32 s10, $0x1;
	s10 =	sld [smem:$0x3FB7];
	_ =	sdelay $0x3  }
0x37: {  	[smem:$0x3FB7] =	sst s10  }
0x38: {  	s10 =	sld [smem:$0x3FB8]  }
0x39: {  	_ = 	snop;
	(pc) =	sbr.ind lr, $3  }
0x3a: {  	_ = 	snop  }
0x3b: {  	_ = 	snop  }
0x3c: {  	p2 =	seq.s32 s10, $0x1;
	s10 =	sld [smem:$0x3FB7]  }
0x3d: {  	_ =	shalt  }
0x3e: {  	_ =	shalt  }
0x3f: {  	_ =	shalt  }
0x40: {  	_ =	shalt  }
0x41: {  	_ =	shalt  }
0x42: {  	_ =	shalt  }
0x43: {  	_ =	shalt  }
0x44: {  	_ =	shalt  }
0x45: {  	_ =	shalt  }
0x46: {  	_ =	shalt  }
0x47: {  	_ =	shalt  }
0x48: {  	_ =	shalt  }
0x49: {  	_ =	shalt  }
0x4a: {  	_ =	shalt  }
0x4b: {  	_ =	shalt  }
0x4c: {  	_ =	shalt  }
0x4d: {  	_ =	shalt  }
0x4e: {  	_ =	shalt  }
0x4f: {  	_ =	shalt  }
0x50: {  	_ =	shalt  }
0x51: {  	_ =	shalt  }
0x52: {  	_ =	shalt  }
0x53: {  	_ =	shalt  }
0x54: {  	_ =	shalt  }
0x55: {  	_ =	shalt  }
0x56: {  	_ =	shalt  }
0x57: {  	_ =	shalt  }
0x58: {  	_ =	shalt  }
0x59: {  	_ =	shalt  }
0x5a: {  	_ =	shalt  }
0x5b: {  	_ =	shalt  }
0x5c: {  	_ =	shalt  }
0x5d: {  	_ =	shalt  }
0x5e: {  	_ =	shalt  }
0x5f: {  	_ =	shalt  }
0x60: {  	_ =	shalt  }
0x61: {  	_ =	shalt  }
0x62: {  	_ =	shalt  }
0x63: {  	_ =	shalt  }
0x64: {  	_ =	shalt  }
0x65: {  	_ =	shalt  }
0x66: {  	_ =	shalt  }
0x67: {  	_ =	shalt  }
0x68: {  	_ =	shalt  }
0x69: {  	_ =	shalt  }
0x6a: {  	_ =	shalt  }
0x6b: {  	_ =	shalt  }
0x6c: {  	_ =	shalt  }
0x6d: {  	_ =	shalt  }
0x6e: {  	_ =	shalt  }
0x6f: {  	_ =	shalt  }
0x70: {  	_ =	shalt  }
0x71: {  	_ =	shalt  }
0x72: {  	_ =	shalt  }
0x73: {  	_ =	shalt  }
0x74: {  	_ =	shalt  }
0x75: {  	_ =	shalt  }
0x76: {  	_ =	shalt  }
0x77: {  	_ =	shalt  }
0x78: {  	_ =	shalt  }
0x79: {  	_ =	shalt  }
0x7a: {  	_ =	shalt  }
0x7b: {  	_ =	shalt  }
0x7c: {  	_ =	shalt  }
0x7d: {  	_ =	shalt  }
0x7e: {  	_ =	shalt  }
0x7f: {  	_ =	shalt  }
0x80: {  	_ =	shalt  }
0x81: {  	_ =	shalt  }
0x82: {  	_ =	shalt  }
0x83: {  	_ =	shalt  }
0x84: {  	_ =	shalt  }
0x85: {  	_ =	shalt  }
0x86: {  	_ =	shalt  }
0x87: {  	_ =	shalt  }
.Lfunc_end0:
.L_simem_size_0:
called_computation.2_lowered:
.L_overlay_start_0:
0x88: {  	s2 =	sld [smem:$0x3FD9]  }
0x89: {  	s3 =	sld [smem:$0x3FFE];
	_ =	sdelay $0x1  }
0x8a: {  	s1 =	srdreg.scid  }
0x8b: {  	s0 =	sand.u32 $0x1, s1  }
0x8c: {  	s17 =	sshll.u32 s0, $0xA;
	s2 =	sadd.s32 s3, s2  }
0x8d: {  	s2 =	sadd.s32 s2, s17  }
0x8e: {  	[smem:$0x3FC3] =	sst s2  }
0x8f: {  	_ = 	snop  }
0x90: {  	s2 =	sld [smem:$0x3FC9]  }
0x91: {  	s18 =	sld [smem:$0x3FC7]  }
0x92: {  	s4 =	sld [smem:$0x3FD0];
	(tm) =	ssettm $0x1  }
0x93: {  	s5 =	sld [smem:$0x3FFB];
	_ =	sdelay $0x3  }
0x94: {  	_ =	strace s5  }
0x95: {  	s5 =	sld [smem:$0x3FFC];
	_ =	sdelay $0x3  }
0x96: {  	_ =	strace s5  }
0x97: {  	s5 =	sld [smem:$0x3FFD];
	_ =	sdelay $0x3  }
0x98: {  	_ =	strace s5  }
0x99: {  	_ =	strace $0x8FFFFFFF  }
0x9a: {  	s19 =	sld [smem:$0x3FDB];
	_ =	sdelay $0x1  }
0x9b: {  	s6 =	simm.s32 $_scs_section_size  }
0x9c: {  	s7 =	simm.s32 $_size__tile_overlayer_lowered;
	s8 =	simm.s32 $_tile_overlayer_lowered  }
0x9d: {  	s22 =	simm.s32 $0x1BFF;
	s21 =	sshll.u32 s8, $0x1;
	s5 =	sadd.s32 s6, s19  }
0x9e: {  	s9 =	simm.s32 $0x0;
	s20 =	sshll.u32 s7, $0x1;
	s7 =	sadd.s32 s21, s5  }
0x9f: {  	[timem:s9], [sflag:s22] =	dma.local [hbm:s7], s20  }
0xa0: {  	_ =	swait.ge [sflag:s22], s20  }
0xa1: {  	s6 =	ssub.s32 $0x0, s20;
	[sflag:s22] =	ssyncset.done $0x0  }
0xa2: {  	[sflag:s22] =	ssyncadd.s32 s6;
	_ =	sdelay $0x1  }
0xa3: {  	s23 =	simm.s32 $0x1B8B  }
0xa4: {  	_ =	swait.ge [sflag:s23], $0x1  }
0xa5: {  	[sflag:s23] =	ssyncset.done $0x0  }
0xa6: {  	s25 =	simm.s32 $0x1B8E;
	s24 =	sld [smem:$0x3FFE];
	[sflag:s23] =	ssyncadd.s32 $0xFFFFFFFF  }
0xa7: {  	s26 =	simm.s32 $execute0_lowered;
	[smem:$0x3FD2] =	sst s25  }
0xa8: {  	s7 =	sshll.u32 s26, $0x1;
	_ =	strace $0x8000004C;
	[dreg:$0x1] =	wrdreg $0xFFFFFFFF  }
0xa9: {  	s28 =	simm.s32 $_size_execute0_lowered;
	s5 =	sadd.s32 s5, s7;
	[dreg:$0x0] =	wrdreg $0x0  }
0xaa: {  	s7 =	sshll.u32 s28, $0x1;
	[dreg:$0x2] =	wrdreg s5  }
0xab: {  	[dreg:$0x3] =	wrdreg s7  }
0xac: {  	[dreg:$0x4] =	wrdreg $0xC0  }
0xad: {  	_ =	task [dreg:s9], $0x5FFFF  }
0xae: {  	[dreg:$0x1] =	wrdreg $0xFFFFFFFF  }
0xaf: {  	[dreg:$0x0] =	wrdreg $0x60  }
0xb0: {  	[dreg:$0x2] =	wrdreg s24  }
0xb1: {  	[dreg:$0x3] =	wrdreg s18  }
0xb2: {  	[dreg:$0x4] =	wrdreg s2  }
0xb3: {  	[dreg:$0x5] =	wrdreg s4  }
0xb4: {  	[dreg:$0x6] =	wrdreg $0x9  }
0xb5: {  	_ =	task.clear_ibuf [dreg:s9], $0x7FFFF;
	_ =	strace $0x9000004C  }
0xb6: {  	s29 =	simm.s32 $0x9;
	_ =	strace $0x8000004E  }
0xb7: {  	_ =	swait.ge [sflag:s29], $0x1  }
0xb8: {  	[sflag:s29] =	ssyncadd.s32 $0xFFFFFFFF  }
0xb9: {  	_ =	strace $0x9000004E  }
0xba: {  	_ =	sfence  }
0xbb: {  	s30 =	sld [smem:$0x0];
	_ =	sdelay $0x2  }
0xbc: {  	s31 =	sshll.u32 s1, $0xD;
	s1 =	sshrl.u32 s1, $0x2  }
0xbd: {  	s3 =	sand.u32 $0x4000, s31;
	s1 =	sadd.s32 s1, s30  }
0xbe: {  	s0 =	sor.u32 s3, s0;
	s1 =	sshll.u32 s1, $0x11  }
0xbf: {  	s0 =	sor.u32 s1, s0  }
0xc0: {  	s0 =	sadd.s32 $0x8F2B, s0  }
0xc1: {  	[sflag:s0] =	ssyncadd.remote.s32 $0x1  }
0xc2: {  	_ =	sfence.sel $0xFFFF  }
0xc3: {  	[dreg:$0x0] =	wrdreg $0xFFFFFFFF;
	(pc) =	sbr.abs _section_cstart, $3  }
0xc4: {  	[dreg:$0x1] =	wrdreg $0xFFFFFFFF  }
0xc5: {  	_ =	task.clear_ibuf [dreg:s9], $0x2FFFF;
	_ =	strace $0x9FFFFFFF  }
0xc6: {  	(tm) =	ssettm $0x7FFFFFFF  }
0xc7: {  	_ =	shalt  }
tec
execute0_lowered:
.L_overlay_start_1:
0x0: {  	(tag) =	ssettag $0x1  }
0x1: {  	s11 =	rddreg [dreg:$0x0]  }
0x2: {  	s2 =	rddreg [dreg:$0x1]  }
0x3: {  	s4 =	rddreg [dreg:$0x2]  }
0x4: {  	s1 =	srdreg.scid;
	s0 =	stileid.u32  }
0x5: {  	s9 =	rddreg [dreg:$0x3];
	s10 =	sand.u32 $0x1, s1;
	s5 =	sshll.u32 s0, $0x1  }
0x6: {  	s3 =	simm.s32 $0x0;
	s1 =	rddreg [dreg:$0x4];
	s12 =	sor.u32 s10, s5  }
0x7: {  	[smem:$0x7FF] =	sst s3;
	s5 =	sshll.u32 s12, $0x4  }
0x8: {  	_ =	strace $0x8000004D;
	s5 =	sadd.s32 s4, s5;
	s4 =	simm.s32 $0x2  }
0x9: {  	[tilespmem:s3], [sflag:$0x2] =	stream.linear.gather [hbm4b:s5+s3], $0x80, $0x38;
	[tilespmem:$0x8080] =	vst v63  }
0xa: {  	_ =	swait.ge [sflag:s4], $0x80  }
0xb: {  	s7 =	simm.s32 $0x80;
	[sflag:s4] =	ssyncset.done $0x0  }
0xc: {  	s8 =	simm.s32 $0x1;
	s6 =	sadd.s32 $0x2200, s11;
	[sflag:s4] =	ssyncadd.s32 $0xFFFFFF80  }
0xd: {  	[tilespmem:s7], [sflag:$0x1] =	stream.indirect.gather [hbm4b:s6+s7], $0x80, s3, s7, $0xb8;
	[tilespmem:$0x8080] =	vst v63  }
0xe: {  	_ =	swait.ge [sflag:s8], $0x4000  }
0xf: {  	s12 =	sshll.u32 s12, $0xB;
	[sflag:s8] =	ssyncset.done $0x0  }
0x10: {  	s13 =	ssub.s32 $0x2, s10;
	s9 =	sadd.s32 s9, s12;
	[sflag:s8] =	ssyncadd.s32 $0xFFFFC000  }
0x11: {  	[hbm4b:s9+s3] =	stream.linear.scatter [tilespmem:s7], [sflag:$0x2], $0x4000, $0x38;
	[tilespmem:$0x8080] =	vst v63  }
0x12: {  	s14 =	sshrl.u32 s13, $0x1;
	_ =	swait.ge [sflag:s4], $0x4000  }
0x13: {  	s10 =	simm.s32 $0x4080;
	s31 =	ssub.s32 s13, s14;
	[sflag:s4] =	ssyncset.done $0x0  }
0x14: {  	s11 =	sadd.s32 s12, s11;
	s12 =	smax.u32 s31, $0x1;
	[sflag:s4] =	ssyncadd.s32 $0xFFFFC000  }
0x15: {  	[tilespmem:s10], [sflag:$0x1] =	stream.indirect.gather [hbm4b:s2+s7], $0x80, s3, s7, $0xb8;
	[tilespmem:$0x8080] =	vst v63  }
0x16: {  	p0 =	sne.s32 s12, $0x1;
	_ =	swait.ge [sflag:s8], $0x4000  }
.Ltmp0:
0x17: {  	[sflag:s8] =	ssyncset.done $0x0;
	(pc) =	sbr.rel @!p0 .LBB2_2-.Ltmp0, $4  }
0x18: {  	s11 =	sadd.s32 $0x29400, s11;
	[sflag:s8] =	ssyncadd.s32 $0xFFFFC000  }
0x19: {  	[hbm4b:s11+s3] =	stream.linear.scatter [tilespmem:s10], [sflag:$0x2], $0x4000, $0x38;
	[tilespmem:$0x8080] =	vst v63  }
0x1a: {  	_ =	swait.ge [sflag:s4], $0x4000  }
0x1b: {  	s12 =	sadd.s32 $0xFFFFFFFF, s12;
	[sflag:s4] =	ssyncset.done $0x0  }
.LBB2_1:
0x1c: {  	p0 =	sne.s32 s12, $0x1;
	s12 =	sadd.s32 $0xFFFFFFFF, s12;
	[sflag:s4] =	ssyncadd.s32 $0xFFFFC000  }
0x1d: {  	[tilespmem:s3], [sflag:$0x2] =	stream.linear.gather [hbm4b:s5+s3], $0x80, $0x38;
	[tilespmem:$0x8080] =	vst v63  }
0x1e: {  	_ =	swait.ge [sflag:s4], $0x80  }
0x1f: {  	[sflag:s4] =	ssyncset.done $0x0  }
0x20: {  	[sflag:s4] =	ssyncadd.s32 $0xFFFFFF80  }
0x21: {  	[tilespmem:s7], [sflag:$0x1] =	stream.indirect.gather [hbm4b:s6+s7], $0x80, s3, s7, $0xb8;
	[tilespmem:$0x8080] =	vst v63  }
0x22: {  	_ =	swait.ge [sflag:s8], $0x4000  }
0x23: {  	[sflag:s8] =	ssyncset.done $0x0  }
0x24: {  	[sflag:s8] =	ssyncadd.s32 $0xFFFFC000  }
0x25: {  	[hbm4b:s9+s3] =	stream.linear.scatter [tilespmem:s7], [sflag:$0x2], $0x4000, $0x38;
	[tilespmem:$0x8080] =	vst v63  }
0x26: {  	_ =	swait.ge [sflag:s4], $0x4000  }
0x27: {  	[sflag:s4] =	ssyncset.done $0x0  }
0x28: {  	[sflag:s4] =	ssyncadd.s32 $0xFFFFC000  }
0x29: {  	[tilespmem:s10], [sflag:$0x1] =	stream.indirect.gather [hbm4b:s2+s7], $0x80, s3, s7, $0xb8;
	[tilespmem:$0x8080] =	vst v63  }
0x2a: {  	_ =	swait.ge [sflag:s8], $0x4000  }
.Ltmp1:
0x2b: {  	[sflag:s8] =	ssyncset.done $0x0;
	(pc) =	sbr.rel @p0 .LBB2_1-.Ltmp1, $4  }
0x2c: {  	[sflag:s8] =	ssyncadd.s32 $0xFFFFC000  }
0x2d: {  	[hbm4b:s11+s3] =	stream.linear.scatter [tilespmem:s10], [sflag:$0x2], $0x4000, $0x38;
	[tilespmem:$0x8080] =	vst v63  }
0x2e: {  	_ =	swait.ge [sflag:s4], $0x4000  }
0x2f: {  	[sflag:s4] =	ssyncset.done $0x0  }
.LBB2_2:
0x30: {  	[sflag:s4] =	ssyncadd.s32 $0xFFFFC000  }
0x31: {  	_ =	sfence.sel $0x180000  }
0x32: {  	[bflag:$0x0] =	sbarrier.arrive $0xFFFF  }
0x33: {  	p0 =	sne.s32 s0, $0x0;
	_ =	strace $0x9000004D  }
0x34: {  	s0 =	sadd.s32 @!p0 $0x100000, s1;
	[bflag:$0x2] =	sbarrier.arrive $0xFFFF  }
0x35: {  	[sflag:s0] =	ssyncadd.tile.s32 @!p0 $0x1;
	_ =	shalt  }
.Lfunc_end2:
_tile_overlayer_lowered:
.L_overlay_start_2:
0x36: {  	(tag) =	ssettag $0x2  }
0x37: {  	s0 =	rddreg [dreg:$0x0];
	s2 =	stileid.u32  }
0x38: {  	s1 =	rddreg [dreg:$0x1];
	p0 =	sne.s32 s2, $0x0  }
0x39: {  	s3 =	rddreg [dreg:$0x2];
	[bflag:$0x3] =	sbarrier.arrive $0xFFFF;
	s2 =	simm.s32 @!p0 $0x1C02  }
0x3a: {  	[timem:s3], [sflag:s2] =	dma.local @!p0 [hbm:s0], s1  }
0x3b: {  	s0 =	simm.s32 @!p0 $0x2  }
0x3c: {  	_ =	swait.ge @!p0 [sflag:s0], s1  }
0x3d: {  	s1 =	ssub.s32 @!p0 $0x0, s1;
	[sflag:s0] =	ssyncset.done @!p0 $0x0  }
0x3e: {  	[sflag:s0] =	ssyncadd.s32 @!p0 s1  }
0x3f: {  	[bflag:$0x3] =	sbarrier.arrive $0xFFFF  }
0x40: {  	_ =	shalt  }

// kernel: kernel.8.cloned.1.call-start
scs
__scs_entry_jumppad:
0x0: {  	(pc) =	sbr.rel $0x88, $3  }
0x1: {  	(tag) =	ssettag $0x0;
	lr =	simm.s32 $0x1  }
0x2: {  	[smem:$0x3F9C] =	sst lr;
	_ =	strace $0xD0000000  }
0x3: {  	_ = 	snop  }
0x4: {  	_ = 	snop  }
0x5: {  	_ = 	snop  }
0x6: {  	_ = 	snop  }
0x7: {  	_ = 	snop  }
__scs_overlays_trampoline_lowered:
0x8: {  	[smem:$0x3FAB] =	sst s0  }
0x9: {  	[smem:$0x3FAC] =	sst s1  }
0xa: {  	[smem:$0x3FAD] =	sst s2  }
0xb: {  	[smem:$0x3FAE] =	sst s3  }
0xc: {  	[smem:$0x3FAF] =	sst s4  }
0xd: {  	[smem:$0x3FB0] =	sst s5  }
0xe: {  	[smem:$0x3FB1] =	sst s6  }
0xf: {  	[smem:$0x3FB2] =	sst s7  }
0x10: {  	[smem:$0x3FB3] =	sst s8  }
0x11: {  	[smem:$0x3FB4] =	sst s9;
	s0 =	simm.s32 @!p0 $0x0  }
0x12: {  	s1 =	sld [smem:$0x3F9A];
	s0 =	simm.s32 @p0 $0x1  }
0x13: {  	[smem:$0x3FB5] =	sst s0;
	s0 =	simm.s32 @!p1 $0x0  }
0x14: {  	s2 =	sld [smem:$0x3F99];
	s0 =	simm.s32 @p1 $0x1  }
0x15: {  	[smem:$0x3FB6] =	sst s0;
	s0 =	simm.s32 @!p2 $0x0  }
0x16: {  	s3 =	sld [smem:$0x3FDB];
	s0 =	simm.s32 @p2 $0x1  }
0x17: {  	s4 =	simm.s32 $0x1BF5;
	[smem:$0x3FB8] =	sst s0  }
0x18: {  	s0 =	sld [smem:$0x3F9B];
	_ =	swait.ge [sflag:s4], $0x0  }
0x19: {  	s7 =	sld [smem:$0x3F9C]  }
0x1a: {  	s8 =	sadd.s32 $0xFFFFE003, lr  }
0x1b: {  	s9 =	sadd.s32 $0xFFFFFEF7, lr;
	s5 =	simm.s32 $0xFFFFFFFF;
	p2 =	slt.u32 s8, $0xFFFFF086  }
0x1c: {  	p1 =	slt.u32 s9, $0xF7A;
	s5 =	simm.s32 @!p2 $0x0  }
0x1d: {  	s5 =	simm.s32 @p1 $0x1;
	p0 =	seq.s32 s7, s2  }
0x1e: {  	s7 =	smul.u32 @!p0 $0xF7A, s2;
	p2 =	seq.s32 @!p0 s5, $0x0  }
0x1f: {  	s9 =	smul.u32 $0xF7A, s1;
	s8 =	simm.s32 @!p0 $0x1BF5;
	p2 =	por !p2, p0  }
0x20: {  	[sflag:s8] =	ssyncset.s32 @!p0 $0xFFFFF086;
	s6 =	sadd.s32 @!p0 s3, s7;
	s7 =	simm.s32 @!p0 $0x108  }
0x21: {  	s3 =	sadd.s32 s3, s9;
	s6 =	sadd.s32 @!p0 $0x88, s6;
	s7 =	simm.s32 @p2 $0x1082  }
0x22: {  	[simem:s7], [sflag:s8] =	dma.local @!p0 [hbm:s6], $0xF7A  }
0x23: {  	s9 =	sor.u32 $0xD0000000, s2;
	s6 =	simm.s32 $0x108;
	_ =	swait.ge @!p0 [sflag:s8], $0x0  }
0x24: {  	s3 =	sadd.s32 $0x88, s3;
	s6 =	simm.s32 @!p1 $0x1082;
	[sflag:s4] =	ssyncset.s32 $0xFFFFF086  }
0x25: {  	[simem:s6], [sflag:s4] =	dma.local [hbm:s3], $0xF7A  }
0x26: {  	[smem:$0x3F9C] =	sst s1;
	(tag) =	ssettag s2;
	_ =	strace s9  }
0x27: {  	s1 =	sld [smem:$0x3FAC]  }
0x28: {  	s2 =	sld [smem:$0x3FAD]  }
0x29: {  	s4 =	sld [smem:$0x3FAF]  }
0x2a: {  	p0 =	seq.s32 s5, $0x0;
	s5 =	sld [smem:$0x3FB0]  }
0x2b: {  	s6 =	sld [smem:$0x3FB1]  }
0x2c: {  	s7 =	sld [smem:$0x3FB2]  }
0x2d: {  	s3 =	simm.s32 $0x108;
	s8 =	sld [smem:$0x3FB3]  }
0x2e: {  	s3 =	simm.s32 @!p0 $0x1082;
	s9 =	sld [smem:$0x3FB4]  }
0x2f: {  	lr =	sadd.s32 s0, s3;
	s0 =	sld [smem:$0x3FAB]  }
0x30: {  	s3 =	sld [smem:$0x3FAE]  }
0x31: {  	[smem:$0x3FB7] =	sst s10  }
0x32: {  	s10 =	sld [smem:$0x3FB5];
	_ =	sdelay $0x3  }
0x33: {  	p0 =	seq.s32 s10, $0x1;
	s10 =	sld [smem:$0x3FB7];
	_ =	sdelay $0x3  }
0x34: {  	[smem:$0x3FB7] =	sst s10  }
0x35: {  	s10 =	sld [smem:$0x3FB6];
	_ =	sdelay $0x3  }
0x36: {  	p1 =	seq.s32 s10, $0x1;
	s10 =	sld [smem:$0x3FB7];
	_ =	sdelay $0x3  }
0x37: {  	[smem:$0x3FB7] =	sst s10  }
0x38: {  	s10 =	sld [smem:$0x3FB8]  }
0x39: {  	_ = 	snop;
	(pc) =	sbr.ind lr, $3  }
0x3a: {  	_ = 	snop  }
0x3b: {  	_ = 	snop  }
0x3c: {  	p2 =	seq.s32 s10, $0x1;
	s10 =	sld [smem:$0x3FB7]  }
0x3d: {  	_ =	shalt  }
0x3e: {  	_ =	shalt  }
0x3f: {  	_ =	shalt  }
0x40: {  	_ =	shalt  }
0x41: {  	_ =	shalt  }
0x42: {  	_ =	shalt  }
0x43: {  	_ =	shalt  }
0x44: {  	_ =	shalt  }
0x45: {  	_ =	shalt  }
0x46: {  	_ =	shalt  }
0x47: {  	_ =	shalt  }
0x48: {  	_ =	shalt  }
0x49: {  	_ =	shalt  }
0x4a: {  	_ =	shalt  }
0x4b: {  	_ =	shalt  }
0x4c: {  	_ =	shalt  }
0x4d: {  	_ =	shalt  }
0x4e: {  	_ =	shalt  }
0x4f: {  	_ =	shalt  }
0x50: {  	_ =	shalt  }
0x51: {  	_ =	shalt  }
0x52: {  	_ =	shalt  }
0x53: {  	_ =	shalt  }
0x54: {  	_ =	shalt  }
0x55: {  	_ =	shalt  }
0x56: {  	_ =	shalt  }
0x57: {  	_ =	shalt  }
0x58: {  	_ =	shalt  }
0x59: {  	_ =	shalt  }
0x5a: {  	_ =	shalt  }
0x5b: {  	_ =	shalt  }
0x5c: {  	_ =	shalt  }
0x5d: {  	_ =	shalt  }
0x5e: {  	_ =	shalt  }
0x5f: {  	_ =	shalt  }
0x60: {  	_ =	shalt  }
0x61: {  	_ =	shalt  }
0x62: {  	_ =	shalt  }
0x63: {  	_ =	shalt  }
0x64: {  	_ =	shalt  }
0x65: {  	_ =	shalt  }
0x66: {  	_ =	shalt  }
0x67: {  	_ =	shalt  }
0x68: {  	_ =	shalt  }
0x69: {  	_ =	shalt  }
0x6a: {  	_ =	shalt  }
0x6b: {  	_ =	shalt  }
0x6c: {  	_ =	shalt  }
0x6d: {  	_ =	shalt  }
0x6e: {  	_ =	shalt  }
0x6f: {  	_ =	shalt  }
0x70: {  	_ =	shalt  }
0x71: {  	_ =	shalt  }
0x72: {  	_ =	shalt  }
0x73: {  	_ =	shalt  }
0x74: {  	_ =	shalt  }
0x75: {  	_ =	shalt  }
0x76: {  	_ =	shalt  }
0x77: {  	_ =	shalt  }
0x78: {  	_ =	shalt  }
0x79: {  	_ =	shalt  }
0x7a: {  	_ =	shalt  }
0x7b: {  	_ =	shalt  }
0x7c: {  	_ =	shalt  }
0x7d: {  	_ =	shalt  }
0x7e: {  	_ =	shalt  }
0x7f: {  	_ =	shalt  }
0x80: {  	_ =	shalt  }
0x81: {  	_ =	shalt  }
0x82: {  	_ =	shalt  }
0x83: {  	_ =	shalt  }
0x84: {  	_ =	shalt  }
0x85: {  	_ =	shalt  }
0x86: {  	_ =	shalt  }
0x87: {  	_ =	shalt  }
.Lfunc_end0:
.L_simem_size_0:
called_computation_lowered:
.L_overlay_start_0:
0x88: {  	s2 =	sld [smem:$0x3FD9]  }
0x89: {  	s3 =	sld [smem:$0x3FFE];
	_ =	sdelay $0x1  }
0x8a: {  	s1 =	srdreg.scid  }
0x8b: {  	s0 =	sand.u32 $0x1, s1  }
0x8c: {  	s17 =	sshll.u32 s0, $0xA;
	s2 =	sadd.s32 s3, s2  }
0x8d: {  	s2 =	sadd.s32 s2, s17  }
0x8e: {  	[smem:$0x3FC3] =	sst s2  }
0x8f: {  	_ = 	snop  }
0x90: {  	s2 =	sld [smem:$0x3FC7]  }
0x91: {  	s18 =	sld [smem:$0x3FD0];
	(tm) =	ssettm $0x1  }
0x92: {  	s4 =	sld [smem:$0x3FFB];
	_ =	sdelay $0x3  }
0x93: {  	_ =	strace s4  }
0x94: {  	s4 =	sld [smem:$0x3FFC];
	_ =	sdelay $0x3  }
0x95: {  	_ =	strace s4  }
0x96: {  	s4 =	sld [smem:$0x3FFD];
	_ =	sdelay $0x3  }
0x97: {  	_ =	strace s4  }
0x98: {  	_ =	strace $0x8FFFFFFF  }
0x99: {  	s19 =	sld [smem:$0x3FDB];
	_ =	sdelay $0x1  }
0x9a: {  	s5 =	simm.s32 $_scs_section_size  }
0x9b: {  	s6 =	simm.s32 $_size__tile_overlayer_lowered;
	s7 =	simm.s32 $_tile_overlayer_lowered  }
0x9c: {  	s22 =	simm.s32 $0x1BFF;
	s21 =	sshll.u32 s7, $0x1;
	s4 =	sadd.s32 s5, s19  }
0x9d: {  	s8 =	simm.s32 $0x0;
	s20 =	sshll.u32 s6, $0x1;
	s6 =	sadd.s32 s21, s4  }
0x9e: {  	[timem:s8], [sflag:s22] =	dma.local [hbm:s6], s20  }
0x9f: {  	_ =	swait.ge [sflag:s22], s20  }
0xa0: {  	s5 =	ssub.s32 $0x0, s20;
	[sflag:s22] =	ssyncset.done $0x0  }
0xa1: {  	[sflag:s22] =	ssyncadd.s32 s5;
	_ =	sdelay $0x1  }
0xa2: {  	s23 =	simm.s32 $0x1B8B  }
0xa3: {  	_ =	swait.ge [sflag:s23], $0x1  }
0xa4: {  	[sflag:s23] =	ssyncset.done $0x0  }
0xa5: {  	s25 =	simm.s32 $0x1B8E;
	s24 =	sld [smem:$0x3FFE];
	[sflag:s23] =	ssyncadd.s32 $0xFFFFFFFF  }
0xa6: {  	s26 =	simm.s32 $execute0_lowered;
	[smem:$0x3FD2] =	sst s25  }
0xa7: {  	s6 =	sshll.u32 s26, $0x1;
	_ =	strace $0x80000046;
	[dreg:$0x1] =	wrdreg $0xFFFFFFFF  }
0xa8: {  	s28 =	simm.s32 $_size_execute0_lowered;
	s4 =	sadd.s32 s4, s6;
	[dreg:$0x0] =	wrdreg $0x0  }
0xa9: {  	s6 =	sshll.u32 s28, $0x1;
	[dreg:$0x2] =	wrdreg s4  }
0xaa: {  	[dreg:$0x3] =	wrdreg s6  }
0xab: {  	[dreg:$0x4] =	wrdreg $0xC0  }
0xac: {  	_ =	task [dreg:s8], $0x5FFFF  }
0xad: {  	[dreg:$0x1] =	wrdreg $0xFFFFFFFF  }
0xae: {  	[dreg:$0x0] =	wrdreg $0x60  }
0xaf: {  	[dreg:$0x2] =	wrdreg s2  }
0xb0: {  	[dreg:$0x3] =	wrdreg s24  }
0xb1: {  	[dreg:$0x4] =	wrdreg s18  }
0xb2: {  	[dreg:$0x5] =	wrdreg $0x93000  }
0xb3: {  	[dreg:$0x6] =	wrdreg $0x1D3000  }
0xb4: {  	[dreg:$0x7] =	wrdreg $0x9  }
0xb5: {  	_ =	task.clear_ibuf [dreg:s8], $0x8FFFF;
	_ =	strace $0x90000046  }
0xb6: {  	s29 =	simm.s32 $0x9;
	_ =	strace $0x80000048  }
0xb7: {  	_ =	swait.ge [sflag:s29], $0x1  }
0xb8: {  	[sflag:s29] =	ssyncadd.s32 $0xFFFFFFFF  }
0xb9: {  	_ =	strace $0x90000048  }
0xba: {  	_ =	sfence  }
0xbb: {  	s30 =	sld [smem:$0x0];
	_ =	sdelay $0x2  }
0xbc: {  	s31 =	sshll.u32 s1, $0xD;
	s1 =	sshrl.u32 s1, $0x2  }
0xbd: {  	s3 =	sand.u32 $0x4000, s31;
	s1 =	sadd.s32 s1, s30  }
0xbe: {  	s0 =	sor.u32 s3, s0;
	s1 =	sshll.u32 s1, $0x11  }
0xbf: {  	s0 =	sor.u32 s1, s0  }
0xc0: {  	s0 =	sadd.s32 $0x8F2B, s0  }
0xc1: {  	[sflag:s0] =	ssyncadd.remote.s32 $0x1  }
0xc2: {  	_ =	sfence.sel $0xFFFF  }
0xc3: {  	[dreg:$0x0] =	wrdreg $0xFFFFFFFF;
	(pc) =	sbr.abs _section_cstart, $3  }
0xc4: {  	[dreg:$0x1] =	wrdreg $0xFFFFFFFF  }
0xc5: {  	_ =	task.clear_ibuf [dreg:s8], $0x2FFFF;
	_ =	strace $0x9FFFFFFF  }
0xc6: {  	(tm) =	ssettm $0x7FFFFFFF  }
0xc7: {  	_ =	shalt  }
tec
execute0_lowered:
.L_overlay_start_1:
0x0: {  	(tag) =	ssettag $0x1  }
0x1: {  	s0 =	rddreg [dreg:$0x0]  }
0x2: {  	s1 =	rddreg [dreg:$0x1]  }
0x3: {  	s3 =	rddreg [dreg:$0x2]  }
0x4: {  	s2 =	rddreg [dreg:$0x3]  }
0x5: {  	s4 =	srdreg.scid;
	s15 =	stileid.u32;
	s28 =	simm.s32 $0x800  }
0x6: {  	s29 =	simm.s32 $0x80;
	s30 =	simm.s32 $0x1;
	s7 =	smul.u32 $0x90, s15  }
0x7: {  	s31 =	simm.s32 $0x5000;
	s6 =	sand.u32 $0x1, s4;
	s10 =	smul.u32 $0x280, s15  }
0x8: {  	s5 =	sshll.u32 s15, $0x4;
	s4 =	rddreg [dreg:$0x4];
	s12 =	smul.u32 $0x50000, s15  }
0x9: {  	p1 =	seq.s32 s15, $0xF;
	p0 =	seq.s32 s6, $0x0;
	s8 =	sor.u32 $0x900, s5  }
0xa: {  	s5 =	simm.s32 $0x0;
	s20 =	smul.u32 $0x27100, s6;
	s11 =	ssub.s32 $0x2, s6  }
0xb: {  	s14 =	smul.u32 $0x2710, s6;
	s25 =	sadd.s32 $0x2580, s4;
	s8 =	smov.u32 @p0 s7  }
0xc: {  	[smem:$0x7FF] =	sst s5;
	s13 =	sshrl.u32 s11, $0x1;
	s21 =	sshrl.u32 s12, $0x2  }
0xd: {  	s23 =	sadd.s32 s10, s4;
	s26 =	sadd.s32 $0x80, s10;
	s19 =	sadd.s32 $0x180, s10  }
0xe: {  	p0 =	sne.s32 s6, $0x0;
	s6 =	simm.s32 $0x900;
	s7 =	sshll.u32 s8, $0x4  }
0xf: {  	_ =	strace $0x80000047;
	s8 =	sadd.s32 s20, s1;
	s11 =	ssub.s32 s11, s13  }
0x10: {  	s18 =	sadd.s32 s21, s2;
	s22 =	sadd.s32 s10, s14;
	[dreg:$0x8] =	wrdreg s23  }
0x11: {  	s24 =	sshrl.u32 s14, $0x3;
	[dreg:$0xa] =	wrdreg s25;
	s13 =	sshll.u32 s26, $0x7  }
0x12: {  	s14 =	sadd.s32 $0x100, s10;
	s21 =	sshll.u32 s19, $0x7;
	s23 =	sadd.s32 $0x200, s10  }
0x13: {  	s10 =	simm.s32 $0x880;
	s9 =	sadd.s32 s7, s1;
	s1 =	sadd.s32 $0xC200, s1  }
0x14: {  	s16 =	sadd.s32 $0xCC00, s8;
	s8 =	smul.u32 $0x2800, s15;
	s12 =	sshrl.u32 s22, $0x3  }
0x15: {  	s11 =	smax.u32 s11, $0x1;
	s17 =	sshll.u32 s14, $0x7;
	[dreg:$0x7] =	wrdreg s18  }
0x16: {  	s22 =	sadd.s32 s14, s4;
	s3 =	sadd.s32 s7, s3;
	[dreg:$0xc] =	wrdreg s11  }
0x17: {  	s25 =	sshll.u32 s23, $0x7;
	s15 =	simm.s32 $0xA00;
	[dreg:$0x10] =	wrdreg s22  }
0x18: {  	s7 =	simm.s32 $0xC80;
	s12 =	sadd.s32 s1, s12;
	[dreg:$0x13] =	wrdreg s3  }
0x19: {  	s1 =	sadd.s32 s1, s24;
	s11 =	sadd.s32 s13, s2;
	[dreg:$0x6] =	wrdreg s16  }
0x1a: {  	s20 =	sadd.s32 s17, s2;
	s24 =	sadd.s32 s19, s4;
	[dreg:$0x9] =	wrdreg s12  }
0x1b: {  	s3 =	sadd.s32 s25, s2;
	s13 =	simm.s32 $0x980;
	[dreg:$0xd] =	wrdreg s11  }
0x1c: {  	s17 =	simm.s32 $0xA80;
	s19 =	simm.s32 $0xB80;
	[dreg:$0xf] =	wrdreg s20  }
0x1d: {  	s25 =	simm.s32 $0xF00;
	s22 =	simm.s32 $0x0;
	[dreg:$0x12] =	wrdreg s24  }
0x1e: {  	s12 =	sadd.s32 $0x12C000, s2;
	s1 =	sadd.s32 $0x4B0, s1;
	[dreg:$0x14] =	wrdreg s3  }
0x1f: {  	s3 =	simm.s32 $0x9000;
	s20 =	simm.s32 $0xB00;
	s24 =	simm.s32 $0xC00  }
0x20: {  	[dreg:$0xb] =	wrdreg s1;
	s1 =	sadd.s32 s26, s4;
	s26 =	sadd.s32 $0x2200, s9  }
0x21: {  	s9 =	simm.s32 $0xD00;
	[dreg:$0xe] =	wrdreg s1;
	s1 =	sadd.s32 s21, s2  }
0x22: {  	[dreg:$0x16] =	wrdreg s26;
	s26 =	simm.s32 $0x3;
	s21 =	simm.s32 $0xE80  }
0x23: {  	[dreg:$0x11] =	wrdreg s1;
	s1 =	sadd.s32 s23, s4;
	s23 =	simm.s32 $0x1000  }
0x24: {  	[dreg:$0x15] =	wrdreg s1;
	s1 =	sshrl.u32 @p1 s12, $0x3;
	s12 =	simm.s32 $0xD80  }
0x25: {  	[dreg:$0x17] =	wrdreg s1;
	s1 =	sadd.s32 @!p1 s8, s16;
	s16 =	simm.s32 $0xE00  }
0x26: {  	v0 =	vimm.f32 $0.0e+00;
	v1 =	vimm.f32 $1.000000000e+00;
	s8 =	simm.s32 $0xF80;
	[dreg:$0x18] =	wrdreg s1;
	s1 =	simm.s32 $0x2  }
.LBB2_1:
0x27: {  	s11 =	sand.u32 $0xFE00, s5  }
0x28: {  	[dreg:$0x19] =	wrdreg s22;
	s14 =	sand.u32 $0x70, s5;
	s18 =	sshrl.u32 s11, $0x2  }
0x29: {  	s11 =	simm.s32 $0x40;
	s18 =	sor.u32 s14, s18;
	s14 =	simm.s32 $0x0  }
.LBB2_2:
0x2a: {  	p2 =	sne.s32 s11, $0xFFC0  }
0x2b: {  	[tilespmem:s18+$0x1000] =	vst v0;
	s14 =	sadd.s32 $0x10, s14;
	s18 =	smov.u32 s11;
	s11 =	sadd.s32 $0x40, s11  }
.Ltmp0:
0x2c: {  	(pc) =	sbr.rel @p2 .LBB2_2-.Ltmp0, $4  }
0x2d: {  	_ = 	snop  }
0x2e: {  	s18 =	sand.u32 $0xFE00, s18  }
0x2f: {  	s22 =	sand.u32 $0x70, s14;
	s18 =	sshrl.u32 s18, $0x2  }
0x30: {  	s18 =	sor.u32 s22, s18  }
0x31: {  	[tilespmem:s18+$0x1000] =	vst v0  }
0x32: {  	[tilespmem:$0x9000] =	vst v1  }
0x33: {  	[tilespmem:$0x9010] =	vst v1  }
0x34: {  	[tilespmem:$0x9020] =	vst v1  }
0x35: {  	[tilespmem:$0x9030] =	vst v1  }
0x36: {  	[tilespmem:$0x9040] =	vst v1  }
0x37: {  	[tilespmem:$0x9050] =	vst v1  }
0x38: {  	[tilespmem:$0x9060] =	vst v1  }
0x39: {  	s11 =	rddreg [dreg:$0x7];
	[tilespmem:$0x9070] =	vst v1  }
0x3a: {  	[spmem:s11] =	stream.linear.scatter [tilespmem:s23], [sflag:$0x3], $0x4000, $0x38;
	[tilespmem:$0x1D580] =	vst v63  }
0x3b: {  	_ =	swait.ge [sflag:s26], $0x4000  }
0x3c: {  	[sflag:s26] =	ssyncset.done $0x0  }
0x3d: {  	s14 =	rddreg [dreg:$0x8];
	[sflag:s26] =	ssyncadd.s32 $0xFFFFC000  }
0x3e: {  	[spmem:s14] =	stream.linear.scatter [tilespmem:s23], [sflag:$0x3], $0x80, $0x38;
	[tilespmem:$0x1D580] =	vst v63  }
0x3f: {  	_ =	swait.ge [sflag:s26], $0x80  }
0x40: {  	[sflag:s26] =	ssyncset.done $0x0  }
0x41: {  	s18 =	rddreg [dreg:$0xd];
	[sflag:s26] =	ssyncadd.s32 $0xFFFFFF80  }
0x42: {  	[spmem:s18] =	stream.linear.scatter [tilespmem:s23], [sflag:$0x3], $0x4000, $0x38;
	[tilespmem:$0x1D580] =	vst v63  }
0x43: {  	_ =	swait.ge [sflag:s26], $0x4000  }
0x44: {  	[sflag:s26] =	ssyncset.done $0x0  }
0x45: {  	s22 =	rddreg [dreg:$0xe];
	[sflag:s26] =	ssyncadd.s32 $0xFFFFC000  }
0x46: {  	[spmem:s22] =	stream.linear.scatter [tilespmem:s23], [sflag:$0x3], $0x80, $0x38;
	[tilespmem:$0x1D580] =	vst v63  }
0x47: {  	_ =	swait.ge [sflag:s26], $0x80  }
0x48: {  	[sflag:s26] =	ssyncset.done $0x0  }
0x49: {  	s14 =	rddreg [dreg:$0xf];
	[sflag:s26] =	ssyncadd.s32 $0xFFFFFF80  }
0x4a: {  	[spmem:s14] =	stream.linear.scatter [tilespmem:s23], [sflag:$0x3], $0x4000, $0x38;
	[tilespmem:$0x1D580] =	vst v63  }
0x4b: {  	_ =	swait.ge [sflag:s26], $0x4000  }
0x4c: {  	[sflag:s26] =	ssyncset.done $0x0  }
0x4d: {  	s18 =	rddreg [dreg:$0x10];
	[sflag:s26] =	ssyncadd.s32 $0xFFFFC000  }
0x4e: {  	[spmem:s18] =	stream.linear.scatter [tilespmem:s23], [sflag:$0x3], $0x80, $0x38;
	[tilespmem:$0x1D580] =	vst v63  }
0x4f: {  	_ =	swait.ge [sflag:s26], $0x80  }
0x50: {  	[sflag:s26] =	ssyncset.done $0x0  }
0x51: {  	s22 =	rddreg [dreg:$0x11];
	[sflag:s26] =	ssyncadd.s32 $0xFFFFFF80  }
0x52: {  	[spmem:s22] =	stream.linear.scatter [tilespmem:s23], [sflag:$0x3], $0x4000, $0x38;
	[tilespmem:$0x1D580] =	vst v63  }
0x53: {  	_ =	swait.ge [sflag:s26], $0x4000  }
0x54: {  	[sflag:s26] =	ssyncset.done $0x0  }
0x55: {  	s14 =	rddreg [dreg:$0x12];
	[sflag:s26] =	ssyncadd.s32 $0xFFFFC000  }
0x56: {  	[spmem:s14] =	stream.linear.scatter [tilespmem:s23], [sflag:$0x3], $0x80, $0x38;
	[tilespmem:$0x1D580] =	vst v63  }
0x57: {  	_ =	swait.ge [sflag:s26], $0x80  }
0x58: {  	[sflag:s26] =	ssyncset.done $0x0  }
0x59: {  	s18 =	rddreg [dreg:$0x14];
	[sflag:s26] =	ssyncadd.s32 $0xFFFFFF80  }
0x5a: {  	[spmem:s18] =	stream.linear.scatter [tilespmem:s23], [sflag:$0x3], $0x4000, $0x38;
	[tilespmem:$0x1D580] =	vst v63  }
0x5b: {  	_ =	swait.ge [sflag:s26], $0x4000  }
0x5c: {  	[sflag:s26] =	ssyncset.done $0x0  }
0x5d: {  	s22 =	rddreg [dreg:$0x15];
	[sflag:s26] =	ssyncadd.s32 $0xFFFFC000  }
0x5e: {  	[spmem:s22] =	stream.linear.scatter [tilespmem:s23], [sflag:$0x3], $0x80, $0x38;
	[tilespmem:$0x1D580] =	vst v63  }
0x5f: {  	_ =	swait.ge [sflag:s26], $0x80  }
0x60: {  	[sflag:s26] =	ssyncset.done $0x0  }
0x61: {  	[sflag:s26] =	ssyncadd.s32 $0xFFFFFF80  }
0x62: {  	[bflag:$0x0] =	sbarrier.arrive $0xFFFF  }
0x63: {  	s11 =	rddreg [dreg:$0x16]  }
0x64: {  	s18 =	simm.s32 $0x0;
	s14 =	rddreg [dreg:$0x13]  }
.LBB2_4:
0x65: {  	[tilespmem:s5], [sflag:$0x3] =	stream.linear.gather [hbm4b:s11+s5], $0x800, $0x38;
	[tilespmem:$0x1D580] =	vst v63  }
0x66: {  	_ =	swait.ge [sflag:s26], $0x800  }
0x67: {  	[sflag:s26] =	ssyncset.done $0x0  }
0x68: {  	[sflag:s26] =	ssyncadd.s32 $0xFFFFF800  }
0x69: {  	[tilespmem:s28], [sflag:$0x3] =	stream.linear.gather [hbm4b:s14+s5], $0x800, $0x38;
	[tilespmem:$0x1D580] =	vst v63  }
0x6a: {  	_ =	swait.ge [sflag:s26], $0x800  }
0x6b: {  	[sflag:s26] =	ssyncset.done $0x0  }
0x6c: {  	[sflag:s26] =	ssyncadd.s32 $0xFFFFF800  }
0x6d: {  	[tilespmem:s23], [sflag:$0x1] =	stream.indirect.gather [hbm4b:s0+s29], $0x80, s5, s29, $0xb8;
	[tilespmem:$0x1D580] =	vst v63  }
0x6e: {  	_ =	swait.ge [sflag:s30], $0x4000  }
0x6f: {  	[sflag:s30] =	ssyncset.done $0x0  }
0x70: {  	[sflag:s30] =	ssyncadd.s32 $0xFFFFC000  }
0x71: {  	[tilespmem:s31], [sflag:$0x2] =	stream.indirect.gather [hbm4b:s0+s29], $0x80, s29, s29, $0xb8;
	[tilespmem:$0x1D580] =	vst v63  }
0x72: {  	_ = 	snop  }
0x73: {  	[spmem:s4] =	stream.indirect.scatter.add.f32 [tilespmem:s3], [sflag:$0x3], $0x1, s28, s29, $0xb8;
	[tilespmem:$0x1D580] =	vst v63  }
0x74: {  	_ =	swait.ge [sflag:s26], $0x80  }
0x75: {  	[sflag:s26] =	ssyncset.done $0x0  }
0x76: {  	[sflag:s26] =	ssyncadd.s32 $0xFFFFFF80  }
0x77: {  	[spmem:s2] =	stream.indirect.scatter.add.f32 [tilespmem:s23], [sflag:$0x3], $0x80, s28, s29, $0xb8;
	[tilespmem:$0x1D580] =	vst v63  }
0x78: {  	_ =	swait.ge [sflag:s26], $0x4000  }
0x79: {  	[sflag:s26] =	ssyncset.done $0x0  }
0x7a: {  	[sflag:s26] =	ssyncadd.s32 $0xFFFFC000  }
0x7b: {  	_ =	swait.ge [sflag:s1], $0x4000  }
0x7c: {  	[sflag:s1] =	ssyncset.done $0x0  }
0x7d: {  	s22 =	simm.s32 $0x100;
	[sflag:s1] =	ssyncadd.s32 $0xFFFFC000  }
0x7e: {  	[tilespmem:s23], [sflag:$0x1] =	stream.indirect.gather [hbm4b:s0+s29], $0x80, s22, s29, $0xb8;
	[tilespmem:$0x1D580] =	vst v63  }
0x7f: {  	_ = 	snop  }
0x80: {  	[spmem:s4] =	stream.indirect.scatter.add.f32 [tilespmem:s3], [sflag:$0x3], $0x1, s10, s29, $0xb8;
	[tilespmem:$0x1D580] =	vst v63  }
0x81: {  	_ =	swait.ge [sflag:s26], $0x80  }
0x82: {  	[sflag:s26] =	ssyncset.done $0x0  }
0x83: {  	[sflag:s26] =	ssyncadd.s32 $0xFFFFFF80  }
0x84: {  	[spmem:s2] =	stream.indirect.scatter.add.f32 [tilespmem:s31], [sflag:$0x3], $0x80, s10, s29, $0xb8;
	[tilespmem:$0x1D580] =	vst v63  }
0x85: {  	_ =	swait.ge [sflag:s26], $0x4000  }
0x86: {  	[sflag:s26] =	ssyncset.done $0x0  }
0x87: {  	[sflag:s26] =	ssyncadd.s32 $0xFFFFC000  }
0x88: {  	_ =	swait.ge [sflag:s30], $0x4000  }
0x89: {  	[sflag:s30] =	ssyncset.done $0x0  }
0x8a: {  	s22 =	simm.s32 $0x180;
	[sflag:s30] =	ssyncadd.s32 $0xFFFFC000  }
0x8b: {  	[tilespmem:s31], [sflag:$0x2] =	stream.indirect.gather [hbm4b:s0+s29], $0x80, s22, s29, $0xb8;
	[tilespmem:$0x1D580] =	vst v63  }
0x8c: {  	_ = 	snop  }
0x8d: {  	[spmem:s4] =	stream.indirect.scatter.add.f32 [tilespmem:s3], [sflag:$0x3], $0x1, s6, s29, $0xb8;
	[tilespmem:$0x1D580] =	vst v63  }
0x8e: {  	_ =	swait.ge [sflag:s26], $0x80  }
0x8f: {  	[sflag:s26] =	ssyncset.done $0x0  }
0x90: {  	[sflag:s26] =	ssyncadd.s32 $0xFFFFFF80  }
0x91: {  	[spmem:s2] =	stream.indirect.scatter.add.f32 [tilespmem:s23], [sflag:$0x3], $0x80, s6, s29, $0xb8;
	[tilespmem:$0x1D580] =	vst v63  }
0x92: {  	_ =	swait.ge [sflag:s26], $0x4000  }
0x93: {  	[sflag:s26] =	ssyncset.done $0x0  }
0x94: {  	[sflag:s26] =	ssyncadd.s32 $0xFFFFC000  }
0x95: {  	_ =	swait.ge [sflag:s1], $0x4000  }
0x96: {  	[sflag:s1] =	ssyncset.done $0x0  }
0x97: {  	s22 =	simm.s32 $0x200;
	[sflag:s1] =	ssyncadd.s32 $0xFFFFC000  }
0x98: {  	[tilespmem:s23], [sflag:$0x1] =	stream.indirect.gather [hbm4b:s0+s29], $0x80, s22, s29, $0xb8;
	[tilespmem:$0x1D580] =	vst v63  }
0x99: {  	_ = 	snop  }
0x9a: {  	[spmem:s4] =	stream.indirect.scatter.add.f32 [tilespmem:s3], [sflag:$0x3], $0x1, s13, s29, $0xb8;
	[tilespmem:$0x1D580] =	vst v63  }
0x9b: {  	_ =	swait.ge [sflag:s26], $0x80  }
0x9c: {  	[sflag:s26] =	ssyncset.done $0x0  }
0x9d: {  	[sflag:s26] =	ssyncadd.s32 $0xFFFFFF80  }
0x9e: {  	[spmem:s2] =	stream.indirect.scatter.add.f32 [tilespmem:s31], [sflag:$0x3], $0x80, s13, s29, $0xb8;
	[tilespmem:$0x1D580] =	vst v63  }
0x9f: {  	_ =	swait.ge [sflag:s26], $0x4000  }
0xa0: {  	[sflag:s26] =	ssyncset.done $0x0  }
0xa1: {  	[sflag:s26] =	ssyncadd.s32 $0xFFFFC000  }
0xa2: {  	_ =	swait.ge [sflag:s30], $0x4000  }
0xa3: {  	[sflag:s30] =	ssyncset.done $0x0  }
0xa4: {  	s22 =	simm.s32 $0x280;
	[sflag:s30] =	ssyncadd.s32 $0xFFFFC000  }
0xa5: {  	[tilespmem:s31], [sflag:$0x2] =	stream.indirect.gather [hbm4b:s0+s29], $0x80, s22, s29, $0xb8;
	[tilespmem:$0x1D580] =	vst v63  }
0xa6: {  	_ = 	snop  }
0xa7: {  	[spmem:s4] =	stream.indirect.scatter.add.f32 [tilespmem:s3], [sflag:$0x3], $0x1, s15, s29, $0xb8;
	[tilespmem:$0x1D580] =	vst v63  }
0xa8: {  	_ =	swait.ge [sflag:s26], $0x80  }
0xa9: {  	[sflag:s26] =	ssyncset.done $0x0  }
0xaa: {  	[sflag:s26] =	ssyncadd.s32 $0xFFFFFF80  }
0xab: {  	[spmem:s2] =	stream.indirect.scatter.add.f32 [tilespmem:s23], [sflag:$0x3], $0x80, s15, s29, $0xb8;
	[tilespmem:$0x1D580] =	vst v63  }
0xac: {  	_ =	swait.ge [sflag:s26], $0x4000  }
0xad: {  	[sflag:s26] =	ssyncset.done $0x0  }
0xae: {  	[sflag:s26] =	ssyncadd.s32 $0xFFFFC000  }
0xaf: {  	_ =	swait.ge [sflag:s1], $0x4000  }
0xb0: {  	[sflag:s1] =	ssyncset.done $0x0  }
0xb1: {  	s22 =	simm.s32 $0x300;
	[sflag:s1] =	ssyncadd.s32 $0xFFFFC000  }
0xb2: {  	[tilespmem:s23], [sflag:$0x1] =	stream.indirect.gather [hbm4b:s0+s29], $0x80, s22, s29, $0xb8;
	[tilespmem:$0x1D580] =	vst v63  }
0xb3: {  	_ = 	snop  }
0xb4: {  	[spmem:s4] =	stream.indirect.scatter.add.f32 [tilespmem:s3], [sflag:$0x3], $0x1, s17, s29, $0xb8;
	[tilespmem:$0x1D580] =	vst v63  }
0xb5: {  	_ =	swait.ge [sflag:s26], $0x80  }
0xb6: {  	[sflag:s26] =	ssyncset.done $0x0  }
0xb7: {  	[sflag:s26] =	ssyncadd.s32 $0xFFFFFF80  }
0xb8: {  	[spmem:s2] =	stream.indirect.scatter.add.f32 [tilespmem:s31], [sflag:$0x3], $0x80, s17, s29, $0xb8;
	[tilespmem:$0x1D580] =	vst v63  }
0xb9: {  	_ =	swait.ge [sflag:s26], $0x4000  }
0xba: {  	[sflag:s26] =	ssyncset.done $0x0  }
0xbb: {  	[sflag:s26] =	ssyncadd.s32 $0xFFFFC000  }
0xbc: {  	_ =	swait.ge [sflag:s30], $0x4000  }
0xbd: {  	[sflag:s30] =	ssyncset.done $0x0  }
0xbe: {  	s22 =	simm.s32 $0x380;
	[sflag:s30] =	ssyncadd.s32 $0xFFFFC000  }
0xbf: {  	[tilespmem:s31], [sflag:$0x2] =	stream.indirect.gather [hbm4b:s0+s29], $0x80, s22, s29, $0xb8;
	[tilespmem:$0x1D580] =	vst v63  }
0xc0: {  	_ = 	snop  }
0xc1: {  	[spmem:s4] =	stream.indirect.scatter.add.f32 [tilespmem:s3], [sflag:$0x3], $0x1, s20, s29, $0xb8;
	[tilespmem:$0x1D580] =	vst v63  }
0xc2: {  	_ =	swait.ge [sflag:s26], $0x80  }
0xc3: {  	[sflag:s26] =	ssyncset.done $0x0  }
0xc4: {  	[sflag:s26] =	ssyncadd.s32 $0xFFFFFF80  }
0xc5: {  	[spmem:s2] =	stream.indirect.scatter.add.f32 [tilespmem:s23], [sflag:$0x3], $0x80, s20, s29, $0xb8;
	[tilespmem:$0x1D580] =	vst v63  }
0xc6: {  	_ =	swait.ge [sflag:s26], $0x4000  }
0xc7: {  	[sflag:s26] =	ssyncset.done $0x0  }
0xc8: {  	[sflag:s26] =	ssyncadd.s32 $0xFFFFC000  }
0xc9: {  	_ =	swait.ge [sflag:s1], $0x4000  }
0xca: {  	[sflag:s1] =	ssyncset.done $0x0  }
0xcb: {  	s22 =	simm.s32 $0x400;
	[sflag:s1] =	ssyncadd.s32 $0xFFFFC000  }
0xcc: {  	[tilespmem:s23], [sflag:$0x1] =	stream.indirect.gather [hbm4b:s0+s29], $0x80, s22, s29, $0xb8;
	[tilespmem:$0x1D580] =	vst v63  }
0xcd: {  	_ = 	snop  }
0xce: {  	[spmem:s4] =	stream.indirect.scatter.add.f32 [tilespmem:s3], [sflag:$0x3], $0x1, s19, s29, $0xb8;
	[tilespmem:$0x1D580] =	vst v63  }
0xcf: {  	_ =	swait.ge [sflag:s26], $0x80  }
0xd0: {  	[sflag:s26] =	ssyncset.done $0x0  }
0xd1: {  	[sflag:s26] =	ssyncadd.s32 $0xFFFFFF80  }
0xd2: {  	[spmem:s2] =	stream.indirect.scatter.add.f32 [tilespmem:s31], [sflag:$0x3], $0x80, s19, s29, $0xb8;
	[tilespmem:$0x1D580] =	vst v63  }
0xd3: {  	_ =	swait.ge [sflag:s26], $0x4000  }
0xd4: {  	[sflag:s26] =	ssyncset.done $0x0  }
0xd5: {  	[sflag:s26] =	ssyncadd.s32 $0xFFFFC000  }
0xd6: {  	_ =	swait.ge [sflag:s30], $0x4000  }
0xd7: {  	[sflag:s30] =	ssyncset.done $0x0  }
0xd8: {  	s22 =	simm.s32 $0x480;
	[sflag:s30] =	ssyncadd.s32 $0xFFFFC000  }
0xd9: {  	[tilespmem:s31], [sflag:$0x2] =	stream.indirect.gather [hbm4b:s0+s29], $0x80, s22, s29, $0xb8;
	[tilespmem:$0x1D580] =	vst v63  }
0xda: {  	_ = 	snop  }
0xdb: {  	[spmem:s4] =	stream.indirect.scatter.add.f32 [tilespmem:s3], [sflag:$0x3], $0x1, s24, s29, $0xb8;
	[tilespmem:$0x1D580] =	vst v63  }
0xdc: {  	_ =	swait.ge [sflag:s26], $0x80  }
0xdd: {  	[sflag:s26] =	ssyncset.done $0x0  }
0xde: {  	[sflag:s26] =	ssyncadd.s32 $0xFFFFFF80  }
0xdf: {  	[spmem:s2] =	stream.indirect.scatter.add.f32 [tilespmem:s23], [sflag:$0x3], $0x80, s24, s29, $0xb8;
	[tilespmem:$0x1D580] =	vst v63  }
0xe0: {  	_ =	swait.ge [sflag:s26], $0x4000  }
0xe1: {  	[sflag:s26] =	ssyncset.done $0x0  }
0xe2: {  	[sflag:s26] =	ssyncadd.s32 $0xFFFFC000  }
0xe3: {  	_ =	swait.ge [sflag:s1], $0x4000  }
0xe4: {  	[sflag:s1] =	ssyncset.done $0x0  }
0xe5: {  	s22 =	simm.s32 $0x500;
	[sflag:s1] =	ssyncadd.s32 $0xFFFFC000  }
0xe6: {  	[tilespmem:s23], [sflag:$0x1] =	stream.indirect.gather [hbm4b:s0+s29], $0x80, s22, s29, $0xb8;
	[tilespmem:$0x1D580] =	vst v63  }
0xe7: {  	_ = 	snop  }
0xe8: {  	[spmem:s4] =	stream.indirect.scatter.add.f32 [tilespmem:s3], [sflag:$0x3], $0x1, s7, s29, $0xb8;
	[tilespmem:$0x1D580] =	vst v63  }
0xe9: {  	_ =	swait.ge [sflag:s26], $0x80  }
0xea: {  	[sflag:s26] =	ssyncset.done $0x0  }
0xeb: {  	[sflag:s26] =	ssyncadd.s32 $0xFFFFFF80  }
0xec: {  	[spmem:s2] =	stream.indirect.scatter.add.f32 [tilespmem:s31], [sflag:$0x3], $0x80, s7, s29, $0xb8;
	[tilespmem:$0x1D580] =	vst v63  }
0xed: {  	_ =	swait.ge [sflag:s26], $0x4000  }
0xee: {  	[sflag:s26] =	ssyncset.done $0x0  }
0xef: {  	[sflag:s26] =	ssyncadd.s32 $0xFFFFC000  }
0xf0: {  	_ =	swait.ge [sflag:s30], $0x4000  }
0xf1: {  	[sflag:s30] =	ssyncset.done $0x0  }
0xf2: {  	s22 =	simm.s32 $0x580;
	[sflag:s30] =	ssyncadd.s32 $0xFFFFC000  }
0xf3: {  	[tilespmem:s31], [sflag:$0x2] =	stream.indirect.gather [hbm4b:s0+s29], $0x80, s22, s29, $0xb8;
	[tilespmem:$0x1D580] =	vst v63  }
0xf4: {  	_ = 	snop  }
0xf5: {  	[spmem:s4] =	stream.indirect.scatter.add.f32 [tilespmem:s3], [sflag:$0x3], $0x1, s9, s29, $0xb8;
	[tilespmem:$0x1D580] =	vst v63  }
0xf6: {  	_ =	swait.ge [sflag:s26], $0x80  }
0xf7: {  	[sflag:s26] =	ssyncset.done $0x0  }
0xf8: {  	[sflag:s26] =	ssyncadd.s32 $0xFFFFFF80  }
0xf9: {  	[spmem:s2] =	stream.indirect.scatter.add.f32 [tilespmem:s23], [sflag:$0x3], $0x80, s9, s29, $0xb8;
	[tilespmem:$0x1D580] =	vst v63  }
0xfa: {  	_ =	swait.ge [sflag:s26], $0x4000  }
0xfb: {  	[sflag:s26] =	ssyncset.done $0x0  }
0xfc: {  	[sflag:s26] =	ssyncadd.s32 $0xFFFFC000  }
0xfd: {  	_ =	swait.ge [sflag:s1], $0x4000  }
0xfe: {  	[sflag:s1] =	ssyncset.done $0x0  }
0xff: {  	s22 =	simm.s32 $0x600;
	[sflag:s1] =	ssyncadd.s32 $0xFFFFC000  }
0x100: {  	[tilespmem:s23], [sflag:$0x1] =	stream.indirect.gather [hbm4b:s0+s29], $0x80, s22, s29, $0xb8;
	[tilespmem:$0x1D580] =	vst v63  }
0x101: {  	_ = 	snop  }
0x102: {  	[spmem:s4] =	stream.indirect.scatter.add.f32 [tilespmem:s3], [sflag:$0x3], $0x1, s12, s29, $0xb8;
	[tilespmem:$0x1D580] =	vst v63  }
0x103: {  	_ =	swait.ge [sflag:s26], $0x80  }
0x104: {  	[sflag:s26] =	ssyncset.done $0x0  }
0x105: {  	[sflag:s26] =	ssyncadd.s32 $0xFFFFFF80  }
0x106: {  	[spmem:s2] =	stream.indirect.scatter.add.f32 [tilespmem:s31], [sflag:$0x3], $0x80, s12, s29, $0xb8;
	[tilespmem:$0x1D580] =	vst v63  }
0x107: {  	_ =	swait.ge [sflag:s26], $0x4000  }
0x108: {  	[sflag:s26] =	ssyncset.done $0x0  }
0x109: {  	[sflag:s26] =	ssyncadd.s32 $0xFFFFC000  }
0x10a: {  	_ =	swait.ge [sflag:s30], $0x4000  }
0x10b: {  	[sflag:s30] =	ssyncset.done $0x0  }
0x10c: {  	s22 =	simm.s32 $0x680;
	[sflag:s30] =	ssyncadd.s32 $0xFFFFC000  }
0x10d: {  	[tilespmem:s31], [sflag:$0x2] =	stream.indirect.gather [hbm4b:s0+s29], $0x80, s22, s29, $0xb8;
	[tilespmem:$0x1D580] =	vst v63  }
0x10e: {  	_ = 	snop  }
0x10f: {  	[spmem:s4] =	stream.indirect.scatter.add.f32 [tilespmem:s3], [sflag:$0x3], $0x1, s16, s29, $0xb8;
	[tilespmem:$0x1D580] =	vst v63  }
0x110: {  	_ =	swait.ge [sflag:s26], $0x80  }
0x111: {  	[sflag:s26] =	ssyncset.done $0x0  }
0x112: {  	[sflag:s26] =	ssyncadd.s32 $0xFFFFFF80  }
0x113: {  	[spmem:s2] =	stream.indirect.scatter.add.f32 [tilespmem:s23], [sflag:$0x3], $0x80, s16, s29, $0xb8;
	[tilespmem:$0x1D580] =	vst v63  }
0x114: {  	_ =	swait.ge [sflag:s26], $0x4000  }
0x115: {  	[sflag:s26] =	ssyncset.done $0x0  }
0x116: {  	[sflag:s26] =	ssyncadd.s32 $0xFFFFC000  }
0x117: {  	_ =	swait.ge [sflag:s1], $0x4000  }
0x118: {  	[sflag:s1] =	ssyncset.done $0x0  }
0x119: {  	s22 =	simm.s32 $0x700;
	[sflag:s1] =	ssyncadd.s32 $0xFFFFC000  }
0x11a: {  	[tilespmem:s23], [sflag:$0x1] =	stream.indirect.gather [hbm4b:s0+s29], $0x80, s22, s29, $0xb8;
	[tilespmem:$0x1D580] =	vst v63  }
0x11b: {  	_ = 	snop  }
0x11c: {  	[spmem:s4] =	stream.indirect.scatter.add.f32 [tilespmem:s3], [sflag:$0x3], $0x1, s21, s29, $0xb8;
	[tilespmem:$0x1D580] =	vst v63  }
0x11d: {  	_ =	swait.ge [sflag:s26], $0x80  }
0x11e: {  	[sflag:s26] =	ssyncset.done $0x0  }
0x11f: {  	[sflag:s26] =	ssyncadd.s32 $0xFFFFFF80  }
0x120: {  	[spmem:s2] =	stream.indirect.scatter.add.f32 [tilespmem:s31], [sflag:$0x3], $0x80, s21, s29, $0xb8;
	[tilespmem:$0x1D580] =	vst v63  }
0x121: {  	_ =	swait.ge [sflag:s26], $0x4000  }
0x122: {  	[sflag:s26] =	ssyncset.done $0x0  }
0x123: {  	[sflag:s26] =	ssyncadd.s32 $0xFFFFC000  }
0x124: {  	_ =	swait.ge [sflag:s30], $0x4000  }
0x125: {  	[sflag:s30] =	ssyncset.done $0x0  }
0x126: {  	s22 =	simm.s32 $0x780;
	[sflag:s30] =	ssyncadd.s32 $0xFFFFC000  }
0x127: {  	[tilespmem:s31], [sflag:$0x2] =	stream.indirect.gather [hbm4b:s0+s29], $0x80, s22, s29, $0xb8;
	[tilespmem:$0x1D580] =	vst v63  }
0x128: {  	_ = 	snop  }
0x129: {  	[spmem:s4] =	stream.indirect.scatter.add.f32 [tilespmem:s3], [sflag:$0x3], $0x1, s25, s29, $0xb8;
	[tilespmem:$0x1D580] =	vst v63  }
0x12a: {  	_ =	swait.ge [sflag:s26], $0x80  }
0x12b: {  	[sflag:s26] =	ssyncset.done $0x0  }
0x12c: {  	[sflag:s26] =	ssyncadd.s32 $0xFFFFFF80  }
0x12d: {  	[spmem:s2] =	stream.indirect.scatter.add.f32 [tilespmem:s23], [sflag:$0x3], $0x80, s25, s29, $0xb8;
	[tilespmem:$0x1D580] =	vst v63  }
0x12e: {  	_ =	swait.ge [sflag:s26], $0x4000  }
0x12f: {  	[sflag:s26] =	ssyncset.done $0x0  }
0x130: {  	[sflag:s26] =	ssyncadd.s32 $0xFFFFC000  }
0x131: {  	_ =	swait.ge [sflag:s1], $0x4000  }
0x132: {  	[sflag:s1] =	ssyncset.done $0x0  }
0x133: {  	[sflag:s1] =	ssyncadd.s32 $0xFFFFC000  }
0x134: {  	[spmem:s4] =	stream.indirect.scatter.add.f32 [tilespmem:s3], [sflag:$0x3], $0x1, s8, s29, $0xb8;
	[tilespmem:$0x1D580] =	vst v63  }
0x135: {  	p2 =	slt.u32 @!p0 s18, $0x8;
	_ =	swait.ge [sflag:s26], $0x80  }
0x136: {  	p2 =	por p0, !p2;
	[sflag:s26] =	ssyncset.done $0x0  }
.Ltmp1:
0x137: {  	[sflag:s26] =	ssyncadd.s32 $0xFFFFFF80;
	(pc) =	sbr.rel @!p2 .LBB2_4-.Ltmp1, $4  }
0x138: {  	[spmem:s2] =	stream.indirect.scatter.add.f32 [tilespmem:s31], [sflag:$0x3], $0x80, s8, s29, $0xb8;
	[tilespmem:$0x1D580] =	vst v63  }
0x139: {  	_ =	swait.ge [sflag:s26], $0x4000  }
0x13a: {  	s18 =	sadd.s32 $0x1, s18;
	[sflag:s26] =	ssyncset.done $0x0  }
0x13b: {  	s11 =	sadd.s32 $0x100, s11;
	s14 =	sadd.s32 $0x100, s14;
	[sflag:s26] =	ssyncadd.s32 $0xFFFFC000  }
0x13c: {  	[bflag:$0x0] =	sbarrier.arrive $0xFFFF  }
0x13d: {  	s11 =	rddreg [dreg:$0x6]  }
0x13e: {  	s14 =	simm.s32 @p1 $0x1FC3;
	s18 =	rddreg [dreg:$0x17];
	s11 =	sadd.s32 @p1 $0x25800, s11  }
0x13f: {  	[hbm:s11], [sflag:s14] =	dma.local @p1 [spmem:s18], $0x1900  }
0x140: {  	s11 =	simm.s32 @p1 $0x3  }
0x141: {  	_ =	swait.ge @p1 [sflag:s11], $0x1900  }
0x142: {  	[sflag:s11] =	ssyncset.done @p1 $0x0  }
0x143: {  	s14 =	simm.s32 @p1 $0x9080;
	s18 =	rddreg [dreg:$0xa];
	[sflag:s11] =	ssyncadd.s32 @p1 $0xFFFFE700  }
0x144: {  	[tilespmem:s14], [sflag:$0x3] =	stream.linear.gather @p1 [spmem:s18], $0x190, $0x38;
	[tilespmem:$0x1D580] =	vst v63  }
0x145: {  	_ =	swait.ge @p1 [sflag:s11], $0x190  }
0x146: {  	[sflag:s11] =	ssyncset.done @p1 $0x0  }
0x147: {  	s18 =	simm.s32 @p1 $0x0;
	s22 =	rddreg [dreg:$0xb];
	[sflag:s11] =	ssyncadd.s32 @p1 $0xFFFFFE70  }
0x148: {  	[hbm4b:s22+s18] =	stream.linear.scatter @p1 [tilespmem:s14], [sflag:$0x3], $0x190, $0x38;
	[tilespmem:$0x1D580] =	vst v63  }
0x149: {  	s14 =	stileid.u32;
	_ =	swait.ge @p1 [sflag:s11], $0x190  }
0x14a: {  	s14 =	sshll.u32 @!p1 s14, $0x6;
	[sflag:s11] =	ssyncset.done @p1 $0x0  }
0x14b: {  	[sflag:s11] =	ssyncadd.s32 @p1 $0xFFFFFE70;
	s11 =	sor.u32 @!p1 $0x1C03, s14;
	s14 =	rddreg [dreg:$0x7]  }
0x14c: {  	s18 =	rddreg [dreg:$0x18];
	s14 =	sshrl.u32 @!p1 s14, $0x3  }
0x14d: {  	[hbm:s18], [sflag:s11] =	dma.local @!p1 [spmem:s14], $0x2800  }
0x14e: {  	s11 =	simm.s32 @!p1 $0x3  }
0x14f: {  	_ =	swait.ge @!p1 [sflag:s11], $0x2800  }
0x150: {  	[sflag:s11] =	ssyncset.done @!p1 $0x0  }
0x151: {  	s14 =	simm.s32 @!p1 $0x9080;
	s18 =	rddreg [dreg:$0x8];
	[sflag:s11] =	ssyncadd.s32 @!p1 $0xFFFFD800  }
0x152: {  	[tilespmem:s14], [sflag:$0x3] =	stream.linear.gather @!p1 [spmem:s18], $0x280, $0x38;
	[tilespmem:$0x1D580] =	vst v63  }
0x153: {  	_ =	swait.ge @!p1 [sflag:s11], $0x280  }
0x154: {  	[sflag:s11] =	ssyncset.done @!p1 $0x0  }
0x155: {  	s18 =	simm.s32 @!p1 $0x0;
	s22 =	rddreg [dreg:$0x9];
	[sflag:s11] =	ssyncadd.s32 @!p1 $0xFFFFFD80  }
0x156: {  	[hbm4b:s22+s18] =	stream.linear.scatter @!p1 [tilespmem:s14], [sflag:$0x3], $0x280, $0x38;
	[tilespmem:$0x1D580] =	vst v63  }
0x157: {  	_ =	swait.ge @!p1 [sflag:s11], $0x280  }
0x158: {  	s14 =	rddreg [dreg:$0x19]  }
0x159: {  	s18 =	rddreg [dreg:$0xc];
	s22 =	sadd.s32 $0x1, s14  }
0x15a: {  	p2 =	sne.s32 s22, s18  }
.Ltmp2:
0x15b: {  	_ = 	snop;
	(pc) =	sbr.rel @p2 .LBB2_1-.Ltmp2, $3  }
0x15c: {  	_ =	sdelay $0x1  }
0x15d: {  	[sflag:s11] =	ssyncset.done @!p1 $0x0  }
0x15e: {  	[sflag:s11] =	ssyncadd.s32 @!p1 $0xFFFFFD80  }
0x15f: {  	_ =	sfence.sel $0x180000  }
0x160: {  	[bflag:$0x0] =	sbarrier.arrive $0xFFFF  }
0x161: {  	_ =	strace $0x90000047  }
0x162: {  	s0 =	stileid.u32;
	[bflag:$0x2] =	sbarrier.arrive $0xFFFF  }
0x163: {  	p0 =	sne.s32 s0, $0x0;
	s0 =	rddreg [dreg:$0x5]  }
0x164: {  	s0 =	sadd.s32 @!p0 $0x100000, s0  }
0x165: {  	[sflag:s0] =	ssyncadd.tile.s32 @!p0 $0x1;
	_ =	shalt  }
.Lfunc_end2:
_tile_overlayer_lowered:
.L_overlay_start_2:
0x166: {  	(tag) =	ssettag $0x2  }
0x167: {  	s0 =	rddreg [dreg:$0x0];
	s2 =	stileid.u32  }
0x168: {  	s1 =	rddreg [dreg:$0x1];
	p0 =	sne.s32 s2, $0x0  }
0x169: {  	s3 =	rddreg [dreg:$0x2];
	[bflag:$0x3] =	sbarrier.arrive $0xFFFF;
	s2 =	simm.s32 @!p0 $0x1C03  }
0x16a: {  	[timem:s3], [sflag:s2] =	dma.local @!p0 [hbm:s0], s1  }
0x16b: {  	s0 =	simm.s32 @!p0 $0x3  }
0x16c: {  	_ =	swait.ge @!p0 [sflag:s0], s1  }
0x16d: {  	s1 =	ssub.s32 @!p0 $0x0, s1;
	[sflag:s0] =	ssyncset.done @!p0 $0x0  }
0x16e: {  	[sflag:s0] =	ssyncadd.s32 @!p0 s1  }
0x16f: {  	[bflag:$0x3] =	sbarrier.arrive $0xFFFF  }
0x170: {  	_ =	shalt  }

</sc_bundles>
